<compile_context>
chip_gen: v7x
topology: tpu7x:2x2x1
jax: 0.10.2.dev20260603
libtpu: 0.0.44.dev20260713+nightly
codegen_flags: <defaults>
</compile_context>

<pallas_src>
import jax
import jax.numpy as jnp
from jax import lax
from jax.experimental import pallas as pl
from jax.experimental.pallas import tpu as pltpu
from jax.experimental.pallas import tpu_sc as plsc

BS, S, H = 16, 2048, 1024
N_PARA, N_SENT = 8, 64
N_OUT = 5
L = 16
HC = H // L
NQ = N_SENT // L
SPW = N_SENT // 2
CHUNK = 8


def _sc_kernel_body(table, packed, wmat, out,
                    pk_v, w_v, wmat_v, rows_v, out_v, sem, sem2, wsem):
    c = lax.axis_index("c")
    s_id = lax.axis_index("s")
    b = s_id
    half = c

    wcp = pltpu.async_copy(wmat, wmat_v, wsem)
    pltpu.sync_copy(packed.at[b], pk_v)

    lane = lax.iota(jnp.int32, L)
    zero_f = jnp.zeros((L,), jnp.float32)
    zero_i = jnp.zeros((L,), jnp.int32)
    one_f = jnp.ones((L,), jnp.float32)

    hbase = half * SPW
    gcp0 = pltpu.async_copy(table.at[pk_v.at[pl.ds(hbase, SPW // 2)]],
                            rows_v.at[pl.ds(0, SPW // 2)], sem)
    gcp1 = pltpu.async_copy(table.at[pk_v.at[pl.ds(hbase + SPW // 2, SPW // 2)]],
                            rows_v.at[pl.ds(SPW // 2, SPW // 2)], sem2)

    off = jnp.full((L,), b * S, jnp.int32)
    sq = [pk_v[pl.ds(q * L, L)] - off for q in range(NQ)]
    w_q = [zero_f for _ in range(NQ)]
    n_valid = zero_f
    for p in range(N_PARA):
        hp = plsc.load_gather(pk_v, [jnp.full((L,), N_SENT + p, jnp.int32)])
        tp = plsc.load_gather(pk_v, [jnp.full((L,), N_SENT + N_PARA + p, jnp.int32)])
        ok = (tp - hp) > 2
        cnt = zero_i
        vcnt = zero_i
        ms = []
        for q in range(NQ):
            m = ok & (hp <= sq[q]) & (sq[q] <= tp)
            ms.append(m)
            cnt = cnt + plsc.all_reduce_population_count(m)
            vcnt = vcnt + plsc.all_reduce_population_count(m & (sq[q] != 0))
        valid_v = jnp.where(vcnt > 0, one_f, zero_f)
        contrib = valid_v / jnp.maximum(cnt.astype(jnp.float32), one_f)
        n_valid = n_valid + valid_v
        for q in range(NQ):
            w_q[q] = w_q[q] + ms[q].astype(jnp.float32) * contrib
    hv_v = jnp.where(n_valid > 0, one_f, zero_f)
    svec = hv_v / jnp.maximum(n_valid, one_f)
    base = (one_f - hv_v) * (1.0 / N_SENT)
    for q in range(NQ):
        w_v[pl.ds(q * L, L)] = w_q[q] * svec + base

    hoff = jnp.full((L,), hbase, jnp.int32)

    def make_hg_body(lo, hi):
        def hg_body(g, outs):
            def s_body(j, accs):
                wb = plsc.load_gather(w_v, [hoff + j])
                return tuple(
                    a + wb * rows_v[j, pl.ds((g * CHUNK + k) * L, L)]
                    for k, a in enumerate(accs)
                )
            accs = lax.fori_loop(lo, hi, s_body, (zero_f,) * CHUNK, unroll=2)
            for k in range(CHUNK):
                outs = tuple(
                    o + accs[k] * wmat_v[i, pl.ds((g * CHUNK + k) * L, L)]
                    for i, o in enumerate(outs)
                )
            return outs
        return hg_body

    gcp0.wait()
    wcp.wait()
    outs = lax.fori_loop(0, HC // CHUNK, make_hg_body(0, SPW // 2),
                         (zero_f,) * N_OUT)
    gcp1.wait()
    outs = lax.fori_loop(0, HC // CHUNK, make_hg_body(SPW // 2, SPW),
                         outs)

    res = zero_f
    for o in range(N_OUT):
        dvec = jnp.full((L,), jnp.sum(outs[o], axis=0), jnp.float32)
        res = res + jnp.where(lane == o, dvec, zero_f)
    out_v[...] = res
    pltpu.sync_copy(out_v, out.at[half * BS + b])


@jax.jit
def kernel(backbone_outputs, attention_mask, paragraph_head_idxs, paragraph_tail_idxs,
           paragraph_attention_mask, sentence_head_idxs, sentence_tail_idxs,
           sentence_attention_mask, W, b):
    del attention_mask, paragraph_attention_mask, sentence_tail_idxs, sentence_attention_mask
    table = backbone_outputs.reshape(BS * S, H)
    row_base = (jnp.arange(BS, dtype=jnp.int32) * S)[:, None]
    packed = jnp.concatenate(
        [sentence_head_idxs.astype(jnp.int32) + row_base,
         paragraph_head_idxs.astype(jnp.int32),
         paragraph_tail_idxs.astype(jnp.int32)], axis=1)

    mesh = plsc.VectorSubcoreMesh(core_axis_name="c", subcore_axis_name="s")
    out_pad = pl.kernel(
        _sc_kernel_body,
        mesh=mesh,
        compiler_params=pltpu.CompilerParams(
            needs_layout_passes=False,
            disable_bounds_checks=True,
            disable_semaphore_checks=True,
            skip_device_barrier=True,
        ),
        out_type=jax.ShapeDtypeStruct((2 * BS, L), jnp.float32),
        scratch_types=[
            pltpu.VMEM((N_SENT + L,), jnp.int32),
            pltpu.VMEM((N_SENT,), jnp.float32),
            pltpu.VMEM((N_OUT, H), jnp.float32),
            pltpu.VMEM((SPW, H), jnp.float32),
            pltpu.VMEM((L,), jnp.float32),
            pltpu.SemaphoreType.DMA,
            pltpu.SemaphoreType.DMA,
            pltpu.SemaphoreType.DMA,
        ],
    )(table, packed, W.astype(jnp.float32))
    halves = out_pad[:BS, :N_OUT] + out_pad[BS:, :N_OUT]
    return halves + b.astype(jnp.float32)[None, :]

# --- scband reference (transcript-rebuilt; emitter-appended) ---
"""Pipeline reference for scband-multi-scale-head-51677046505533 (READ-ONLY COPY).

The authoritative reference and input builder live on the scoring server;
editing this copy changes nothing except your own understanding.
"""

import jax, jax.numpy as jnp
import numpy as np

BS, S, H = 16, 2048, 1024
N_PARA, N_SENT = 8, 64


def setup_inputs(seed: int = 0) -> dict:
    key = jax.random.key(seed)
    ks = jax.random.split(key, 8)
    return {
        "backbone_outputs": jax.random.normal(ks[0], (BS, S, H), dtype=jnp.float32),
        "attention_mask": jnp.ones((BS, S), dtype=jnp.int32),
        "paragraph_head_idxs": jnp.sort(jax.random.randint(ks[1], (BS, N_PARA), 0, 512), axis=-1),
        "paragraph_tail_idxs": jnp.sort(jax.random.randint(ks[2], (BS, N_PARA), 0, 2048), axis=-1),
        "paragraph_attention_mask": jnp.ones((BS, N_PARA), dtype=jnp.float32),
        "sentence_head_idxs": jnp.sort(jax.random.randint(ks[3], (BS, N_SENT), 0, 2048), axis=-1),
        "sentence_tail_idxs": jnp.sort(jax.random.randint(ks[4], (BS, N_SENT), 0, 2048), axis=-1),
        "sentence_attention_mask": jnp.ones((BS, N_SENT), dtype=jnp.float32),
        "W": jax.random.normal(ks[5], (5, H), dtype=jnp.float32) * 0.02,
        "b": jnp.zeros((5,), dtype=jnp.float32),
    }


def _build_selection(p_head, p_tail, s_head):
    # Index logic mirrors the torch loop exactly (incl. tail-head<=2 skip and
    # .any() check) as fixed-shape boolean masks.
    para_ok = (p_tail - p_head) > 2  # [BS, N_PARA]
    in_range = (p_head[:, :, None] <= s_head[:, None, :]) & (s_head[:, None, :] <= p_tail[:, :, None])
    member = para_ok[:, :, None] & in_range  # [BS, N_PARA, N_SENT]
    valid = jnp.any(member & (s_head[:, None, :] != 0), axis=-1)  # [BS, N_PARA]
    return member, valid


def reference(backbone_outputs, attention_mask, paragraph_head_idxs, paragraph_tail_idxs,
              paragraph_attention_mask, sentence_head_idxs, sentence_tail_idxs,
              sentence_attention_mask, W, b):
    member, valid = _build_selection(paragraph_head_idxs, paragraph_tail_idxs, sentence_head_idxs)
    gathered = jnp.take_along_axis(backbone_outputs, sentence_head_idxs[:, :, None], axis=1)  # [BS, N_SENT, H]
    counts = jnp.sum(member, axis=-1).astype(jnp.float32)  # [BS, N_PARA]
    sent_sum = jnp.sum(jnp.where(member[..., None], gathered[:, None, :, :], 0.0), axis=2)  # [BS, N_PARA, H]
    sentence_reps = sent_sum / jnp.maximum(counts, 1.0)[..., None]  # [BS, N_PARA, H]
    v = valid.astype(jnp.float32)  # [BS, N_PARA]
    n_valid = jnp.sum(v, axis=-1)  # [BS]
    para_rep = jnp.sum(v[..., None] * sentence_reps, axis=1) / jnp.maximum(n_valid, 1.0)[..., None]  # [BS, H]
    # safety fallback so reference always executes (torch would crash here)
    fallback = jnp.mean(gathered, axis=1)  # [BS, H]
    final_features = jnp.where((n_valid > 0)[:, None], para_rep, fallback)  # [BS, H]
    return final_features @ W.T + b

if __name__ == "__main__":
    import jax
    _d = setup_inputs()
    print(jax.jit(kernel)(*tuple(_d.values())))

</pallas_src>

<mosaic_0001>
#map = affine_map<(d0, d1) -> (0, 0)>
module attributes {stable_mosaic.version = 14 : i64} {
  func.func @_sc_kernel_body(%arg0: i32, %arg1: i32, %arg2: memref<32768x1024xf32, #tpu.memory_space<hbm>>, %arg3: memref<16x80xi32, #tpu.memory_space<hbm>>, %arg4: memref<5x1024xf32, #tpu.memory_space<hbm>>, %arg5: memref<32x16xf32, #tpu.memory_space<hbm>>, %arg6: memref<80xi32, #tpu.memory_space<vmem>>, %arg7: memref<64xf32, #tpu.memory_space<vmem>>, %arg8: memref<5x1024xf32, #tpu.memory_space<vmem>>, %arg9: memref<32x1024xf32, #tpu.memory_space<vmem>>, %arg10: memref<16xf32, #tpu.memory_space<vmem>>, %arg11: memref<!tpu.dma_semaphore, #tpu.memory_space<semaphore_mem>>, %arg12: memref<!tpu.dma_semaphore, #tpu.memory_space<semaphore_mem>>, %arg13: memref<!tpu.dma_semaphore, #tpu.memory_space<semaphore_mem>>) attributes {dimension_semantics = [#tpu.dimension_semantics<core_parallel>, #tpu.dimension_semantics<subcore_parallel>], iteration_bounds = array<i64: 2, 16>, scalar_prefetch = 0 : i64, scratch_operands = 8 : i64, tpu.core_type = #tpu.core_type<sc_vector_subcore>, window_params = [{transform_indices = #map}, {transform_indices = #map}, {transform_indices = #map}, {transform_indices = #map}]} {
    tpu.enqueue_dma source(%arg4 : memref<5x1024xf32, #tpu.memory_space<hbm>>) target(%arg8 : memref<5x1024xf32, #tpu.memory_space<vmem>>) target_semaphore(%arg13 : memref<!tpu.dma_semaphore, #tpu.memory_space<semaphore_mem>>)
    "tpu.region"() ({
      %run_scoped3A = tpu.sem_alloc : memref<!tpu.dma_semaphore, #tpu.memory_space<semaphore_mem>>
      %dma_start3A_782 = arith.constant 0 : i32
      %dma_start3A_783 = tpu.memref_slice %arg3[%arg1, %dma_start3A_782] : memref<16x80xi32, #tpu.memory_space<hbm>> -> memref<1x80xi32, #tpu.memory_space<hbm>>
      %dma_start3A_784 = tpu.memref_squeeze %dma_start3A_783 : memref<1x80xi32, #tpu.memory_space<hbm>> -> memref<80xi32, #tpu.memory_space<hbm>>
      %dma_start3A_785 = arith.constant 0 : i32
      %dma_start3A_786 = tpu.memref_slice %arg3[%arg1, %dma_start3A_785] : memref<16x80xi32, #tpu.memory_space<hbm>> -> memref<1x80xi32, #tpu.memory_space<hbm>>
      %dma_start3A_787 = tpu.memref_squeeze %dma_start3A_786 : memref<1x80xi32, #tpu.memory_space<hbm>> -> memref<80xi32, #tpu.memory_space<hbm>>
      tpu.enqueue_dma source(%dma_start3A_787 : memref<80xi32, #tpu.memory_space<hbm>>) target(%arg6 : memref<80xi32, #tpu.memory_space<vmem>>) target_semaphore(%run_scoped3A : memref<!tpu.dma_semaphore, #tpu.memory_space<semaphore_mem>>)
      %dma_wait3A_788 = arith.constant 0 : i32
      %dma_wait3A_789 = tpu.memref_slice %arg3[%arg1, %dma_wait3A_788] : memref<16x80xi32, #tpu.memory_space<hbm>> -> memref<1x80xi32, #tpu.memory_space<hbm>>
      %dma_wait3A_790 = tpu.memref_squeeze %dma_wait3A_789 : memref<1x80xi32, #tpu.memory_space<hbm>> -> memref<80xi32, #tpu.memory_space<hbm>>
      %dma_wait3A_791 = arith.constant 0 : i32
      %dma_wait3A_792 = tpu.memref_slice %arg3[%arg1, %dma_wait3A_791] : memref<16x80xi32, #tpu.memory_space<hbm>> -> memref<1x80xi32, #tpu.memory_space<hbm>>
      %dma_wait3A_793 = tpu.memref_squeeze %dma_wait3A_792 : memref<1x80xi32, #tpu.memory_space<hbm>> -> memref<80xi32, #tpu.memory_space<hbm>>
      tpu.wait_dma2 semaphore(%run_scoped3A : memref<!tpu.dma_semaphore, #tpu.memory_space<semaphore_mem>>) src(%dma_wait3A_793 : memref<80xi32, #tpu.memory_space<hbm>>) dst(%arg6 : memref<80xi32, #tpu.memory_space<vmem>>)
      tpu.yield
    }) : () -> ()
    %iota3A = tpu.iota {dimensions = array<i32: 0>} : vector<16xi32>
    %broadcast_in_dim3A = arith.constant 0.000000e+00 : f32
    %broadcast_in_dim3A_0 = vector.broadcast %broadcast_in_dim3A : f32 to vector<16xf32>
    %broadcast_in_dim3A_1 = arith.constant 0 : i32
    %broadcast_in_dim3A_2 = vector.broadcast %broadcast_in_dim3A_1 : i32 to vector<16xi32>
    %broadcast_in_dim3A_3 = arith.constant 1.000000e+00 : f32
    %broadcast_in_dim3A_4 = vector.broadcast %broadcast_in_dim3A_3 : f32 to vector<16xf32>
    %mul3A = arith.constant 32 : i32
    %mul3A_5 = arith.muli %arg0, %mul3A : i32
    %dma_start3A = arith.constant 0 : i32
    %dma_start3A_6 = arith.constant 0 : i32
    %dma_start3A_7 = tpu.memref_slice %arg9[%dma_start3A, %dma_start3A_6] : memref<32x1024xf32, #tpu.memory_space<vmem>> -> memref<16x1024xf32, #tpu.memory_space<vmem>>
    %dma_start3A_8 = tpu.memref_slice %arg6[%mul3A_5] : memref<80xi32, #tpu.memory_space<vmem>> -> memref<16xi32, #tpu.memory_space<vmem>>
    %dma_start3A_9 = arith.constant 0 : i32
    %dma_start3A_10 = arith.constant 0 : i32
    %dma_start3A_11 = tpu.memref_slice %arg2[%dma_start3A_9, %dma_start3A_10] : memref<32768x1024xf32, #tpu.memory_space<hbm>> -> memref<32768x1024xf32, #tpu.memory_space<hbm>>
    tpu.enqueue_indirect_dma source(%dma_start3A_11 : memref<32768x1024xf32, #tpu.memory_space<hbm>>) target(%dma_start3A_7 : memref<16x1024xf32, #tpu.memory_space<vmem>>) offsets(%dma_start3A_8 : memref<16xi32, #tpu.memory_space<vmem>>) semaphore(%arg11 : memref<!tpu.dma_semaphore, #tpu.memory_space<semaphore_mem>>)
    %add3A = arith.constant 16 : i32
    %add3A_12 = arith.addi %mul3A_5, %add3A : i32
    %dma_start3A_13 = arith.constant 16 : i32
    %dma_start3A_14 = arith.constant 0 : i32
    %dma_start3A_15 = tpu.memref_slice %arg9[%dma_start3A_13, %dma_start3A_14] : memref<32x1024xf32, #tpu.memory_space<vmem>> -> memref<16x1024xf32, #tpu.memory_space<vmem>>
    %dma_start3A_16 = tpu.memref_slice %arg6[%add3A_12] : memref<80xi32, #tpu.memory_space<vmem>> -> memref<16xi32, #tpu.memory_space<vmem>>
    %dma_start3A_17 = arith.constant 0 : i32
    %dma_start3A_18 = arith.constant 0 : i32
    %dma_start3A_19 = tpu.memref_slice %arg2[%dma_start3A_17, %dma_start3A_18] : memref<32768x1024xf32, #tpu.memory_space<hbm>> -> memref<32768x1024xf32, #tpu.memory_space<hbm>>
    tpu.enqueue_indirect_dma source(%dma_start3A_19 : memref<32768x1024xf32, #tpu.memory_space<hbm>>) target(%dma_start3A_15 : memref<16x1024xf32, #tpu.memory_space<vmem>>) offsets(%dma_start3A_16 : memref<16xi32, #tpu.memory_space<vmem>>) semaphore(%arg12 : memref<!tpu.dma_semaphore, #tpu.memory_space<semaphore_mem>>)
    %mul3A_20 = arith.constant 2048 : i32
    %mul3A_21 = arith.muli %arg1, %mul3A_20 : i32
    %broadcast_in_dim3A_22 = vector.broadcast %mul3A_21 : i32 to vector<16xi32>
    %get3A = arith.constant 0 : index
    %get3A_23 = tpu.vector_load %arg6[%get3A] {strides = array<i32>} : memref<80xi32, #tpu.memory_space<vmem>>, vector<16xi32>,
    %sub3A = arith.subi %get3A_23, %broadcast_in_dim3A_22 : vector<16xi32>
    %get3A_24 = arith.constant 16 : index
    %get3A_25 = tpu.vector_load %arg6[%get3A_24] {strides = array<i32>} : memref<80xi32, #tpu.memory_space<vmem>>, vector<16xi32>,
    %sub3A_26 = arith.subi %get3A_25, %broadcast_in_dim3A_22 : vector<16xi32>
    %get3A_27 = arith.constant 32 : index
    %get3A_28 = tpu.vector_load %arg6[%get3A_27] {strides = array<i32>} : memref<80xi32, #tpu.memory_space<vmem>>, vector<16xi32>,
    %sub3A_29 = arith.subi %get3A_28, %broadcast_in_dim3A_22 : vector<16xi32>
    %get3A_30 = arith.constant 48 : index
    %get3A_31 = tpu.vector_load %arg6[%get3A_30] {strides = array<i32>} : memref<80xi32, #tpu.memory_space<vmem>>, vector<16xi32>,
    %sub3A_32 = arith.subi %get3A_31, %broadcast_in_dim3A_22 : vector<16xi32>
    %broadcast_in_dim3A_33 = arith.constant 64 : i32
    %broadcast_in_dim3A_34 = vector.broadcast %broadcast_in_dim3A_33 : i32 to vector<16xi32>
    %gather3A = tpu.vector_load_idx %arg6[%broadcast_in_dim3A_34] : memref<80xi32, #tpu.memory_space<vmem>>[vector<16xi32>], vector<16xi32>,
    %broadcast_in_dim3A_35 = arith.constant 72 : i32
    %broadcast_in_dim3A_36 = vector.broadcast %broadcast_in_dim3A_35 : i32 to vector<16xi32>
    %gather3A_37 = tpu.vector_load_idx %arg6[%broadcast_in_dim3A_36] : memref<80xi32, #tpu.memory_space<vmem>>[vector<16xi32>], vector<16xi32>,
    %sub3A_38 = arith.subi %gather3A_37, %gather3A : vector<16xi32>
    %gt3A = arith.constant 2 : i32
    %gt3A_39 = vector.broadcast %gt3A : i32 to vector<16xi32>
    %gt3A_40 = arith.cmpi sgt, %sub3A_38, %gt3A_39 : vector<16xi32>
    %le3A = arith.cmpi sle, %gather3A, %sub3A : vector<16xi32>
    %and3A = arith.andi %gt3A_40, %le3A : vector<16xi1>
    %le3A_41 = arith.cmpi sle, %sub3A, %gather3A_37 : vector<16xi32>
    %and3A_42 = arith.andi %and3A, %le3A_41 : vector<16xi1>
    %all_reduce_population_count3A = tpu.all_reduce %and3A_42 {dim = 0 : i64, kind = #tpu.reduction_kind<sum>} : vector<16xi1> -> vector<16xi32>
    %add3A_43 = arith.addi %broadcast_in_dim3A_2, %all_reduce_population_count3A : vector<16xi32>
    %ne3A = arith.constant 0 : i32
    %ne3A_44 = vector.broadcast %ne3A : i32 to vector<16xi32>
    %ne3A_45 = arith.cmpi ne, %sub3A, %ne3A_44 : vector<16xi32>
    %and3A_46 = arith.andi %and3A_42, %ne3A_45 : vector<16xi1>
    %all_reduce_population_count3A_47 = tpu.all_reduce %and3A_46 {dim = 0 : i64, kind = #tpu.reduction_kind<sum>} : vector<16xi1> -> vector<16xi32>
    %add3A_48 = arith.addi %broadcast_in_dim3A_2, %all_reduce_population_count3A_47 : vector<16xi32>
    %le3A_49 = arith.cmpi sle, %gather3A, %sub3A_26 : vector<16xi32>
    %and3A_50 = arith.andi %gt3A_40, %le3A_49 : vector<16xi1>
    %le3A_51 = arith.cmpi sle, %sub3A_26, %gather3A_37 : vector<16xi32>
    %and3A_52 = arith.andi %and3A_50, %le3A_51 : vector<16xi1>
    %all_reduce_population_count3A_53 = tpu.all_reduce %and3A_52 {dim = 0 : i64, kind = #tpu.reduction_kind<sum>} : vector<16xi1> -> vector<16xi32>
    %add3A_54 = arith.addi %add3A_43, %all_reduce_population_count3A_53 : vector<16xi32>
    %ne3A_55 = arith.constant 0 : i32
    %ne3A_56 = vector.broadcast %ne3A_55 : i32 to vector<16xi32>
    %ne3A_57 = arith.cmpi ne, %sub3A_26, %ne3A_56 : vector<16xi32>
    %and3A_58 = arith.andi %and3A_52, %ne3A_57 : vector<16xi1>
    %all_reduce_population_count3A_59 = tpu.all_reduce %and3A_58 {dim = 0 : i64, kind = #tpu.reduction_kind<sum>} : vector<16xi1> -> vector<16xi32>
    %add3A_60 = arith.addi %add3A_48, %all_reduce_population_count3A_59 : vector<16xi32>
    %le3A_61 = arith.cmpi sle, %gather3A, %sub3A_29 : vector<16xi32>
    %and3A_62 = arith.andi %gt3A_40, %le3A_61 : vector<16xi1>
    %le3A_63 = arith.cmpi sle, %sub3A_29, %gather3A_37 : vector<16xi32>
    %and3A_64 = arith.andi %and3A_62, %le3A_63 : vector<16xi1>
    %all_reduce_population_count3A_65 = tpu.all_reduce %and3A_64 {dim = 0 : i64, kind = #tpu.reduction_kind<sum>} : vector<16xi1> -> vector<16xi32>
    %add3A_66 = arith.addi %add3A_54, %all_reduce_population_count3A_65 : vector<16xi32>
    %ne3A_67 = arith.constant 0 : i32
    %ne3A_68 = vector.broadcast %ne3A_67 : i32 to vector<16xi32>
    %ne3A_69 = arith.cmpi ne, %sub3A_29, %ne3A_68 : vector<16xi32>
    %and3A_70 = arith.andi %and3A_64, %ne3A_69 : vector<16xi1>
    %all_reduce_population_count3A_71 = tpu.all_reduce %and3A_70 {dim = 0 : i64, kind = #tpu.reduction_kind<sum>} : vector<16xi1> -> vector<16xi32>
    %add3A_72 = arith.addi %add3A_60, %all_reduce_population_count3A_71 : vector<16xi32>
    %le3A_73 = arith.cmpi sle, %gather3A, %sub3A_32 : vector<16xi32>
    %and3A_74 = arith.andi %gt3A_40, %le3A_73 : vector<16xi1>
    %le3A_75 = arith.cmpi sle, %sub3A_32, %gather3A_37 : vector<16xi32>
    %and3A_76 = arith.andi %and3A_74, %le3A_75 : vector<16xi1>
    %all_reduce_population_count3A_77 = tpu.all_reduce %and3A_76 {dim = 0 : i64, kind = #tpu.reduction_kind<sum>} : vector<16xi1> -> vector<16xi32>
    %add3A_78 = arith.addi %add3A_66, %all_reduce_population_count3A_77 : vector<16xi32>
    %ne3A_79 = arith.constant 0 : i32
    %ne3A_80 = vector.broadcast %ne3A_79 : i32 to vector<16xi32>
    %ne3A_81 = arith.cmpi ne, %sub3A_32, %ne3A_80 : vector<16xi32>
    %and3A_82 = arith.andi %and3A_76, %ne3A_81 : vector<16xi1>
    %all_reduce_population_count3A_83 = tpu.all_reduce %and3A_82 {dim = 0 : i64, kind = #tpu.reduction_kind<sum>} : vector<16xi1> -> vector<16xi32>
    %add3A_84 = arith.addi %add3A_72, %all_reduce_population_count3A_83 : vector<16xi32>
    %gt3A_85 = arith.constant 0 : i32
    %gt3A_86 = vector.broadcast %gt3A_85 : i32 to vector<16xi32>
    %gt3A_87 = arith.cmpi sgt, %add3A_84, %gt3A_86 : vector<16xi32>
    %select_n3A = arith.select %gt3A_87, %broadcast_in_dim3A_4, %broadcast_in_dim3A_0 : vector<16xi1>, vector<16xf32>
    %convert_element_type3A = arith.sitofp %add3A_78 : vector<16xi32> to vector<16xf32>
    %max3A = arith.maximumf %convert_element_type3A, %broadcast_in_dim3A_4 : vector<16xf32>
    %div3A = arith.divf %select_n3A, %max3A : vector<16xf32>
    %add3A_88 = arith.addf %broadcast_in_dim3A_0, %select_n3A : vector<16xf32>
    %convert_element_type3A_89 = arith.extui %and3A_42 : vector<16xi1> to vector<16xi32>
    %convert_element_type3A_90 = arith.sitofp %convert_element_type3A_89 : vector<16xi32> to vector<16xf32>
    %mul3A_91 = arith.mulf %convert_element_type3A_90, %div3A : vector<16xf32>
    %add3A_92 = arith.addf %broadcast_in_dim3A_0, %mul3A_91 : vector<16xf32>
    %convert_element_type3A_93 = arith.extui %and3A_52 : vector<16xi1> to vector<16xi32>
    %convert_element_type3A_94 = arith.sitofp %convert_element_type3A_93 : vector<16xi32> to vector<16xf32>
    %mul3A_95 = arith.mulf %convert_element_type3A_94, %div3A : vector<16xf32>
    %add3A_96 = arith.addf %broadcast_in_dim3A_0, %mul3A_95 : vector<16xf32>
    %convert_element_type3A_97 = arith.extui %and3A_64 : vector<16xi1> to vector<16xi32>
    %convert_element_type3A_98 = arith.sitofp %convert_element_type3A_97 : vector<16xi32> to vector<16xf32>
    %mul3A_99 = arith.mulf %convert_element_type3A_98, %div3A : vector<16xf32>
    %add3A_100 = arith.addf %broadcast_in_dim3A_0, %mul3A_99 : vector<16xf32>
    %convert_element_type3A_101 = arith.extui %and3A_76 : vector<16xi1> to vector<16xi32>
    %convert_element_type3A_102 = arith.sitofp %convert_element_type3A_101 : vector<16xi32> to vector<16xf32>
    %mul3A_103 = arith.mulf %convert_element_type3A_102, %div3A : vector<16xf32>
    %add3A_104 = arith.addf %broadcast_in_dim3A_0, %mul3A_103 : vector<16xf32>
    %broadcast_in_dim3A_105 = arith.constant 65 : i32
    %broadcast_in_dim3A_106 = vector.broadcast %broadcast_in_dim3A_105 : i32 to vector<16xi32>
    %gather3A_107 = tpu.vector_load_idx %arg6[%broadcast_in_dim3A_106] : memref<80xi32, #tpu.memory_space<vmem>>[vector<16xi32>], vector<16xi32>,
    %broadcast_in_dim3A_108 = arith.constant 73 : i32
    %broadcast_in_dim3A_109 = vector.broadcast %broadcast_in_dim3A_108 : i32 to vector<16xi32>
    %gather3A_110 = tpu.vector_load_idx %arg6[%broadcast_in_dim3A_109] : memref<80xi32, #tpu.memory_space<vmem>>[vector<16xi32>], vector<16xi32>,
    %sub3A_111 = arith.subi %gather3A_110, %gather3A_107 : vector<16xi32>
    %gt3A_112 = arith.constant 2 : i32
    %gt3A_113 = vector.broadcast %gt3A_112 : i32 to vector<16xi32>
    %gt3A_114 = arith.cmpi sgt, %sub3A_111, %gt3A_113 : vector<16xi32>
    %le3A_115 = arith.cmpi sle, %gather3A_107, %sub3A : vector<16xi32>
    %and3A_116 = arith.andi %gt3A_114, %le3A_115 : vector<16xi1>
    %le3A_117 = arith.cmpi sle, %sub3A, %gather3A_110 : vector<16xi32>
    %and3A_118 = arith.andi %and3A_116, %le3A_117 : vector<16xi1>
    %all_reduce_population_count3A_119 = tpu.all_reduce %and3A_118 {dim = 0 : i64, kind = #tpu.reduction_kind<sum>} : vector<16xi1> -> vector<16xi32>
    %add3A_120 = arith.addi %broadcast_in_dim3A_2, %all_reduce_population_count3A_119 : vector<16xi32>
    %ne3A_121 = arith.constant 0 : i32
    %ne3A_122 = vector.broadcast %ne3A_121 : i32 to vector<16xi32>
    %ne3A_123 = arith.cmpi ne, %sub3A, %ne3A_122 : vector<16xi32>
    %and3A_124 = arith.andi %and3A_118, %ne3A_123 : vector<16xi1>
    %all_reduce_population_count3A_125 = tpu.all_reduce %and3A_124 {dim = 0 : i64, kind = #tpu.reduction_kind<sum>} : vector<16xi1> -> vector<16xi32>
    %add3A_126 = arith.addi %broadcast_in_dim3A_2, %all_reduce_population_count3A_125 : vector<16xi32>
    %le3A_127 = arith.cmpi sle, %gather3A_107, %sub3A_26 : vector<16xi32>
    %and3A_128 = arith.andi %gt3A_114, %le3A_127 : vector<16xi1>
    %le3A_129 = arith.cmpi sle, %sub3A_26, %gather3A_110 : vector<16xi32>
    %and3A_130 = arith.andi %and3A_128, %le3A_129 : vector<16xi1>
    %all_reduce_population_count3A_131 = tpu.all_reduce %and3A_130 {dim = 0 : i64, kind = #tpu.reduction_kind<sum>} : vector<16xi1> -> vector<16xi32>
    %add3A_132 = arith.addi %add3A_120, %all_reduce_population_count3A_131 : vector<16xi32>
    %ne3A_133 = arith.constant 0 : i32
    %ne3A_134 = vector.broadcast %ne3A_133 : i32 to vector<16xi32>
    %ne3A_135 = arith.cmpi ne, %sub3A_26, %ne3A_134 : vector<16xi32>
    %and3A_136 = arith.andi %and3A_130, %ne3A_135 : vector<16xi1>
    %all_reduce_population_count3A_137 = tpu.all_reduce %and3A_136 {dim = 0 : i64, kind = #tpu.reduction_kind<sum>} : vector<16xi1> -> vector<16xi32>
    %add3A_138 = arith.addi %add3A_126, %all_reduce_population_count3A_137 : vector<16xi32>
    %le3A_139 = arith.cmpi sle, %gather3A_107, %sub3A_29 : vector<16xi32>
    %and3A_140 = arith.andi %gt3A_114, %le3A_139 : vector<16xi1>
    %le3A_141 = arith.cmpi sle, %sub3A_29, %gather3A_110 : vector<16xi32>
    %and3A_142 = arith.andi %and3A_140, %le3A_141 : vector<16xi1>
    %all_reduce_population_count3A_143 = tpu.all_reduce %and3A_142 {dim = 0 : i64, kind = #tpu.reduction_kind<sum>} : vector<16xi1> -> vector<16xi32>
    %add3A_144 = arith.addi %add3A_132, %all_reduce_population_count3A_143 : vector<16xi32>
    %ne3A_145 = arith.constant 0 : i32
    %ne3A_146 = vector.broadcast %ne3A_145 : i32 to vector<16xi32>
    %ne3A_147 = arith.cmpi ne, %sub3A_29, %ne3A_146 : vector<16xi32>
    %and3A_148 = arith.andi %and3A_142, %ne3A_147 : vector<16xi1>
    %all_reduce_population_count3A_149 = tpu.all_reduce %and3A_148 {dim = 0 : i64, kind = #tpu.reduction_kind<sum>} : vector<16xi1> -> vector<16xi32>
    %add3A_150 = arith.addi %add3A_138, %all_reduce_population_count3A_149 : vector<16xi32>
    %le3A_151 = arith.cmpi sle, %gather3A_107, %sub3A_32 : vector<16xi32>
    %and3A_152 = arith.andi %gt3A_114, %le3A_151 : vector<16xi1>
    %le3A_153 = arith.cmpi sle, %sub3A_32, %gather3A_110 : vector<16xi32>
    %and3A_154 = arith.andi %and3A_152, %le3A_153 : vector<16xi1>
    %all_reduce_population_count3A_155 = tpu.all_reduce %and3A_154 {dim = 0 : i64, kind = #tpu.reduction_kind<sum>} : vector<16xi1> -> vector<16xi32>
    %add3A_156 = arith.addi %add3A_144, %all_reduce_population_count3A_155 : vector<16xi32>
    %ne3A_157 = arith.constant 0 : i32
    %ne3A_158 = vector.broadcast %ne3A_157 : i32 to vector<16xi32>
    %ne3A_159 = arith.cmpi ne, %sub3A_32, %ne3A_158 : vector<16xi32>
    %and3A_160 = arith.andi %and3A_154, %ne3A_159 : vector<16xi1>
    %all_reduce_population_count3A_161 = tpu.all_reduce %and3A_160 {dim = 0 : i64, kind = #tpu.reduction_kind<sum>} : vector<16xi1> -> vector<16xi32>
    %add3A_162 = arith.addi %add3A_150, %all_reduce_population_count3A_161 : vector<16xi32>
    %gt3A_163 = arith.constant 0 : i32
    %gt3A_164 = vector.broadcast %gt3A_163 : i32 to vector<16xi32>
    %gt3A_165 = arith.cmpi sgt, %add3A_162, %gt3A_164 : vector<16xi32>
    %select_n3A_166 = arith.select %gt3A_165, %broadcast_in_dim3A_4, %broadcast_in_dim3A_0 : vector<16xi1>, vector<16xf32>
    %convert_element_type3A_167 = arith.sitofp %add3A_156 : vector<16xi32> to vector<16xf32>
    %max3A_168 = arith.maximumf %convert_element_type3A_167, %broadcast_in_dim3A_4 : vector<16xf32>
    %div3A_169 = arith.divf %select_n3A_166, %max3A_168 : vector<16xf32>
    %add3A_170 = arith.addf %add3A_88, %select_n3A_166 : vector<16xf32>
    %convert_element_type3A_171 = arith.extui %and3A_118 : vector<16xi1> to vector<16xi32>
    %convert_element_type3A_172 = arith.sitofp %convert_element_type3A_171 : vector<16xi32> to vector<16xf32>
    %mul3A_173 = arith.mulf %convert_element_type3A_172, %div3A_169 : vector<16xf32>
    %add3A_174 = arith.addf %add3A_92, %mul3A_173 : vector<16xf32>
    %convert_element_type3A_175 = arith.extui %and3A_130 : vector<16xi1> to vector<16xi32>
    %convert_element_type3A_176 = arith.sitofp %convert_element_type3A_175 : vector<16xi32> to vector<16xf32>
    %mul3A_177 = arith.mulf %convert_element_type3A_176, %div3A_169 : vector<16xf32>
    %add3A_178 = arith.addf %add3A_96, %mul3A_177 : vector<16xf32>
    %convert_element_type3A_179 = arith.extui %and3A_142 : vector<16xi1> to vector<16xi32>
    %convert_element_type3A_180 = arith.sitofp %convert_element_type3A_179 : vector<16xi32> to vector<16xf32>
    %mul3A_181 = arith.mulf %convert_element_type3A_180, %div3A_169 : vector<16xf32>
    %add3A_182 = arith.addf %add3A_100, %mul3A_181 : vector<16xf32>
    %convert_element_type3A_183 = arith.extui %and3A_154 : vector<16xi1> to vector<16xi32>
    %convert_element_type3A_184 = arith.sitofp %convert_element_type3A_183 : vector<16xi32> to vector<16xf32>
    %mul3A_185 = arith.mulf %convert_element_type3A_184, %div3A_169 : vector<16xf32>
    %add3A_186 = arith.addf %add3A_104, %mul3A_185 : vector<16xf32>
    %broadcast_in_dim3A_187 = arith.constant 66 : i32
    %broadcast_in_dim3A_188 = vector.broadcast %broadcast_in_dim3A_187 : i32 to vector<16xi32>
    %gather3A_189 = tpu.vector_load_idx %arg6[%broadcast_in_dim3A_188] : memref<80xi32, #tpu.memory_space<vmem>>[vector<16xi32>], vector<16xi32>,
    %broadcast_in_dim3A_190 = arith.constant 74 : i32
    %broadcast_in_dim3A_191 = vector.broadcast %broadcast_in_dim3A_190 : i32 to vector<16xi32>
    %gather3A_192 = tpu.vector_load_idx %arg6[%broadcast_in_dim3A_191] : memref<80xi32, #tpu.memory_space<vmem>>[vector<16xi32>], vector<16xi32>,
    %sub3A_193 = arith.subi %gather3A_192, %gather3A_189 : vector<16xi32>
    %gt3A_194 = arith.constant 2 : i32
    %gt3A_195 = vector.broadcast %gt3A_194 : i32 to vector<16xi32>
    %gt3A_196 = arith.cmpi sgt, %sub3A_193, %gt3A_195 : vector<16xi32>
    %le3A_197 = arith.cmpi sle, %gather3A_189, %sub3A : vector<16xi32>
    %and3A_198 = arith.andi %gt3A_196, %le3A_197 : vector<16xi1>
    %le3A_199 = arith.cmpi sle, %sub3A, %gather3A_192 : vector<16xi32>
    %and3A_200 = arith.andi %and3A_198, %le3A_199 : vector<16xi1>
    %all_reduce_population_count3A_201 = tpu.all_reduce %and3A_200 {dim = 0 : i64, kind = #tpu.reduction_kind<sum>} : vector<16xi1> -> vector<16xi32>
    %add3A_202 = arith.addi %broadcast_in_dim3A_2, %all_reduce_population_count3A_201 : vector<16xi32>
    %ne3A_203 = arith.constant 0 : i32
    %ne3A_204 = vector.broadcast %ne3A_203 : i32 to vector<16xi32>
    %ne3A_205 = arith.cmpi ne, %sub3A, %ne3A_204 : vector<16xi32>
    %and3A_206 = arith.andi %and3A_200, %ne3A_205 : vector<16xi1>
    %all_reduce_population_count3A_207 = tpu.all_reduce %and3A_206 {dim = 0 : i64, kind = #tpu.reduction_kind<sum>} : vector<16xi1> -> vector<16xi32>
    %add3A_208 = arith.addi %broadcast_in_dim3A_2, %all_reduce_population_count3A_207 : vector<16xi32>
    %le3A_209 = arith.cmpi sle, %gather3A_189, %sub3A_26 : vector<16xi32>
    %and3A_210 = arith.andi %gt3A_196, %le3A_209 : vector<16xi1>
    %le3A_211 = arith.cmpi sle, %sub3A_26, %gather3A_192 : vector<16xi32>
    %and3A_212 = arith.andi %and3A_210, %le3A_211 : vector<16xi1>
    %all_reduce_population_count3A_213 = tpu.all_reduce %and3A_212 {dim = 0 : i64, kind = #tpu.reduction_kind<sum>} : vector<16xi1> -> vector<16xi32>
    %add3A_214 = arith.addi %add3A_202, %all_reduce_population_count3A_213 : vector<16xi32>
    %ne3A_215 = arith.constant 0 : i32
    %ne3A_216 = vector.broadcast %ne3A_215 : i32 to vector<16xi32>
    %ne3A_217 = arith.cmpi ne, %sub3A_26, %ne3A_216 : vector<16xi32>
    %and3A_218 = arith.andi %and3A_212, %ne3A_217 : vector<16xi1>
    %all_reduce_population_count3A_219 = tpu.all_reduce %and3A_218 {dim = 0 : i64, kind = #tpu.reduction_kind<sum>} : vector<16xi1> -> vector<16xi32>
    %add3A_220 = arith.addi %add3A_208, %all_reduce_population_count3A_219 : vector<16xi32>
    %le3A_221 = arith.cmpi sle, %gather3A_189, %sub3A_29 : vector<16xi32>
    %and3A_222 = arith.andi %gt3A_196, %le3A_221 : vector<16xi1>
    %le3A_223 = arith.cmpi sle, %sub3A_29, %gather3A_192 : vector<16xi32>
    %and3A_224 = arith.andi %and3A_222, %le3A_223 : vector<16xi1>
    %all_reduce_population_count3A_225 = tpu.all_reduce %and3A_224 {dim = 0 : i64, kind = #tpu.reduction_kind<sum>} : vector<16xi1> -> vector<16xi32>
    %add3A_226 = arith.addi %add3A_214, %all_reduce_population_count3A_225 : vector<16xi32>
    %ne3A_227 = arith.constant 0 : i32
    %ne3A_228 = vector.broadcast %ne3A_227 : i32 to vector<16xi32>
    %ne3A_229 = arith.cmpi ne, %sub3A_29, %ne3A_228 : vector<16xi32>
    %and3A_230 = arith.andi %and3A_224, %ne3A_229 : vector<16xi1>
    %all_reduce_population_count3A_231 = tpu.all_reduce %and3A_230 {dim = 0 : i64, kind = #tpu.reduction_kind<sum>} : vector<16xi1> -> vector<16xi32>
    %add3A_232 = arith.addi %add3A_220, %all_reduce_population_count3A_231 : vector<16xi32>
    %le3A_233 = arith.cmpi sle, %gather3A_189, %sub3A_32 : vector<16xi32>
    %and3A_234 = arith.andi %gt3A_196, %le3A_233 : vector<16xi1>
    %le3A_235 = arith.cmpi sle, %sub3A_32, %gather3A_192 : vector<16xi32>
    %and3A_236 = arith.andi %and3A_234, %le3A_235 : vector<16xi1>
    %all_reduce_population_count3A_237 = tpu.all_reduce %and3A_236 {dim = 0 : i64, kind = #tpu.reduction_kind<sum>} : vector<16xi1> -> vector<16xi32>
    %add3A_238 = arith.addi %add3A_226, %all_reduce_population_count3A_237 : vector<16xi32>
    %ne3A_239 = arith.constant 0 : i32
    %ne3A_240 = vector.broadcast %ne3A_239 : i32 to vector<16xi32>
    %ne3A_241 = arith.cmpi ne, %sub3A_32, %ne3A_240 : vector<16xi32>
    %and3A_242 = arith.andi %and3A_236, %ne3A_241 : vector<16xi1>
    %all_reduce_population_count3A_243 = tpu.all_reduce %and3A_242 {dim = 0 : i64, kind = #tpu.reduction_kind<sum>} : vector<16xi1> -> vector<16xi32>
    %add3A_244 = arith.addi %add3A_232, %all_reduce_population_count3A_243 : vector<16xi32>
    %gt3A_245 = arith.constant 0 : i32
    %gt3A_246 = vector.broadcast %gt3A_245 : i32 to vector<16xi32>
    %gt3A_247 = arith.cmpi sgt, %add3A_244, %gt3A_246 : vector<16xi32>
    %select_n3A_248 = arith.select %gt3A_247, %broadcast_in_dim3A_4, %broadcast_in_dim3A_0 : vector<16xi1>, vector<16xf32>
    %convert_element_type3A_249 = arith.sitofp %add3A_238 : vector<16xi32> to vector<16xf32>
    %max3A_250 = arith.maximumf %convert_element_type3A_249, %broadcast_in_dim3A_4 : vector<16xf32>
    %div3A_251 = arith.divf %select_n3A_248, %max3A_250 : vector<16xf32>
    %add3A_252 = arith.addf %add3A_170, %select_n3A_248 : vector<16xf32>
    %convert_element_type3A_253 = arith.extui %and3A_200 : vector<16xi1> to vector<16xi32>
    %convert_element_type3A_254 = arith.sitofp %convert_element_type3A_253 : vector<16xi32> to vector<16xf32>
    %mul3A_255 = arith.mulf %convert_element_type3A_254, %div3A_251 : vector<16xf32>
    %add3A_256 = arith.addf %add3A_174, %mul3A_255 : vector<16xf32>
    %convert_element_type3A_257 = arith.extui %and3A_212 : vector<16xi1> to vector<16xi32>
    %convert_element_type3A_258 = arith.sitofp %convert_element_type3A_257 : vector<16xi32> to vector<16xf32>
    %mul3A_259 = arith.mulf %convert_element_type3A_258, %div3A_251 : vector<16xf32>
    %add3A_260 = arith.addf %add3A_178, %mul3A_259 : vector<16xf32>
    %convert_element_type3A_261 = arith.extui %and3A_224 : vector<16xi1> to vector<16xi32>
    %convert_element_type3A_262 = arith.sitofp %convert_element_type3A_261 : vector<16xi32> to vector<16xf32>
    %mul3A_263 = arith.mulf %convert_element_type3A_262, %div3A_251 : vector<16xf32>
    %add3A_264 = arith.addf %add3A_182, %mul3A_263 : vector<16xf32>
    %convert_element_type3A_265 = arith.extui %and3A_236 : vector<16xi1> to vector<16xi32>
    %convert_element_type3A_266 = arith.sitofp %convert_element_type3A_265 : vector<16xi32> to vector<16xf32>
    %mul3A_267 = arith.mulf %convert_element_type3A_266, %div3A_251 : vector<16xf32>
    %add3A_268 = arith.addf %add3A_186, %mul3A_267 : vector<16xf32>
    %broadcast_in_dim3A_269 = arith.constant 67 : i32
    %broadcast_in_dim3A_270 = vector.broadcast %broadcast_in_dim3A_269 : i32 to vector<16xi32>
    %gather3A_271 = tpu.vector_load_idx %arg6[%broadcast_in_dim3A_270] : memref<80xi32, #tpu.memory_space<vmem>>[vector<16xi32>], vector<16xi32>,
    %broadcast_in_dim3A_272 = arith.constant 75 : i32
    %broadcast_in_dim3A_273 = vector.broadcast %broadcast_in_dim3A_272 : i32 to vector<16xi32>
    %gather3A_274 = tpu.vector_load_idx %arg6[%broadcast_in_dim3A_273] : memref<80xi32, #tpu.memory_space<vmem>>[vector<16xi32>], vector<16xi32>,
    %sub3A_275 = arith.subi %gather3A_274, %gather3A_271 : vector<16xi32>
    %gt3A_276 = arith.constant 2 : i32
    %gt3A_277 = vector.broadcast %gt3A_276 : i32 to vector<16xi32>
    %gt3A_278 = arith.cmpi sgt, %sub3A_275, %gt3A_277 : vector<16xi32>
    %le3A_279 = arith.cmpi sle, %gather3A_271, %sub3A : vector<16xi32>
    %and3A_280 = arith.andi %gt3A_278, %le3A_279 : vector<16xi1>
    %le3A_281 = arith.cmpi sle, %sub3A, %gather3A_274 : vector<16xi32>
    %and3A_282 = arith.andi %and3A_280, %le3A_281 : vector<16xi1>
    %all_reduce_population_count3A_283 = tpu.all_reduce %and3A_282 {dim = 0 : i64, kind = #tpu.reduction_kind<sum>} : vector<16xi1> -> vector<16xi32>
    %add3A_284 = arith.addi %broadcast_in_dim3A_2, %all_reduce_population_count3A_283 : vector<16xi32>
    %ne3A_285 = arith.constant 0 : i32
    %ne3A_286 = vector.broadcast %ne3A_285 : i32 to vector<16xi32>
    %ne3A_287 = arith.cmpi ne, %sub3A, %ne3A_286 : vector<16xi32>
    %and3A_288 = arith.andi %and3A_282, %ne3A_287 : vector<16xi1>
    %all_reduce_population_count3A_289 = tpu.all_reduce %and3A_288 {dim = 0 : i64, kind = #tpu.reduction_kind<sum>} : vector<16xi1> -> vector<16xi32>
    %add3A_290 = arith.addi %broadcast_in_dim3A_2, %all_reduce_population_count3A_289 : vector<16xi32>
    %le3A_291 = arith.cmpi sle, %gather3A_271, %sub3A_26 : vector<16xi32>
    %and3A_292 = arith.andi %gt3A_278, %le3A_291 : vector<16xi1>
    %le3A_293 = arith.cmpi sle, %sub3A_26, %gather3A_274 : vector<16xi32>
    %and3A_294 = arith.andi %and3A_292, %le3A_293 : vector<16xi1>
    %all_reduce_population_count3A_295 = tpu.all_reduce %and3A_294 {dim = 0 : i64, kind = #tpu.reduction_kind<sum>} : vector<16xi1> -> vector<16xi32>
    %add3A_296 = arith.addi %add3A_284, %all_reduce_population_count3A_295 : vector<16xi32>
    %ne3A_297 = arith.constant 0 : i32
    %ne3A_298 = vector.broadcast %ne3A_297 : i32 to vector<16xi32>
    %ne3A_299 = arith.cmpi ne, %sub3A_26, %ne3A_298 : vector<16xi32>
    %and3A_300 = arith.andi %and3A_294, %ne3A_299 : vector<16xi1>
    %all_reduce_population_count3A_301 = tpu.all_reduce %and3A_300 {dim = 0 : i64, kind = #tpu.reduction_kind<sum>} : vector<16xi1> -> vector<16xi32>
    %add3A_302 = arith.addi %add3A_290, %all_reduce_population_count3A_301 : vector<16xi32>
    %le3A_303 = arith.cmpi sle, %gather3A_271, %sub3A_29 : vector<16xi32>
    %and3A_304 = arith.andi %gt3A_278, %le3A_303 : vector<16xi1>
    %le3A_305 = arith.cmpi sle, %sub3A_29, %gather3A_274 : vector<16xi32>
    %and3A_306 = arith.andi %and3A_304, %le3A_305 : vector<16xi1>
    %all_reduce_population_count3A_307 = tpu.all_reduce %and3A_306 {dim = 0 : i64, kind = #tpu.reduction_kind<sum>} : vector<16xi1> -> vector<16xi32>
    %add3A_308 = arith.addi %add3A_296, %all_reduce_population_count3A_307 : vector<16xi32>
    %ne3A_309 = arith.constant 0 : i32
    %ne3A_310 = vector.broadcast %ne3A_309 : i32 to vector<16xi32>
    %ne3A_311 = arith.cmpi ne, %sub3A_29, %ne3A_310 : vector<16xi32>
    %and3A_312 = arith.andi %and3A_306, %ne3A_311 : vector<16xi1>
    %all_reduce_population_count3A_313 = tpu.all_reduce %and3A_312 {dim = 0 : i64, kind = #tpu.reduction_kind<sum>} : vector<16xi1> -> vector<16xi32>
    %add3A_314 = arith.addi %add3A_302, %all_reduce_population_count3A_313 : vector<16xi32>
    %le3A_315 = arith.cmpi sle, %gather3A_271, %sub3A_32 : vector<16xi32>
    %and3A_316 = arith.andi %gt3A_278, %le3A_315 : vector<16xi1>
    %le3A_317 = arith.cmpi sle, %sub3A_32, %gather3A_274 : vector<16xi32>
    %and3A_318 = arith.andi %and3A_316, %le3A_317 : vector<16xi1>
    %all_reduce_population_count3A_319 = tpu.all_reduce %and3A_318 {dim = 0 : i64, kind = #tpu.reduction_kind<sum>} : vector<16xi1> -> vector<16xi32>
    %add3A_320 = arith.addi %add3A_308, %all_reduce_population_count3A_319 : vector<16xi32>
    %ne3A_321 = arith.constant 0 : i32
    %ne3A_322 = vector.broadcast %ne3A_321 : i32 to vector<16xi32>
    %ne3A_323 = arith.cmpi ne, %sub3A_32, %ne3A_322 : vector<16xi32>
    %and3A_324 = arith.andi %and3A_318, %ne3A_323 : vector<16xi1>
    %all_reduce_population_count3A_325 = tpu.all_reduce %and3A_324 {dim = 0 : i64, kind = #tpu.reduction_kind<sum>} : vector<16xi1> -> vector<16xi32>
    %add3A_326 = arith.addi %add3A_314, %all_reduce_population_count3A_325 : vector<16xi32>
    %gt3A_327 = arith.constant 0 : i32
    %gt3A_328 = vector.broadcast %gt3A_327 : i32 to vector<16xi32>
    %gt3A_329 = arith.cmpi sgt, %add3A_326, %gt3A_328 : vector<16xi32>
    %select_n3A_330 = arith.select %gt3A_329, %broadcast_in_dim3A_4, %broadcast_in_dim3A_0 : vector<16xi1>, vector<16xf32>
    %convert_element_type3A_331 = arith.sitofp %add3A_320 : vector<16xi32> to vector<16xf32>
    %max3A_332 = arith.maximumf %convert_element_type3A_331, %broadcast_in_dim3A_4 : vector<16xf32>
    %div3A_333 = arith.divf %select_n3A_330, %max3A_332 : vector<16xf32>
    %add3A_334 = arith.addf %add3A_252, %select_n3A_330 : vector<16xf32>
    %convert_element_type3A_335 = arith.extui %and3A_282 : vector<16xi1> to vector<16xi32>
    %convert_element_type3A_336 = arith.sitofp %convert_element_type3A_335 : vector<16xi32> to vector<16xf32>
    %mul3A_337 = arith.mulf %convert_element_type3A_336, %div3A_333 : vector<16xf32>
    %add3A_338 = arith.addf %add3A_256, %mul3A_337 : vector<16xf32>
    %convert_element_type3A_339 = arith.extui %and3A_294 : vector<16xi1> to vector<16xi32>
    %convert_element_type3A_340 = arith.sitofp %convert_element_type3A_339 : vector<16xi32> to vector<16xf32>
    %mul3A_341 = arith.mulf %convert_element_type3A_340, %div3A_333 : vector<16xf32>
    %add3A_342 = arith.addf %add3A_260, %mul3A_341 : vector<16xf32>
    %convert_element_type3A_343 = arith.extui %and3A_306 : vector<16xi1> to vector<16xi32>
    %convert_element_type3A_344 = arith.sitofp %convert_element_type3A_343 : vector<16xi32> to vector<16xf32>
    %mul3A_345 = arith.mulf %convert_element_type3A_344, %div3A_333 : vector<16xf32>
    %add3A_346 = arith.addf %add3A_264, %mul3A_345 : vector<16xf32>
    %convert_element_type3A_347 = arith.extui %and3A_318 : vector<16xi1> to vector<16xi32>
    %convert_element_type3A_348 = arith.sitofp %convert_element_type3A_347 : vector<16xi32> to vector<16xf32>
    %mul3A_349 = arith.mulf %convert_element_type3A_348, %div3A_333 : vector<16xf32>
    %add3A_350 = arith.addf %add3A_268, %mul3A_349 : vector<16xf32>
    %broadcast_in_dim3A_351 = arith.constant 68 : i32
    %broadcast_in_dim3A_352 = vector.broadcast %broadcast_in_dim3A_351 : i32 to vector<16xi32>
    %gather3A_353 = tpu.vector_load_idx %arg6[%broadcast_in_dim3A_352] : memref<80xi32, #tpu.memory_space<vmem>>[vector<16xi32>], vector<16xi32>,
    %broadcast_in_dim3A_354 = arith.constant 76 : i32
    %broadcast_in_dim3A_355 = vector.broadcast %broadcast_in_dim3A_354 : i32 to vector<16xi32>
    %gather3A_356 = tpu.vector_load_idx %arg6[%broadcast_in_dim3A_355] : memref<80xi32, #tpu.memory_space<vmem>>[vector<16xi32>], vector<16xi32>,
    %sub3A_357 = arith.subi %gather3A_356, %gather3A_353 : vector<16xi32>
    %gt3A_358 = arith.constant 2 : i32
    %gt3A_359 = vector.broadcast %gt3A_358 : i32 to vector<16xi32>
    %gt3A_360 = arith.cmpi sgt, %sub3A_357, %gt3A_359 : vector<16xi32>
    %le3A_361 = arith.cmpi sle, %gather3A_353, %sub3A : vector<16xi32>
    %and3A_362 = arith.andi %gt3A_360, %le3A_361 : vector<16xi1>
    %le3A_363 = arith.cmpi sle, %sub3A, %gather3A_356 : vector<16xi32>
    %and3A_364 = arith.andi %and3A_362, %le3A_363 : vector<16xi1>
    %all_reduce_population_count3A_365 = tpu.all_reduce %and3A_364 {dim = 0 : i64, kind = #tpu.reduction_kind<sum>} : vector<16xi1> -> vector<16xi32>
    %add3A_366 = arith.addi %broadcast_in_dim3A_2, %all_reduce_population_count3A_365 : vector<16xi32>
    %ne3A_367 = arith.constant 0 : i32
    %ne3A_368 = vector.broadcast %ne3A_367 : i32 to vector<16xi32>
    %ne3A_369 = arith.cmpi ne, %sub3A, %ne3A_368 : vector<16xi32>
    %and3A_370 = arith.andi %and3A_364, %ne3A_369 : vector<16xi1>
    %all_reduce_population_count3A_371 = tpu.all_reduce %and3A_370 {dim = 0 : i64, kind = #tpu.reduction_kind<sum>} : vector<16xi1> -> vector<16xi32>
    %add3A_372 = arith.addi %broadcast_in_dim3A_2, %all_reduce_population_count3A_371 : vector<16xi32>
    %le3A_373 = arith.cmpi sle, %gather3A_353, %sub3A_26 : vector<16xi32>
    %and3A_374 = arith.andi %gt3A_360, %le3A_373 : vector<16xi1>
    %le3A_375 = arith.cmpi sle, %sub3A_26, %gather3A_356 : vector<16xi32>
    %and3A_376 = arith.andi %and3A_374, %le3A_375 : vector<16xi1>
    %all_reduce_population_count3A_377 = tpu.all_reduce %and3A_376 {dim = 0 : i64, kind = #tpu.reduction_kind<sum>} : vector<16xi1> -> vector<16xi32>
    %add3A_378 = arith.addi %add3A_366, %all_reduce_population_count3A_377 : vector<16xi32>
    %ne3A_379 = arith.constant 0 : i32
    %ne3A_380 = vector.broadcast %ne3A_379 : i32 to vector<16xi32>
    %ne3A_381 = arith.cmpi ne, %sub3A_26, %ne3A_380 : vector<16xi32>
    %and3A_382 = arith.andi %and3A_376, %ne3A_381 : vector<16xi1>
    %all_reduce_population_count3A_383 = tpu.all_reduce %and3A_382 {dim = 0 : i64, kind = #tpu.reduction_kind<sum>} : vector<16xi1> -> vector<16xi32>
    %add3A_384 = arith.addi %add3A_372, %all_reduce_population_count3A_383 : vector<16xi32>
    %le3A_385 = arith.cmpi sle, %gather3A_353, %sub3A_29 : vector<16xi32>
    %and3A_386 = arith.andi %gt3A_360, %le3A_385 : vector<16xi1>
    %le3A_387 = arith.cmpi sle, %sub3A_29, %gather3A_356 : vector<16xi32>
    %and3A_388 = arith.andi %and3A_386, %le3A_387 : vector<16xi1>
    %all_reduce_population_count3A_389 = tpu.all_reduce %and3A_388 {dim = 0 : i64, kind = #tpu.reduction_kind<sum>} : vector<16xi1> -> vector<16xi32>
    %add3A_390 = arith.addi %add3A_378, %all_reduce_population_count3A_389 : vector<16xi32>
    %ne3A_391 = arith.constant 0 : i32
    %ne3A_392 = vector.broadcast %ne3A_391 : i32 to vector<16xi32>
    %ne3A_393 = arith.cmpi ne, %sub3A_29, %ne3A_392 : vector<16xi32>
    %and3A_394 = arith.andi %and3A_388, %ne3A_393 : vector<16xi1>
    %all_reduce_population_count3A_395 = tpu.all_reduce %and3A_394 {dim = 0 : i64, kind = #tpu.reduction_kind<sum>} : vector<16xi1> -> vector<16xi32>
    %add3A_396 = arith.addi %add3A_384, %all_reduce_population_count3A_395 : vector<16xi32>
    %le3A_397 = arith.cmpi sle, %gather3A_353, %sub3A_32 : vector<16xi32>
    %and3A_398 = arith.andi %gt3A_360, %le3A_397 : vector<16xi1>
    %le3A_399 = arith.cmpi sle, %sub3A_32, %gather3A_356 : vector<16xi32>
    %and3A_400 = arith.andi %and3A_398, %le3A_399 : vector<16xi1>
    %all_reduce_population_count3A_401 = tpu.all_reduce %and3A_400 {dim = 0 : i64, kind = #tpu.reduction_kind<sum>} : vector<16xi1> -> vector<16xi32>
    %add3A_402 = arith.addi %add3A_390, %all_reduce_population_count3A_401 : vector<16xi32>
    %ne3A_403 = arith.constant 0 : i32
    %ne3A_404 = vector.broadcast %ne3A_403 : i32 to vector<16xi32>
    %ne3A_405 = arith.cmpi ne, %sub3A_32, %ne3A_404 : vector<16xi32>
    %and3A_406 = arith.andi %and3A_400, %ne3A_405 : vector<16xi1>
    %all_reduce_population_count3A_407 = tpu.all_reduce %and3A_406 {dim = 0 : i64, kind = #tpu.reduction_kind<sum>} : vector<16xi1> -> vector<16xi32>
    %add3A_408 = arith.addi %add3A_396, %all_reduce_population_count3A_407 : vector<16xi32>
    %gt3A_409 = arith.constant 0 : i32
    %gt3A_410 = vector.broadcast %gt3A_409 : i32 to vector<16xi32>
    %gt3A_411 = arith.cmpi sgt, %add3A_408, %gt3A_410 : vector<16xi32>
    %select_n3A_412 = arith.select %gt3A_411, %broadcast_in_dim3A_4, %broadcast_in_dim3A_0 : vector<16xi1>, vector<16xf32>
    %convert_element_type3A_413 = arith.sitofp %add3A_402 : vector<16xi32> to vector<16xf32>
    %max3A_414 = arith.maximumf %convert_element_type3A_413, %broadcast_in_dim3A_4 : vector<16xf32>
    %div3A_415 = arith.divf %select_n3A_412, %max3A_414 : vector<16xf32>
    %add3A_416 = arith.addf %add3A_334, %select_n3A_412 : vector<16xf32>
    %convert_element_type3A_417 = arith.extui %and3A_364 : vector<16xi1> to vector<16xi32>
    %convert_element_type3A_418 = arith.sitofp %convert_element_type3A_417 : vector<16xi32> to vector<16xf32>
    %mul3A_419 = arith.mulf %convert_element_type3A_418, %div3A_415 : vector<16xf32>
    %add3A_420 = arith.addf %add3A_338, %mul3A_419 : vector<16xf32>
    %convert_element_type3A_421 = arith.extui %and3A_376 : vector<16xi1> to vector<16xi32>
    %convert_element_type3A_422 = arith.sitofp %convert_element_type3A_421 : vector<16xi32> to vector<16xf32>
    %mul3A_423 = arith.mulf %convert_element_type3A_422, %div3A_415 : vector<16xf32>
    %add3A_424 = arith.addf %add3A_342, %mul3A_423 : vector<16xf32>
    %convert_element_type3A_425 = arith.extui %and3A_388 : vector<16xi1> to vector<16xi32>
    %convert_element_type3A_426 = arith.sitofp %convert_element_type3A_425 : vector<16xi32> to vector<16xf32>
    %mul3A_427 = arith.mulf %convert_element_type3A_426, %div3A_415 : vector<16xf32>
    %add3A_428 = arith.addf %add3A_346, %mul3A_427 : vector<16xf32>
    %convert_element_type3A_429 = arith.extui %and3A_400 : vector<16xi1> to vector<16xi32>
    %convert_element_type3A_430 = arith.sitofp %convert_element_type3A_429 : vector<16xi32> to vector<16xf32>
    %mul3A_431 = arith.mulf %convert_element_type3A_430, %div3A_415 : vector<16xf32>
    %add3A_432 = arith.addf %add3A_350, %mul3A_431 : vector<16xf32>
    %broadcast_in_dim3A_433 = arith.constant 69 : i32
    %broadcast_in_dim3A_434 = vector.broadcast %broadcast_in_dim3A_433 : i32 to vector<16xi32>
    %gather3A_435 = tpu.vector_load_idx %arg6[%broadcast_in_dim3A_434] : memref<80xi32, #tpu.memory_space<vmem>>[vector<16xi32>], vector<16xi32>,
    %broadcast_in_dim3A_436 = arith.constant 77 : i32
    %broadcast_in_dim3A_437 = vector.broadcast %broadcast_in_dim3A_436 : i32 to vector<16xi32>
    %gather3A_438 = tpu.vector_load_idx %arg6[%broadcast_in_dim3A_437] : memref<80xi32, #tpu.memory_space<vmem>>[vector<16xi32>], vector<16xi32>,
    %sub3A_439 = arith.subi %gather3A_438, %gather3A_435 : vector<16xi32>
    %gt3A_440 = arith.constant 2 : i32
    %gt3A_441 = vector.broadcast %gt3A_440 : i32 to vector<16xi32>
    %gt3A_442 = arith.cmpi sgt, %sub3A_439, %gt3A_441 : vector<16xi32>
    %le3A_443 = arith.cmpi sle, %gather3A_435, %sub3A : vector<16xi32>
    %and3A_444 = arith.andi %gt3A_442, %le3A_443 : vector<16xi1>
    %le3A_445 = arith.cmpi sle, %sub3A, %gather3A_438 : vector<16xi32>
    %and3A_446 = arith.andi %and3A_444, %le3A_445 : vector<16xi1>
    %all_reduce_population_count3A_447 = tpu.all_reduce %and3A_446 {dim = 0 : i64, kind = #tpu.reduction_kind<sum>} : vector<16xi1> -> vector<16xi32>
    %add3A_448 = arith.addi %broadcast_in_dim3A_2, %all_reduce_population_count3A_447 : vector<16xi32>
    %ne3A_449 = arith.constant 0 : i32
    %ne3A_450 = vector.broadcast %ne3A_449 : i32 to vector<16xi32>
    %ne3A_451 = arith.cmpi ne, %sub3A, %ne3A_450 : vector<16xi32>
    %and3A_452 = arith.andi %and3A_446, %ne3A_451 : vector<16xi1>
    %all_reduce_population_count3A_453 = tpu.all_reduce %and3A_452 {dim = 0 : i64, kind = #tpu.reduction_kind<sum>} : vector<16xi1> -> vector<16xi32>
    %add3A_454 = arith.addi %broadcast_in_dim3A_2, %all_reduce_population_count3A_453 : vector<16xi32>
    %le3A_455 = arith.cmpi sle, %gather3A_435, %sub3A_26 : vector<16xi32>
    %and3A_456 = arith.andi %gt3A_442, %le3A_455 : vector<16xi1>
    %le3A_457 = arith.cmpi sle, %sub3A_26, %gather3A_438 : vector<16xi32>
    %and3A_458 = arith.andi %and3A_456, %le3A_457 : vector<16xi1>
    %all_reduce_population_count3A_459 = tpu.all_reduce %and3A_458 {dim = 0 : i64, kind = #tpu.reduction_kind<sum>} : vector<16xi1> -> vector<16xi32>
    %add3A_460 = arith.addi %add3A_448, %all_reduce_population_count3A_459 : vector<16xi32>
    %ne3A_461 = arith.constant 0 : i32
    %ne3A_462 = vector.broadcast %ne3A_461 : i32 to vector<16xi32>
    %ne3A_463 = arith.cmpi ne, %sub3A_26, %ne3A_462 : vector<16xi32>
    %and3A_464 = arith.andi %and3A_458, %ne3A_463 : vector<16xi1>
    %all_reduce_population_count3A_465 = tpu.all_reduce %and3A_464 {dim = 0 : i64, kind = #tpu.reduction_kind<sum>} : vector<16xi1> -> vector<16xi32>
    %add3A_466 = arith.addi %add3A_454, %all_reduce_population_count3A_465 : vector<16xi32>
    %le3A_467 = arith.cmpi sle, %gather3A_435, %sub3A_29 : vector<16xi32>
    %and3A_468 = arith.andi %gt3A_442, %le3A_467 : vector<16xi1>
    %le3A_469 = arith.cmpi sle, %sub3A_29, %gather3A_438 : vector<16xi32>
    %and3A_470 = arith.andi %and3A_468, %le3A_469 : vector<16xi1>
    %all_reduce_population_count3A_471 = tpu.all_reduce %and3A_470 {dim = 0 : i64, kind = #tpu.reduction_kind<sum>} : vector<16xi1> -> vector<16xi32>
    %add3A_472 = arith.addi %add3A_460, %all_reduce_population_count3A_471 : vector<16xi32>
    %ne3A_473 = arith.constant 0 : i32
    %ne3A_474 = vector.broadcast %ne3A_473 : i32 to vector<16xi32>
    %ne3A_475 = arith.cmpi ne, %sub3A_29, %ne3A_474 : vector<16xi32>
    %and3A_476 = arith.andi %and3A_470, %ne3A_475 : vector<16xi1>
    %all_reduce_population_count3A_477 = tpu.all_reduce %and3A_476 {dim = 0 : i64, kind = #tpu.reduction_kind<sum>} : vector<16xi1> -> vector<16xi32>
    %add3A_478 = arith.addi %add3A_466, %all_reduce_population_count3A_477 : vector<16xi32>
    %le3A_479 = arith.cmpi sle, %gather3A_435, %sub3A_32 : vector<16xi32>
    %and3A_480 = arith.andi %gt3A_442, %le3A_479 : vector<16xi1>
    %le3A_481 = arith.cmpi sle, %sub3A_32, %gather3A_438 : vector<16xi32>
    %and3A_482 = arith.andi %and3A_480, %le3A_481 : vector<16xi1>
    %all_reduce_population_count3A_483 = tpu.all_reduce %and3A_482 {dim = 0 : i64, kind = #tpu.reduction_kind<sum>} : vector<16xi1> -> vector<16xi32>
    %add3A_484 = arith.addi %add3A_472, %all_reduce_population_count3A_483 : vector<16xi32>
    %ne3A_485 = arith.constant 0 : i32
    %ne3A_486 = vector.broadcast %ne3A_485 : i32 to vector<16xi32>
    %ne3A_487 = arith.cmpi ne, %sub3A_32, %ne3A_486 : vector<16xi32>
    %and3A_488 = arith.andi %and3A_482, %ne3A_487 : vector<16xi1>
    %all_reduce_population_count3A_489 = tpu.all_reduce %and3A_488 {dim = 0 : i64, kind = #tpu.reduction_kind<sum>} : vector<16xi1> -> vector<16xi32>
    %add3A_490 = arith.addi %add3A_478, %all_reduce_population_count3A_489 : vector<16xi32>
    %gt3A_491 = arith.constant 0 : i32
    %gt3A_492 = vector.broadcast %gt3A_491 : i32 to vector<16xi32>
    %gt3A_493 = arith.cmpi sgt, %add3A_490, %gt3A_492 : vector<16xi32>
    %select_n3A_494 = arith.select %gt3A_493, %broadcast_in_dim3A_4, %broadcast_in_dim3A_0 : vector<16xi1>, vector<16xf32>
    %convert_element_type3A_495 = arith.sitofp %add3A_484 : vector<16xi32> to vector<16xf32>
    %max3A_496 = arith.maximumf %convert_element_type3A_495, %broadcast_in_dim3A_4 : vector<16xf32>
    %div3A_497 = arith.divf %select_n3A_494, %max3A_496 : vector<16xf32>
    %add3A_498 = arith.addf %add3A_416, %select_n3A_494 : vector<16xf32>
    %convert_element_type3A_499 = arith.extui %and3A_446 : vector<16xi1> to vector<16xi32>
    %convert_element_type3A_500 = arith.sitofp %convert_element_type3A_499 : vector<16xi32> to vector<16xf32>
    %mul3A_501 = arith.mulf %convert_element_type3A_500, %div3A_497 : vector<16xf32>
    %add3A_502 = arith.addf %add3A_420, %mul3A_501 : vector<16xf32>
    %convert_element_type3A_503 = arith.extui %and3A_458 : vector<16xi1> to vector<16xi32>
    %convert_element_type3A_504 = arith.sitofp %convert_element_type3A_503 : vector<16xi32> to vector<16xf32>
    %mul3A_505 = arith.mulf %convert_element_type3A_504, %div3A_497 : vector<16xf32>
    %add3A_506 = arith.addf %add3A_424, %mul3A_505 : vector<16xf32>
    %convert_element_type3A_507 = arith.extui %and3A_470 : vector<16xi1> to vector<16xi32>
    %convert_element_type3A_508 = arith.sitofp %convert_element_type3A_507 : vector<16xi32> to vector<16xf32>
    %mul3A_509 = arith.mulf %convert_element_type3A_508, %div3A_497 : vector<16xf32>
    %add3A_510 = arith.addf %add3A_428, %mul3A_509 : vector<16xf32>
    %convert_element_type3A_511 = arith.extui %and3A_482 : vector<16xi1> to vector<16xi32>
    %convert_element_type3A_512 = arith.sitofp %convert_element_type3A_511 : vector<16xi32> to vector<16xf32>
    %mul3A_513 = arith.mulf %convert_element_type3A_512, %div3A_497 : vector<16xf32>
    %add3A_514 = arith.addf %add3A_432, %mul3A_513 : vector<16xf32>
    %broadcast_in_dim3A_515 = arith.constant 70 : i32
    %broadcast_in_dim3A_516 = vector.broadcast %broadcast_in_dim3A_515 : i32 to vector<16xi32>
    %gather3A_517 = tpu.vector_load_idx %arg6[%broadcast_in_dim3A_516] : memref<80xi32, #tpu.memory_space<vmem>>[vector<16xi32>], vector<16xi32>,
    %broadcast_in_dim3A_518 = arith.constant 78 : i32
    %broadcast_in_dim3A_519 = vector.broadcast %broadcast_in_dim3A_518 : i32 to vector<16xi32>
    %gather3A_520 = tpu.vector_load_idx %arg6[%broadcast_in_dim3A_519] : memref<80xi32, #tpu.memory_space<vmem>>[vector<16xi32>], vector<16xi32>,
    %sub3A_521 = arith.subi %gather3A_520, %gather3A_517 : vector<16xi32>
    %gt3A_522 = arith.constant 2 : i32
    %gt3A_523 = vector.broadcast %gt3A_522 : i32 to vector<16xi32>
    %gt3A_524 = arith.cmpi sgt, %sub3A_521, %gt3A_523 : vector<16xi32>
    %le3A_525 = arith.cmpi sle, %gather3A_517, %sub3A : vector<16xi32>
    %and3A_526 = arith.andi %gt3A_524, %le3A_525 : vector<16xi1>
    %le3A_527 = arith.cmpi sle, %sub3A, %gather3A_520 : vector<16xi32>
    %and3A_528 = arith.andi %and3A_526, %le3A_527 : vector<16xi1>
    %all_reduce_population_count3A_529 = tpu.all_reduce %and3A_528 {dim = 0 : i64, kind = #tpu.reduction_kind<sum>} : vector<16xi1> -> vector<16xi32>
    %add3A_530 = arith.addi %broadcast_in_dim3A_2, %all_reduce_population_count3A_529 : vector<16xi32>
    %ne3A_531 = arith.constant 0 : i32
    %ne3A_532 = vector.broadcast %ne3A_531 : i32 to vector<16xi32>
    %ne3A_533 = arith.cmpi ne, %sub3A, %ne3A_532 : vector<16xi32>
    %and3A_534 = arith.andi %and3A_528, %ne3A_533 : vector<16xi1>
    %all_reduce_population_count3A_535 = tpu.all_reduce %and3A_534 {dim = 0 : i64, kind = #tpu.reduction_kind<sum>} : vector<16xi1> -> vector<16xi32>
    %add3A_536 = arith.addi %broadcast_in_dim3A_2, %all_reduce_population_count3A_535 : vector<16xi32>
    %le3A_537 = arith.cmpi sle, %gather3A_517, %sub3A_26 : vector<16xi32>
    %and3A_538 = arith.andi %gt3A_524, %le3A_537 : vector<16xi1>
    %le3A_539 = arith.cmpi sle, %sub3A_26, %gather3A_520 : vector<16xi32>
    %and3A_540 = arith.andi %and3A_538, %le3A_539 : vector<16xi1>
    %all_reduce_population_count3A_541 = tpu.all_reduce %and3A_540 {dim = 0 : i64, kind = #tpu.reduction_kind<sum>} : vector<16xi1> -> vector<16xi32>
    %add3A_542 = arith.addi %add3A_530, %all_reduce_population_count3A_541 : vector<16xi32>
    %ne3A_543 = arith.constant 0 : i32
    %ne3A_544 = vector.broadcast %ne3A_543 : i32 to vector<16xi32>
    %ne3A_545 = arith.cmpi ne, %sub3A_26, %ne3A_544 : vector<16xi32>
    %and3A_546 = arith.andi %and3A_540, %ne3A_545 : vector<16xi1>
    %all_reduce_population_count3A_547 = tpu.all_reduce %and3A_546 {dim = 0 : i64, kind = #tpu.reduction_kind<sum>} : vector<16xi1> -> vector<16xi32>
    %add3A_548 = arith.addi %add3A_536, %all_reduce_population_count3A_547 : vector<16xi32>
    %le3A_549 = arith.cmpi sle, %gather3A_517, %sub3A_29 : vector<16xi32>
    %and3A_550 = arith.andi %gt3A_524, %le3A_549 : vector<16xi1>
    %le3A_551 = arith.cmpi sle, %sub3A_29, %gather3A_520 : vector<16xi32>
    %and3A_552 = arith.andi %and3A_550, %le3A_551 : vector<16xi1>
    %all_reduce_population_count3A_553 = tpu.all_reduce %and3A_552 {dim = 0 : i64, kind = #tpu.reduction_kind<sum>} : vector<16xi1> -> vector<16xi32>
    %add3A_554 = arith.addi %add3A_542, %all_reduce_population_count3A_553 : vector<16xi32>
    %ne3A_555 = arith.constant 0 : i32
    %ne3A_556 = vector.broadcast %ne3A_555 : i32 to vector<16xi32>
    %ne3A_557 = arith.cmpi ne, %sub3A_29, %ne3A_556 : vector<16xi32>
    %and3A_558 = arith.andi %and3A_552, %ne3A_557 : vector<16xi1>
    %all_reduce_population_count3A_559 = tpu.all_reduce %and3A_558 {dim = 0 : i64, kind = #tpu.reduction_kind<sum>} : vector<16xi1> -> vector<16xi32>
    %add3A_560 = arith.addi %add3A_548, %all_reduce_population_count3A_559 : vector<16xi32>
    %le3A_561 = arith.cmpi sle, %gather3A_517, %sub3A_32 : vector<16xi32>
    %and3A_562 = arith.andi %gt3A_524, %le3A_561 : vector<16xi1>
    %le3A_563 = arith.cmpi sle, %sub3A_32, %gather3A_520 : vector<16xi32>
    %and3A_564 = arith.andi %and3A_562, %le3A_563 : vector<16xi1>
    %all_reduce_population_count3A_565 = tpu.all_reduce %and3A_564 {dim = 0 : i64, kind = #tpu.reduction_kind<sum>} : vector<16xi1> -> vector<16xi32>
    %add3A_566 = arith.addi %add3A_554, %all_reduce_population_count3A_565 : vector<16xi32>
    %ne3A_567 = arith.constant 0 : i32
    %ne3A_568 = vector.broadcast %ne3A_567 : i32 to vector<16xi32>
    %ne3A_569 = arith.cmpi ne, %sub3A_32, %ne3A_568 : vector<16xi32>
    %and3A_570 = arith.andi %and3A_564, %ne3A_569 : vector<16xi1>
    %all_reduce_population_count3A_571 = tpu.all_reduce %and3A_570 {dim = 0 : i64, kind = #tpu.reduction_kind<sum>} : vector<16xi1> -> vector<16xi32>
    %add3A_572 = arith.addi %add3A_560, %all_reduce_population_count3A_571 : vector<16xi32>
    %gt3A_573 = arith.constant 0 : i32
    %gt3A_574 = vector.broadcast %gt3A_573 : i32 to vector<16xi32>
    %gt3A_575 = arith.cmpi sgt, %add3A_572, %gt3A_574 : vector<16xi32>
    %select_n3A_576 = arith.select %gt3A_575, %broadcast_in_dim3A_4, %broadcast_in_dim3A_0 : vector<16xi1>, vector<16xf32>
    %convert_element_type3A_577 = arith.sitofp %add3A_566 : vector<16xi32> to vector<16xf32>
    %max3A_578 = arith.maximumf %convert_element_type3A_577, %broadcast_in_dim3A_4 : vector<16xf32>
    %div3A_579 = arith.divf %select_n3A_576, %max3A_578 : vector<16xf32>
    %add3A_580 = arith.addf %add3A_498, %select_n3A_576 : vector<16xf32>
    %convert_element_type3A_581 = arith.extui %and3A_528 : vector<16xi1> to vector<16xi32>
    %convert_element_type3A_582 = arith.sitofp %convert_element_type3A_581 : vector<16xi32> to vector<16xf32>
    %mul3A_583 = arith.mulf %convert_element_type3A_582, %div3A_579 : vector<16xf32>
    %add3A_584 = arith.addf %add3A_502, %mul3A_583 : vector<16xf32>
    %convert_element_type3A_585 = arith.extui %and3A_540 : vector<16xi1> to vector<16xi32>
    %convert_element_type3A_586 = arith.sitofp %convert_element_type3A_585 : vector<16xi32> to vector<16xf32>
    %mul3A_587 = arith.mulf %convert_element_type3A_586, %div3A_579 : vector<16xf32>
    %add3A_588 = arith.addf %add3A_506, %mul3A_587 : vector<16xf32>
    %convert_element_type3A_589 = arith.extui %and3A_552 : vector<16xi1> to vector<16xi32>
    %convert_element_type3A_590 = arith.sitofp %convert_element_type3A_589 : vector<16xi32> to vector<16xf32>
    %mul3A_591 = arith.mulf %convert_element_type3A_590, %div3A_579 : vector<16xf32>
    %add3A_592 = arith.addf %add3A_510, %mul3A_591 : vector<16xf32>
    %convert_element_type3A_593 = arith.extui %and3A_564 : vector<16xi1> to vector<16xi32>
    %convert_element_type3A_594 = arith.sitofp %convert_element_type3A_593 : vector<16xi32> to vector<16xf32>
    %mul3A_595 = arith.mulf %convert_element_type3A_594, %div3A_579 : vector<16xf32>
    %add3A_596 = arith.addf %add3A_514, %mul3A_595 : vector<16xf32>
    %broadcast_in_dim3A_597 = arith.constant 71 : i32
    %broadcast_in_dim3A_598 = vector.broadcast %broadcast_in_dim3A_597 : i32 to vector<16xi32>
    %gather3A_599 = tpu.vector_load_idx %arg6[%broadcast_in_dim3A_598] : memref<80xi32, #tpu.memory_space<vmem>>[vector<16xi32>], vector<16xi32>,
    %broadcast_in_dim3A_600 = arith.constant 79 : i32
    %broadcast_in_dim3A_601 = vector.broadcast %broadcast_in_dim3A_600 : i32 to vector<16xi32>
    %gather3A_602 = tpu.vector_load_idx %arg6[%broadcast_in_dim3A_601] : memref<80xi32, #tpu.memory_space<vmem>>[vector<16xi32>], vector<16xi32>,
    %sub3A_603 = arith.subi %gather3A_602, %gather3A_599 : vector<16xi32>
    %gt3A_604 = arith.constant 2 : i32
    %gt3A_605 = vector.broadcast %gt3A_604 : i32 to vector<16xi32>
    %gt3A_606 = arith.cmpi sgt, %sub3A_603, %gt3A_605 : vector<16xi32>
    %le3A_607 = arith.cmpi sle, %gather3A_599, %sub3A : vector<16xi32>
    %and3A_608 = arith.andi %gt3A_606, %le3A_607 : vector<16xi1>
    %le3A_609 = arith.cmpi sle, %sub3A, %gather3A_602 : vector<16xi32>
    %and3A_610 = arith.andi %and3A_608, %le3A_609 : vector<16xi1>
    %all_reduce_population_count3A_611 = tpu.all_reduce %and3A_610 {dim = 0 : i64, kind = #tpu.reduction_kind<sum>} : vector<16xi1> -> vector<16xi32>
    %add3A_612 = arith.addi %broadcast_in_dim3A_2, %all_reduce_population_count3A_611 : vector<16xi32>
    %ne3A_613 = arith.constant 0 : i32
    %ne3A_614 = vector.broadcast %ne3A_613 : i32 to vector<16xi32>
    %ne3A_615 = arith.cmpi ne, %sub3A, %ne3A_614 : vector<16xi32>
    %and3A_616 = arith.andi %and3A_610, %ne3A_615 : vector<16xi1>
    %all_reduce_population_count3A_617 = tpu.all_reduce %and3A_616 {dim = 0 : i64, kind = #tpu.reduction_kind<sum>} : vector<16xi1> -> vector<16xi32>
    %add3A_618 = arith.addi %broadcast_in_dim3A_2, %all_reduce_population_count3A_617 : vector<16xi32>
    %le3A_619 = arith.cmpi sle, %gather3A_599, %sub3A_26 : vector<16xi32>
    %and3A_620 = arith.andi %gt3A_606, %le3A_619 : vector<16xi1>
    %le3A_621 = arith.cmpi sle, %sub3A_26, %gather3A_602 : vector<16xi32>
    %and3A_622 = arith.andi %and3A_620, %le3A_621 : vector<16xi1>
    %all_reduce_population_count3A_623 = tpu.all_reduce %and3A_622 {dim = 0 : i64, kind = #tpu.reduction_kind<sum>} : vector<16xi1> -> vector<16xi32>
    %add3A_624 = arith.addi %add3A_612, %all_reduce_population_count3A_623 : vector<16xi32>
    %ne3A_625 = arith.constant 0 : i32
    %ne3A_626 = vector.broadcast %ne3A_625 : i32 to vector<16xi32>
    %ne3A_627 = arith.cmpi ne, %sub3A_26, %ne3A_626 : vector<16xi32>
    %and3A_628 = arith.andi %and3A_622, %ne3A_627 : vector<16xi1>
    %all_reduce_population_count3A_629 = tpu.all_reduce %and3A_628 {dim = 0 : i64, kind = #tpu.reduction_kind<sum>} : vector<16xi1> -> vector<16xi32>
    %add3A_630 = arith.addi %add3A_618, %all_reduce_population_count3A_629 : vector<16xi32>
    %le3A_631 = arith.cmpi sle, %gather3A_599, %sub3A_29 : vector<16xi32>
    %and3A_632 = arith.andi %gt3A_606, %le3A_631 : vector<16xi1>
    %le3A_633 = arith.cmpi sle, %sub3A_29, %gather3A_602 : vector<16xi32>
    %and3A_634 = arith.andi %and3A_632, %le3A_633 : vector<16xi1>
    %all_reduce_population_count3A_635 = tpu.all_reduce %and3A_634 {dim = 0 : i64, kind = #tpu.reduction_kind<sum>} : vector<16xi1> -> vector<16xi32>
    %add3A_636 = arith.addi %add3A_624, %all_reduce_population_count3A_635 : vector<16xi32>
    %ne3A_637 = arith.constant 0 : i32
    %ne3A_638 = vector.broadcast %ne3A_637 : i32 to vector<16xi32>
    %ne3A_639 = arith.cmpi ne, %sub3A_29, %ne3A_638 : vector<16xi32>
    %and3A_640 = arith.andi %and3A_634, %ne3A_639 : vector<16xi1>
    %all_reduce_population_count3A_641 = tpu.all_reduce %and3A_640 {dim = 0 : i64, kind = #tpu.reduction_kind<sum>} : vector<16xi1> -> vector<16xi32>
    %add3A_642 = arith.addi %add3A_630, %all_reduce_population_count3A_641 : vector<16xi32>
    %le3A_643 = arith.cmpi sle, %gather3A_599, %sub3A_32 : vector<16xi32>
    %and3A_644 = arith.andi %gt3A_606, %le3A_643 : vector<16xi1>
    %le3A_645 = arith.cmpi sle, %sub3A_32, %gather3A_602 : vector<16xi32>
    %and3A_646 = arith.andi %and3A_644, %le3A_645 : vector<16xi1>
    %all_reduce_population_count3A_647 = tpu.all_reduce %and3A_646 {dim = 0 : i64, kind = #tpu.reduction_kind<sum>} : vector<16xi1> -> vector<16xi32>
    %add3A_648 = arith.addi %add3A_636, %all_reduce_population_count3A_647 : vector<16xi32>
    %ne3A_649 = arith.constant 0 : i32
    %ne3A_650 = vector.broadcast %ne3A_649 : i32 to vector<16xi32>
    %ne3A_651 = arith.cmpi ne, %sub3A_32, %ne3A_650 : vector<16xi32>
    %and3A_652 = arith.andi %and3A_646, %ne3A_651 : vector<16xi1>
    %all_reduce_population_count3A_653 = tpu.all_reduce %and3A_652 {dim = 0 : i64, kind = #tpu.reduction_kind<sum>} : vector<16xi1> -> vector<16xi32>
    %add3A_654 = arith.addi %add3A_642, %all_reduce_population_count3A_653 : vector<16xi32>
    %gt3A_655 = arith.constant 0 : i32
    %gt3A_656 = vector.broadcast %gt3A_655 : i32 to vector<16xi32>
    %gt3A_657 = arith.cmpi sgt, %add3A_654, %gt3A_656 : vector<16xi32>
    %select_n3A_658 = arith.select %gt3A_657, %broadcast_in_dim3A_4, %broadcast_in_dim3A_0 : vector<16xi1>, vector<16xf32>
    %convert_element_type3A_659 = arith.sitofp %add3A_648 : vector<16xi32> to vector<16xf32>
    %max3A_660 = arith.maximumf %convert_element_type3A_659, %broadcast_in_dim3A_4 : vector<16xf32>
    %div3A_661 = arith.divf %select_n3A_658, %max3A_660 : vector<16xf32>
    %add3A_662 = arith.addf %add3A_580, %select_n3A_658 : vector<16xf32>
    %convert_element_type3A_663 = arith.extui %and3A_610 : vector<16xi1> to vector<16xi32>
    %convert_element_type3A_664 = arith.sitofp %convert_element_type3A_663 : vector<16xi32> to vector<16xf32>
    %mul3A_665 = arith.mulf %convert_element_type3A_664, %div3A_661 : vector<16xf32>
    %add3A_666 = arith.addf %add3A_584, %mul3A_665 : vector<16xf32>
    %convert_element_type3A_667 = arith.extui %and3A_622 : vector<16xi1> to vector<16xi32>
    %convert_element_type3A_668 = arith.sitofp %convert_element_type3A_667 : vector<16xi32> to vector<16xf32>
    %mul3A_669 = arith.mulf %convert_element_type3A_668, %div3A_661 : vector<16xf32>
    %add3A_670 = arith.addf %add3A_588, %mul3A_669 : vector<16xf32>
    %convert_element_type3A_671 = arith.extui %and3A_634 : vector<16xi1> to vector<16xi32>
    %convert_element_type3A_672 = arith.sitofp %convert_element_type3A_671 : vector<16xi32> to vector<16xf32>
    %mul3A_673 = arith.mulf %convert_element_type3A_672, %div3A_661 : vector<16xf32>
    %add3A_674 = arith.addf %add3A_592, %mul3A_673 : vector<16xf32>
    %convert_element_type3A_675 = arith.extui %and3A_646 : vector<16xi1> to vector<16xi32>
    %convert_element_type3A_676 = arith.sitofp %convert_element_type3A_675 : vector<16xi32> to vector<16xf32>
    %mul3A_677 = arith.mulf %convert_element_type3A_676, %div3A_661 : vector<16xf32>
    %add3A_678 = arith.addf %add3A_596, %mul3A_677 : vector<16xf32>
    %gt3A_679 = arith.constant 0.000000e+00 : f32
    %gt3A_680 = vector.broadcast %gt3A_679 : f32 to vector<16xf32>
    %gt3A_681 = arith.cmpf ogt, %add3A_662, %gt3A_680 : vector<16xf32>
    %select_n3A_682 = arith.select %gt3A_681, %broadcast_in_dim3A_4, %broadcast_in_dim3A_0 : vector<16xi1>, vector<16xf32>
    %max3A_683 = arith.maximumf %add3A_662, %broadcast_in_dim3A_4 : vector<16xf32>
    %div3A_684 = arith.divf %select_n3A_682, %max3A_683 : vector<16xf32>
    %sub3A_685 = arith.subf %broadcast_in_dim3A_4, %select_n3A_682 : vector<16xf32>
    %mul3A_686 = arith.constant 1.562500e-02 : f32
    %mul3A_687 = vector.broadcast %mul3A_686 : f32 to vector<16xf32>
    %mul3A_688 = arith.mulf %sub3A_685, %mul3A_687 : vector<16xf32>
    %mul3A_689 = arith.mulf %add3A_666, %div3A_684 : vector<16xf32>
    %add3A_690 = arith.addf %mul3A_689, %mul3A_688 : vector<16xf32>
    %swap3A = arith.constant 0 : index
    %swap3A_691 = tpu.vector_load %arg7[%swap3A] {strides = array<i32>} : memref<64xf32, #tpu.memory_space<vmem>>, vector<16xf32>,
    tpu.vector_store %arg7[%swap3A], %add3A_690 {strides = array<i32>} : memref<64xf32, #tpu.memory_space<vmem>>, vector<16xf32>,
    %mul3A_692 = arith.mulf %add3A_670, %div3A_684 : vector<16xf32>
    %add3A_693 = arith.addf %mul3A_692, %mul3A_688 : vector<16xf32>
    %swap3A_694 = arith.constant 16 : index
    %swap3A_695 = tpu.vector_load %arg7[%swap3A_694] {strides = array<i32>} : memref<64xf32, #tpu.memory_space<vmem>>, vector<16xf32>,
    tpu.vector_store %arg7[%swap3A_694], %add3A_693 {strides = array<i32>} : memref<64xf32, #tpu.memory_space<vmem>>, vector<16xf32>,
    %mul3A_696 = arith.mulf %add3A_674, %div3A_684 : vector<16xf32>
    %add3A_697 = arith.addf %mul3A_696, %mul3A_688 : vector<16xf32>
    %swap3A_698 = arith.constant 32 : index
    %swap3A_699 = tpu.vector_load %arg7[%swap3A_698] {strides = array<i32>} : memref<64xf32, #tpu.memory_space<vmem>>, vector<16xf32>,
    tpu.vector_store %arg7[%swap3A_698], %add3A_697 {strides = array<i32>} : memref<64xf32, #tpu.memory_space<vmem>>, vector<16xf32>,
    %mul3A_700 = arith.mulf %add3A_678, %div3A_684 : vector<16xf32>
    %add3A_701 = arith.addf %mul3A_700, %mul3A_688 : vector<16xf32>
    %swap3A_702 = arith.constant 48 : index
    %swap3A_703 = tpu.vector_load %arg7[%swap3A_702] {strides = array<i32>} : memref<64xf32, #tpu.memory_space<vmem>>, vector<16xf32>,
    tpu.vector_store %arg7[%swap3A_702], %add3A_701 {strides = array<i32>} : memref<64xf32, #tpu.memory_space<vmem>>, vector<16xf32>,
    %broadcast_in_dim3A_704 = vector.broadcast %mul3A_5 : i32 to vector<16xi32>
    %dma_wait3A = arith.constant 0 : i32
    %dma_wait3A_705 = arith.constant 0 : i32
    %dma_wait3A_706 = tpu.memref_slice %arg9[%dma_wait3A, %dma_wait3A_705] : memref<32x1024xf32, #tpu.memory_space<vmem>> -> memref<16x1024xf32, #tpu.memory_space<vmem>>
    %dma_wait3A_707 = tpu.memref_slice %arg6[%mul3A_5] : memref<80xi32, #tpu.memory_space<vmem>> -> memref<16xi32, #tpu.memory_space<vmem>>
    %dma_wait3A_708 = arith.constant 0 : i32
    %dma_wait3A_709 = arith.constant 0 : i32
    %dma_wait3A_710 = tpu.memref_slice %arg2[%dma_wait3A_708, %dma_wait3A_709] : memref<32768x1024xf32, #tpu.memory_space<hbm>> -> memref<32768x1024xf32, #tpu.memory_space<hbm>>
    tpu.wait_indirect_dma semaphore(%arg11 : memref<!tpu.dma_semaphore, #tpu.memory_space<semaphore_mem>>) src(%dma_wait3A_710 : memref<32768x1024xf32, #tpu.memory_space<hbm>>) dst(%dma_wait3A_706 : memref<16x1024xf32, #tpu.memory_space<vmem>>)
    tpu.wait_dma2 semaphore(%arg13 : memref<!tpu.dma_semaphore, #tpu.memory_space<semaphore_mem>>) src(%arg4 : memref<5x1024xf32, #tpu.memory_space<hbm>>) dst(%arg8 : memref<5x1024xf32, #tpu.memory_space<vmem>>)
    %scan3A = arith.constant 0 : i32
    %scan3A_711 = arith.constant 8 : i32
    %scan3A_712 = arith.addi %scan3A, %scan3A_711 : i32
    %scan3A_713 = arith.constant 1 : i32
    %scan3A_714:5 = scf.for %scan3A_782 = %scan3A to %scan3A_712 step %scan3A_713 iter_args(%scan3A_783 = %broadcast_in_dim3A_0, %scan3A_784 = %broadcast_in_dim3A_0, %scan3A_785 = %broadcast_in_dim3A_0, %scan3A_786 = %broadcast_in_dim3A_0, %scan3A_787 = %broadcast_in_dim3A_0) -> (vector<16xf32>, vector<16xf32>, vector<16xf32>, vector<16xf32>, vector<16xf32>)  : i32 {
      %scan3A_788 = arith.constant 0 : i32
      %scan3A_789 = arith.constant 16 : i32
      %scan3A_790 = arith.addi %scan3A_788, %scan3A_789 : i32
      %scan3A_791 = arith.constant 2 : i32
      %scan3A_792:8 = scf.for %scan3A_1274 = %scan3A_788 to %scan3A_790 step %scan3A_791 iter_args(%scan3A_1275 = %broadcast_in_dim3A_0, %scan3A_1276 = %broadcast_in_dim3A_0, %scan3A_1277 = %broadcast_in_dim3A_0, %scan3A_1278 = %broadcast_in_dim3A_0, %scan3A_1279 = %broadcast_in_dim3A_0, %scan3A_1280 = %broadcast_in_dim3A_0, %scan3A_1281 = %broadcast_in_dim3A_0, %scan3A_1282 = %broadcast_in_dim3A_0) -> (vector<16xf32>, vector<16xf32>, vector<16xf32>, vector<16xf32>, vector<16xf32>, vector<16xf32>, vector<16xf32>, vector<16xf32>)  : i32 {
        %add3A_1283 = vector.broadcast %scan3A_1274 : i32 to vector<16xi32>
        %add3A_1284 = arith.addi %broadcast_in_dim3A_704, %add3A_1283 : vector<16xi32>
        %gather3A_1285 = tpu.vector_load_idx %arg7[%add3A_1284] : memref<64xf32, #tpu.memory_space<vmem>>[vector<16xi32>], vector<16xf32>,
        %mul3A_1286 = arith.constant 8 : i32
        %mul3A_1287 = arith.muli %scan3A_782, %mul3A_1286 : i32
        %add3A_1288 = arith.constant 0 : i32
        %add3A_1289 = arith.addi %mul3A_1287, %add3A_1288 : i32
        %mul3A_1290 = arith.constant 16 : i32
        %mul3A_1291 = arith.muli %add3A_1289, %mul3A_1290 : i32
        %get3A_1292 = arith.index_cast %scan3A_1274 : i32 to index
        %get3A_1293 = arith.index_cast %mul3A_1291 : i32 to index
        %get3A_1294 = tpu.vector_load %arg9[%get3A_1292, %get3A_1293] {strides = array<i32>} : memref<32x1024xf32, #tpu.memory_space<vmem>>, vector<16xf32>,
        %mul3A_1295 = arith.mulf %gather3A_1285, %get3A_1294 : vector<16xf32>
        %add3A_1296 = arith.addf %scan3A_1275, %mul3A_1295 : vector<16xf32>
        %mul3A_1297 = arith.constant 8 : i32
        %mul3A_1298 = arith.muli %scan3A_782, %mul3A_1297 : i32
        %add3A_1299 = arith.constant 1 : i32
        %add3A_1300 = arith.addi %mul3A_1298, %add3A_1299 : i32
        %mul3A_1301 = arith.constant 16 : i32
        %mul3A_1302 = arith.muli %add3A_1300, %mul3A_1301 : i32
        %get3A_1303 = arith.index_cast %scan3A_1274 : i32 to index
        %get3A_1304 = arith.index_cast %mul3A_1302 : i32 to index
        %get3A_1305 = tpu.vector_load %arg9[%get3A_1303, %get3A_1304] {strides = array<i32>} : memref<32x1024xf32, #tpu.memory_space<vmem>>, vector<16xf32>,
        %mul3A_1306 = arith.mulf %gather3A_1285, %get3A_1305 : vector<16xf32>
        %add3A_1307 = arith.addf %scan3A_1276, %mul3A_1306 : vector<16xf32>
        %mul3A_1308 = arith.constant 8 : i32
        %mul3A_1309 = arith.muli %scan3A_782, %mul3A_1308 : i32
        %add3A_1310 = arith.constant 2 : i32
        %add3A_1311 = arith.addi %mul3A_1309, %add3A_1310 : i32
        %mul3A_1312 = arith.constant 16 : i32
        %mul3A_1313 = arith.muli %add3A_1311, %mul3A_1312 : i32
        %get3A_1314 = arith.index_cast %scan3A_1274 : i32 to index
        %get3A_1315 = arith.index_cast %mul3A_1313 : i32 to index
        %get3A_1316 = tpu.vector_load %arg9[%get3A_1314, %get3A_1315] {strides = array<i32>} : memref<32x1024xf32, #tpu.memory_space<vmem>>, vector<16xf32>,
        %mul3A_1317 = arith.mulf %gather3A_1285, %get3A_1316 : vector<16xf32>
        %add3A_1318 = arith.addf %scan3A_1277, %mul3A_1317 : vector<16xf32>
        %mul3A_1319 = arith.constant 8 : i32
        %mul3A_1320 = arith.muli %scan3A_782, %mul3A_1319 : i32
        %add3A_1321 = arith.constant 3 : i32
        %add3A_1322 = arith.addi %mul3A_1320, %add3A_1321 : i32
        %mul3A_1323 = arith.constant 16 : i32
        %mul3A_1324 = arith.muli %add3A_1322, %mul3A_1323 : i32
        %get3A_1325 = arith.index_cast %scan3A_1274 : i32 to index
        %get3A_1326 = arith.index_cast %mul3A_1324 : i32 to index
        %get3A_1327 = tpu.vector_load %arg9[%get3A_1325, %get3A_1326] {strides = array<i32>} : memref<32x1024xf32, #tpu.memory_space<vmem>>, vector<16xf32>,
        %mul3A_1328 = arith.mulf %gather3A_1285, %get3A_1327 : vector<16xf32>
        %add3A_1329 = arith.addf %scan3A_1278, %mul3A_1328 : vector<16xf32>
        %mul3A_1330 = arith.constant 8 : i32
        %mul3A_1331 = arith.muli %scan3A_782, %mul3A_1330 : i32
        %add3A_1332 = arith.constant 4 : i32
        %add3A_1333 = arith.addi %mul3A_1331, %add3A_1332 : i32
        %mul3A_1334 = arith.constant 16 : i32
        %mul3A_1335 = arith.muli %add3A_1333, %mul3A_1334 : i32
        %get3A_1336 = arith.index_cast %scan3A_1274 : i32 to index
        %get3A_1337 = arith.index_cast %mul3A_1335 : i32 to index
        %get3A_1338 = tpu.vector_load %arg9[%get3A_1336, %get3A_1337] {strides = array<i32>} : memref<32x1024xf32, #tpu.memory_space<vmem>>, vector<16xf32>,
        %mul3A_1339 = arith.mulf %gather3A_1285, %get3A_1338 : vector<16xf32>
        %add3A_1340 = arith.addf %scan3A_1279, %mul3A_1339 : vector<16xf32>
        %mul3A_1341 = arith.constant 8 : i32
        %mul3A_1342 = arith.muli %scan3A_782, %mul3A_1341 : i32
        %add3A_1343 = arith.constant 5 : i32
        %add3A_1344 = arith.addi %mul3A_1342, %add3A_1343 : i32
        %mul3A_1345 = arith.constant 16 : i32
        %mul3A_1346 = arith.muli %add3A_1344, %mul3A_1345 : i32
        %get3A_1347 = arith.index_cast %scan3A_1274 : i32 to index
        %get3A_1348 = arith.index_cast %mul3A_1346 : i32 to index
        %get3A_1349 = tpu.vector_load %arg9[%get3A_1347, %get3A_1348] {strides = array<i32>} : memref<32x1024xf32, #tpu.memory_space<vmem>>, vector<16xf32>,
        %mul3A_1350 = arith.mulf %gather3A_1285, %get3A_1349 : vector<16xf32>
        %add3A_1351 = arith.addf %scan3A_1280, %mul3A_1350 : vector<16xf32>
        %mul3A_1352 = arith.constant 8 : i32
        %mul3A_1353 = arith.muli %scan3A_782, %mul3A_1352 : i32
        %add3A_1354 = arith.constant 6 : i32
        %add3A_1355 = arith.addi %mul3A_1353, %add3A_1354 : i32
        %mul3A_1356 = arith.constant 16 : i32
        %mul3A_1357 = arith.muli %add3A_1355, %mul3A_1356 : i32
        %get3A_1358 = arith.index_cast %scan3A_1274 : i32 to index
        %get3A_1359 = arith.index_cast %mul3A_1357 : i32 to index
        %get3A_1360 = tpu.vector_load %arg9[%get3A_1358, %get3A_1359] {strides = array<i32>} : memref<32x1024xf32, #tpu.memory_space<vmem>>, vector<16xf32>,
        %mul3A_1361 = arith.mulf %gather3A_1285, %get3A_1360 : vector<16xf32>
        %add3A_1362 = arith.addf %scan3A_1281, %mul3A_1361 : vector<16xf32>
        %mul3A_1363 = arith.constant 8 : i32
        %mul3A_1364 = arith.muli %scan3A_782, %mul3A_1363 : i32
        %add3A_1365 = arith.constant 7 : i32
        %add3A_1366 = arith.addi %mul3A_1364, %add3A_1365 : i32
        %mul3A_1367 = arith.constant 16 : i32
        %mul3A_1368 = arith.muli %add3A_1366, %mul3A_1367 : i32
        %get3A_1369 = arith.index_cast %scan3A_1274 : i32 to index
        %get3A_1370 = arith.index_cast %mul3A_1368 : i32 to index
        %get3A_1371 = tpu.vector_load %arg9[%get3A_1369, %get3A_1370] {strides = array<i32>} : memref<32x1024xf32, #tpu.memory_space<vmem>>, vector<16xf32>,
        %mul3A_1372 = arith.mulf %gather3A_1285, %get3A_1371 : vector<16xf32>
        %add3A_1373 = arith.addf %scan3A_1282, %mul3A_1372 : vector<16xf32>
        %scan3A_1374 = arith.constant 1 : i32
        %scan3A_1375 = arith.addi %scan3A_1274, %scan3A_1374 : i32
        %add3A_1376 = vector.broadcast %scan3A_1375 : i32 to vector<16xi32>
        %add3A_1377 = arith.addi %broadcast_in_dim3A_704, %add3A_1376 : vector<16xi32>
        %gather3A_1378 = tpu.vector_load_idx %arg7[%add3A_1377] : memref<64xf32, #tpu.memory_space<vmem>>[vector<16xi32>], vector<16xf32>,
        %mul3A_1379 = arith.constant 8 : i32
        %mul3A_1380 = arith.muli %scan3A_782, %mul3A_1379 : i32
        %add3A_1381 = arith.constant 0 : i32
        %add3A_1382 = arith.addi %mul3A_1380, %add3A_1381 : i32
        %mul3A_1383 = arith.constant 16 : i32
        %mul3A_1384 = arith.muli %add3A_1382, %mul3A_1383 : i32
        %get3A_1385 = arith.index_cast %scan3A_1375 : i32 to index
        %get3A_1386 = arith.index_cast %mul3A_1384 : i32 to index
        %get3A_1387 = tpu.vector_load %arg9[%get3A_1385, %get3A_1386] {strides = array<i32>} : memref<32x1024xf32, #tpu.memory_space<vmem>>, vector<16xf32>,
        %mul3A_1388 = arith.mulf %gather3A_1378, %get3A_1387 : vector<16xf32>
        %add3A_1389 = arith.addf %add3A_1296, %mul3A_1388 : vector<16xf32>
        %mul3A_1390 = arith.constant 8 : i32
        %mul3A_1391 = arith.muli %scan3A_782, %mul3A_1390 : i32
        %add3A_1392 = arith.constant 1 : i32
        %add3A_1393 = arith.addi %mul3A_1391, %add3A_1392 : i32
        %mul3A_1394 = arith.constant 16 : i32
        %mul3A_1395 = arith.muli %add3A_1393, %mul3A_1394 : i32
        %get3A_1396 = arith.index_cast %scan3A_1375 : i32 to index
        %get3A_1397 = arith.index_cast %mul3A_1395 : i32 to index
        %get3A_1398 = tpu.vector_load %arg9[%get3A_1396, %get3A_1397] {strides = array<i32>} : memref<32x1024xf32, #tpu.memory_space<vmem>>, vector<16xf32>,
        %mul3A_1399 = arith.mulf %gather3A_1378, %get3A_1398 : vector<16xf32>
        %add3A_1400 = arith.addf %add3A_1307, %mul3A_1399 : vector<16xf32>
        %mul3A_1401 = arith.constant 8 : i32
        %mul3A_1402 = arith.muli %scan3A_782, %mul3A_1401 : i32
        %add3A_1403 = arith.constant 2 : i32
        %add3A_1404 = arith.addi %mul3A_1402, %add3A_1403 : i32
        %mul3A_1405 = arith.constant 16 : i32
        %mul3A_1406 = arith.muli %add3A_1404, %mul3A_1405 : i32
        %get3A_1407 = arith.index_cast %scan3A_1375 : i32 to index
        %get3A_1408 = arith.index_cast %mul3A_1406 : i32 to index
        %get3A_1409 = tpu.vector_load %arg9[%get3A_1407, %get3A_1408] {strides = array<i32>} : memref<32x1024xf32, #tpu.memory_space<vmem>>, vector<16xf32>,
        %mul3A_1410 = arith.mulf %gather3A_1378, %get3A_1409 : vector<16xf32>
        %add3A_1411 = arith.addf %add3A_1318, %mul3A_1410 : vector<16xf32>
        %mul3A_1412 = arith.constant 8 : i32
        %mul3A_1413 = arith.muli %scan3A_782, %mul3A_1412 : i32
        %add3A_1414 = arith.constant 3 : i32
        %add3A_1415 = arith.addi %mul3A_1413, %add3A_1414 : i32
        %mul3A_1416 = arith.constant 16 : i32
        %mul3A_1417 = arith.muli %add3A_1415, %mul3A_1416 : i32
        %get3A_1418 = arith.index_cast %scan3A_1375 : i32 to index
        %get3A_1419 = arith.index_cast %mul3A_1417 : i32 to index
        %get3A_1420 = tpu.vector_load %arg9[%get3A_1418, %get3A_1419] {strides = array<i32>} : memref<32x1024xf32, #tpu.memory_space<vmem>>, vector<16xf32>,
        %mul3A_1421 = arith.mulf %gather3A_1378, %get3A_1420 : vector<16xf32>
        %add3A_1422 = arith.addf %add3A_1329, %mul3A_1421 : vector<16xf32>
        %mul3A_1423 = arith.constant 8 : i32
        %mul3A_1424 = arith.muli %scan3A_782, %mul3A_1423 : i32
        %add3A_1425 = arith.constant 4 : i32
        %add3A_1426 = arith.addi %mul3A_1424, %add3A_1425 : i32
        %mul3A_1427 = arith.constant 16 : i32
        %mul3A_1428 = arith.muli %add3A_1426, %mul3A_1427 : i32
        %get3A_1429 = arith.index_cast %scan3A_1375 : i32 to index
        %get3A_1430 = arith.index_cast %mul3A_1428 : i32 to index
        %get3A_1431 = tpu.vector_load %arg9[%get3A_1429, %get3A_1430] {strides = array<i32>} : memref<32x1024xf32, #tpu.memory_space<vmem>>, vector<16xf32>,
        %mul3A_1432 = arith.mulf %gather3A_1378, %get3A_1431 : vector<16xf32>
        %add3A_1433 = arith.addf %add3A_1340, %mul3A_1432 : vector<16xf32>
        %mul3A_1434 = arith.constant 8 : i32
        %mul3A_1435 = arith.muli %scan3A_782, %mul3A_1434 : i32
        %add3A_1436 = arith.constant 5 : i32
        %add3A_1437 = arith.addi %mul3A_1435, %add3A_1436 : i32
        %mul3A_1438 = arith.constant 16 : i32
        %mul3A_1439 = arith.muli %add3A_1437, %mul3A_1438 : i32
        %get3A_1440 = arith.index_cast %scan3A_1375 : i32 to index
        %get3A_1441 = arith.index_cast %mul3A_1439 : i32 to index
        %get3A_1442 = tpu.vector_load %arg9[%get3A_1440, %get3A_1441] {strides = array<i32>} : memref<32x1024xf32, #tpu.memory_space<vmem>>, vector<16xf32>,
        %mul3A_1443 = arith.mulf %gather3A_1378, %get3A_1442 : vector<16xf32>
        %add3A_1444 = arith.addf %add3A_1351, %mul3A_1443 : vector<16xf32>
        %mul3A_1445 = arith.constant 8 : i32
        %mul3A_1446 = arith.muli %scan3A_782, %mul3A_1445 : i32
        %add3A_1447 = arith.constant 6 : i32
        %add3A_1448 = arith.addi %mul3A_1446, %add3A_1447 : i32
        %mul3A_1449 = arith.constant 16 : i32
        %mul3A_1450 = arith.muli %add3A_1448, %mul3A_1449 : i32
        %get3A_1451 = arith.index_cast %scan3A_1375 : i32 to index
        %get3A_1452 = arith.index_cast %mul3A_1450 : i32 to index
        %get3A_1453 = tpu.vector_load %arg9[%get3A_1451, %get3A_1452] {strides = array<i32>} : memref<32x1024xf32, #tpu.memory_space<vmem>>, vector<16xf32>,
        %mul3A_1454 = arith.mulf %gather3A_1378, %get3A_1453 : vector<16xf32>
        %add3A_1455 = arith.addf %add3A_1362, %mul3A_1454 : vector<16xf32>
        %mul3A_1456 = arith.constant 8 : i32
        %mul3A_1457 = arith.muli %scan3A_782, %mul3A_1456 : i32
        %add3A_1458 = arith.constant 7 : i32
        %add3A_1459 = arith.addi %mul3A_1457, %add3A_1458 : i32
        %mul3A_1460 = arith.constant 16 : i32
        %mul3A_1461 = arith.muli %add3A_1459, %mul3A_1460 : i32
        %get3A_1462 = arith.index_cast %scan3A_1375 : i32 to index
        %get3A_1463 = arith.index_cast %mul3A_1461 : i32 to index
        %get3A_1464 = tpu.vector_load %arg9[%get3A_1462, %get3A_1463] {strides = array<i32>} : memref<32x1024xf32, #tpu.memory_space<vmem>>, vector<16xf32>,
        %mul3A_1465 = arith.mulf %gather3A_1378, %get3A_1464 : vector<16xf32>
        %add3A_1466 = arith.addf %add3A_1373, %mul3A_1465 : vector<16xf32>
        scf.yield %add3A_1389, %add3A_1400, %add3A_1411, %add3A_1422, %add3A_1433, %add3A_1444, %add3A_1455, %add3A_1466 : vector<16xf32>, vector<16xf32>, vector<16xf32>, vector<16xf32>, vector<16xf32>, vector<16xf32>, vector<16xf32>, vector<16xf32>
      }
      %scan3A_793 = arith.constant 16 : i32
      %mul3A_794 = arith.constant 8 : i32
      %mul3A_795 = arith.muli %scan3A_782, %mul3A_794 : i32
      %add3A_796 = arith.constant 0 : i32
      %add3A_797 = arith.addi %mul3A_795, %add3A_796 : i32
      %mul3A_798 = arith.constant 16 : i32
      %mul3A_799 = arith.muli %add3A_797, %mul3A_798 : i32
      %get3A_800 = arith.constant 0 : i32
      %get3A_801 = arith.index_cast %get3A_800 : i32 to index
      %get3A_802 = arith.index_cast %mul3A_799 : i32 to index
      %get3A_803 = tpu.vector_load %arg8[%get3A_801, %get3A_802] {strides = array<i32>} : memref<5x1024xf32, #tpu.memory_space<vmem>>, vector<16xf32>,
      %mul3A_804 = arith.mulf %scan3A_792#0, %get3A_803 : vector<16xf32>
      %add3A_805 = arith.addf %scan3A_783, %mul3A_804 : vector<16xf32>
      %mul3A_806 = arith.constant 8 : i32
      %mul3A_807 = arith.muli %scan3A_782, %mul3A_806 : i32
      %add3A_808 = arith.constant 0 : i32
      %add3A_809 = arith.addi %mul3A_807, %add3A_808 : i32
      %mul3A_810 = arith.constant 16 : i32
      %mul3A_811 = arith.muli %add3A_809, %mul3A_810 : i32
      %get3A_812 = arith.constant 1 : i32
      %get3A_813 = arith.index_cast %get3A_812 : i32 to index
      %get3A_814 = arith.index_cast %mul3A_811 : i32 to index
      %get3A_815 = tpu.vector_load %arg8[%get3A_813, %get3A_814] {strides = array<i32>} : memref<5x1024xf32, #tpu.memory_space<vmem>>, vector<16xf32>,
      %mul3A_816 = arith.mulf %scan3A_792#0, %get3A_815 : vector<16xf32>
      %add3A_817 = arith.addf %scan3A_784, %mul3A_816 : vector<16xf32>
      %mul3A_818 = arith.constant 8 : i32
      %mul3A_819 = arith.muli %scan3A_782, %mul3A_818 : i32
      %add3A_820 = arith.constant 0 : i32
      %add3A_821 = arith.addi %mul3A_819, %add3A_820 : i32
      %mul3A_822 = arith.constant 16 : i32
      %mul3A_823 = arith.muli %add3A_821, %mul3A_822 : i32
      %get3A_824 = arith.constant 2 : i32
      %get3A_825 = arith.index_cast %get3A_824 : i32 to index
      %get3A_826 = arith.index_cast %mul3A_823 : i32 to index
      %get3A_827 = tpu.vector_load %arg8[%get3A_825, %get3A_826] {strides = array<i32>} : memref<5x1024xf32, #tpu.memory_space<vmem>>, vector<16xf32>,
      %mul3A_828 = arith.mulf %scan3A_792#0, %get3A_827 : vector<16xf32>
      %add3A_829 = arith.addf %scan3A_785, %mul3A_828 : vector<16xf32>
      %mul3A_830 = arith.constant 8 : i32
      %mul3A_831 = arith.muli %scan3A_782, %mul3A_830 : i32
      %add3A_832 = arith.constant 0 : i32
      %add3A_833 = arith.addi %mul3A_831, %add3A_832 : i32
      %mul3A_834 = arith.constant 16 : i32
      %mul3A_835 = arith.muli %add3A_833, %mul3A_834 : i32
      %get3A_836 = arith.constant 3 : i32
      %get3A_837 = arith.index_cast %get3A_836 : i32 to index
      %get3A_838 = arith.index_cast %mul3A_835 : i32 to index
      %get3A_839 = tpu.vector_load %arg8[%get3A_837, %get3A_838] {strides = array<i32>} : memref<5x1024xf32, #tpu.memory_space<vmem>>, vector<16xf32>,
      %mul3A_840 = arith.mulf %scan3A_792#0, %get3A_839 : vector<16xf32>
      %add3A_841 = arith.addf %scan3A_786, %mul3A_840 : vector<16xf32>
      %mul3A_842 = arith.constant 8 : i32
      %mul3A_843 = arith.muli %scan3A_782, %mul3A_842 : i32
      %add3A_844 = arith.constant 0 : i32
      %add3A_845 = arith.addi %mul3A_843, %add3A_844 : i32
      %mul3A_846 = arith.constant 16 : i32
      %mul3A_847 = arith.muli %add3A_845, %mul3A_846 : i32
      %get3A_848 = arith.constant 4 : i32
      %get3A_849 = arith.index_cast %get3A_848 : i32 to index
      %get3A_850 = arith.index_cast %mul3A_847 : i32 to index
      %get3A_851 = tpu.vector_load %arg8[%get3A_849, %get3A_850] {strides = array<i32>} : memref<5x1024xf32, #tpu.memory_space<vmem>>, vector<16xf32>,
      %mul3A_852 = arith.mulf %scan3A_792#0, %get3A_851 : vector<16xf32>
      %add3A_853 = arith.addf %scan3A_787, %mul3A_852 : vector<16xf32>
      %mul3A_854 = arith.constant 8 : i32
      %mul3A_855 = arith.muli %scan3A_782, %mul3A_854 : i32
      %add3A_856 = arith.constant 1 : i32
      %add3A_857 = arith.addi %mul3A_855, %add3A_856 : i32
      %mul3A_858 = arith.constant 16 : i32
      %mul3A_859 = arith.muli %add3A_857, %mul3A_858 : i32
      %get3A_860 = arith.constant 0 : i32
      %get3A_861 = arith.index_cast %get3A_860 : i32 to index
      %get3A_862 = arith.index_cast %mul3A_859 : i32 to index
      %get3A_863 = tpu.vector_load %arg8[%get3A_861, %get3A_862] {strides = array<i32>} : memref<5x1024xf32, #tpu.memory_space<vmem>>, vector<16xf32>,
      %mul3A_864 = arith.mulf %scan3A_792#1, %get3A_863 : vector<16xf32>
      %add3A_865 = arith.addf %add3A_805, %mul3A_864 : vector<16xf32>
      %mul3A_866 = arith.constant 8 : i32
      %mul3A_867 = arith.muli %scan3A_782, %mul3A_866 : i32
      %add3A_868 = arith.constant 1 : i32
      %add3A_869 = arith.addi %mul3A_867, %add3A_868 : i32
      %mul3A_870 = arith.constant 16 : i32
      %mul3A_871 = arith.muli %add3A_869, %mul3A_870 : i32
      %get3A_872 = arith.constant 1 : i32
      %get3A_873 = arith.index_cast %get3A_872 : i32 to index
      %get3A_874 = arith.index_cast %mul3A_871 : i32 to index
      %get3A_875 = tpu.vector_load %arg8[%get3A_873, %get3A_874] {strides = array<i32>} : memref<5x1024xf32, #tpu.memory_space<vmem>>, vector<16xf32>,
      %mul3A_876 = arith.mulf %scan3A_792#1, %get3A_875 : vector<16xf32>
      %add3A_877 = arith.addf %add3A_817, %mul3A_876 : vector<16xf32>
      %mul3A_878 = arith.constant 8 : i32
      %mul3A_879 = arith.muli %scan3A_782, %mul3A_878 : i32
      %add3A_880 = arith.constant 1 : i32
      %add3A_881 = arith.addi %mul3A_879, %add3A_880 : i32
      %mul3A_882 = arith.constant 16 : i32
      %mul3A_883 = arith.muli %add3A_881, %mul3A_882 : i32
      %get3A_884 = arith.constant 2 : i32
      %get3A_885 = arith.index_cast %get3A_884 : i32 to index
      %get3A_886 = arith.index_cast %mul3A_883 : i32 to index
      %get3A_887 = tpu.vector_load %arg8[%get3A_885, %get3A_886] {strides = array<i32>} : memref<5x1024xf32, #tpu.memory_space<vmem>>, vector<16xf32>,
      %mul3A_888 = arith.mulf %scan3A_792#1, %get3A_887 : vector<16xf32>
      %add3A_889 = arith.addf %add3A_829, %mul3A_888 : vector<16xf32>
      %mul3A_890 = arith.constant 8 : i32
      %mul3A_891 = arith.muli %scan3A_782, %mul3A_890 : i32
      %add3A_892 = arith.constant 1 : i32
      %add3A_893 = arith.addi %mul3A_891, %add3A_892 : i32
      %mul3A_894 = arith.constant 16 : i32
      %mul3A_895 = arith.muli %add3A_893, %mul3A_894 : i32
      %get3A_896 = arith.constant 3 : i32
      %get3A_897 = arith.index_cast %get3A_896 : i32 to index
      %get3A_898 = arith.index_cast %mul3A_895 : i32 to index
      %get3A_899 = tpu.vector_load %arg8[%get3A_897, %get3A_898] {strides = array<i32>} : memref<5x1024xf32, #tpu.memory_space<vmem>>, vector<16xf32>,
      %mul3A_900 = arith.mulf %scan3A_792#1, %get3A_899 : vector<16xf32>
      %add3A_901 = arith.addf %add3A_841, %mul3A_900 : vector<16xf32>
      %mul3A_902 = arith.constant 8 : i32
      %mul3A_903 = arith.muli %scan3A_782, %mul3A_902 : i32
      %add3A_904 = arith.constant 1 : i32
      %add3A_905 = arith.addi %mul3A_903, %add3A_904 : i32
      %mul3A_906 = arith.constant 16 : i32
      %mul3A_907 = arith.muli %add3A_905, %mul3A_906 : i32
      %get3A_908 = arith.constant 4 : i32
      %get3A_909 = arith.index_cast %get3A_908 : i32 to index
      %get3A_910 = arith.index_cast %mul3A_907 : i32 to index
      %get3A_911 = tpu.vector_load %arg8[%get3A_909, %get3A_910] {strides = array<i32>} : memref<5x1024xf32, #tpu.memory_space<vmem>>, vector<16xf32>,
      %mul3A_912 = arith.mulf %scan3A_792#1, %get3A_911 : vector<16xf32>
      %add3A_913 = arith.addf %add3A_853, %mul3A_912 : vector<16xf32>
      %mul3A_914 = arith.constant 8 : i32
      %mul3A_915 = arith.muli %scan3A_782, %mul3A_914 : i32
      %add3A_916 = arith.constant 2 : i32
      %add3A_917 = arith.addi %mul3A_915, %add3A_916 : i32
      %mul3A_918 = arith.constant 16 : i32
      %mul3A_919 = arith.muli %add3A_917, %mul3A_918 : i32
      %get3A_920 = arith.constant 0 : i32
      %get3A_921 = arith.index_cast %get3A_920 : i32 to index
      %get3A_922 = arith.index_cast %mul3A_919 : i32 to index
      %get3A_923 = tpu.vector_load %arg8[%get3A_921, %get3A_922] {strides = array<i32>} : memref<5x1024xf32, #tpu.memory_space<vmem>>, vector<16xf32>,
      %mul3A_924 = arith.mulf %scan3A_792#2, %get3A_923 : vector<16xf32>
      %add3A_925 = arith.addf %add3A_865, %mul3A_924 : vector<16xf32>
      %mul3A_926 = arith.constant 8 : i32
      %mul3A_927 = arith.muli %scan3A_782, %mul3A_926 : i32
      %add3A_928 = arith.constant 2 : i32
      %add3A_929 = arith.addi %mul3A_927, %add3A_928 : i32
      %mul3A_930 = arith.constant 16 : i32
      %mul3A_931 = arith.muli %add3A_929, %mul3A_930 : i32
      %get3A_932 = arith.constant 1 : i32
      %get3A_933 = arith.index_cast %get3A_932 : i32 to index
      %get3A_934 = arith.index_cast %mul3A_931 : i32 to index
      %get3A_935 = tpu.vector_load %arg8[%get3A_933, %get3A_934] {strides = array<i32>} : memref<5x1024xf32, #tpu.memory_space<vmem>>, vector<16xf32>,
      %mul3A_936 = arith.mulf %scan3A_792#2, %get3A_935 : vector<16xf32>
      %add3A_937 = arith.addf %add3A_877, %mul3A_936 : vector<16xf32>
      %mul3A_938 = arith.constant 8 : i32
      %mul3A_939 = arith.muli %scan3A_782, %mul3A_938 : i32
      %add3A_940 = arith.constant 2 : i32
      %add3A_941 = arith.addi %mul3A_939, %add3A_940 : i32
      %mul3A_942 = arith.constant 16 : i32
      %mul3A_943 = arith.muli %add3A_941, %mul3A_942 : i32
      %get3A_944 = arith.constant 2 : i32
      %get3A_945 = arith.index_cast %get3A_944 : i32 to index
      %get3A_946 = arith.index_cast %mul3A_943 : i32 to index
      %get3A_947 = tpu.vector_load %arg8[%get3A_945, %get3A_946] {strides = array<i32>} : memref<5x1024xf32, #tpu.memory_space<vmem>>, vector<16xf32>,
      %mul3A_948 = arith.mulf %scan3A_792#2, %get3A_947 : vector<16xf32>
      %add3A_949 = arith.addf %add3A_889, %mul3A_948 : vector<16xf32>
      %mul3A_950 = arith.constant 8 : i32
      %mul3A_951 = arith.muli %scan3A_782, %mul3A_950 : i32
      %add3A_952 = arith.constant 2 : i32
      %add3A_953 = arith.addi %mul3A_951, %add3A_952 : i32
      %mul3A_954 = arith.constant 16 : i32
      %mul3A_955 = arith.muli %add3A_953, %mul3A_954 : i32
      %get3A_956 = arith.constant 3 : i32
      %get3A_957 = arith.index_cast %get3A_956 : i32 to index
      %get3A_958 = arith.index_cast %mul3A_955 : i32 to index
      %get3A_959 = tpu.vector_load %arg8[%get3A_957, %get3A_958] {strides = array<i32>} : memref<5x1024xf32, #tpu.memory_space<vmem>>, vector<16xf32>,
      %mul3A_960 = arith.mulf %scan3A_792#2, %get3A_959 : vector<16xf32>
      %add3A_961 = arith.addf %add3A_901, %mul3A_960 : vector<16xf32>
      %mul3A_962 = arith.constant 8 : i32
      %mul3A_963 = arith.muli %scan3A_782, %mul3A_962 : i32
      %add3A_964 = arith.constant 2 : i32
      %add3A_965 = arith.addi %mul3A_963, %add3A_964 : i32
      %mul3A_966 = arith.constant 16 : i32
      %mul3A_967 = arith.muli %add3A_965, %mul3A_966 : i32
      %get3A_968 = arith.constant 4 : i32
      %get3A_969 = arith.index_cast %get3A_968 : i32 to index
      %get3A_970 = arith.index_cast %mul3A_967 : i32 to index
      %get3A_971 = tpu.vector_load %arg8[%get3A_969, %get3A_970] {strides = array<i32>} : memref<5x1024xf32, #tpu.memory_space<vmem>>, vector<16xf32>,
      %mul3A_972 = arith.mulf %scan3A_792#2, %get3A_971 : vector<16xf32>
      %add3A_973 = arith.addf %add3A_913, %mul3A_972 : vector<16xf32>
      %mul3A_974 = arith.constant 8 : i32
      %mul3A_975 = arith.muli %scan3A_782, %mul3A_974 : i32
      %add3A_976 = arith.constant 3 : i32
      %add3A_977 = arith.addi %mul3A_975, %add3A_976 : i32
      %mul3A_978 = arith.constant 16 : i32
      %mul3A_979 = arith.muli %add3A_977, %mul3A_978 : i32
      %get3A_980 = arith.constant 0 : i32
      %get3A_981 = arith.index_cast %get3A_980 : i32 to index
      %get3A_982 = arith.index_cast %mul3A_979 : i32 to index
      %get3A_983 = tpu.vector_load %arg8[%get3A_981, %get3A_982] {strides = array<i32>} : memref<5x1024xf32, #tpu.memory_space<vmem>>, vector<16xf32>,
      %mul3A_984 = arith.mulf %scan3A_792#3, %get3A_983 : vector<16xf32>
      %add3A_985 = arith.addf %add3A_925, %mul3A_984 : vector<16xf32>
      %mul3A_986 = arith.constant 8 : i32
      %mul3A_987 = arith.muli %scan3A_782, %mul3A_986 : i32
      %add3A_988 = arith.constant 3 : i32
      %add3A_989 = arith.addi %mul3A_987, %add3A_988 : i32
      %mul3A_990 = arith.constant 16 : i32
      %mul3A_991 = arith.muli %add3A_989, %mul3A_990 : i32
      %get3A_992 = arith.constant 1 : i32
      %get3A_993 = arith.index_cast %get3A_992 : i32 to index
      %get3A_994 = arith.index_cast %mul3A_991 : i32 to index
      %get3A_995 = tpu.vector_load %arg8[%get3A_993, %get3A_994] {strides = array<i32>} : memref<5x1024xf32, #tpu.memory_space<vmem>>, vector<16xf32>,
      %mul3A_996 = arith.mulf %scan3A_792#3, %get3A_995 : vector<16xf32>
      %add3A_997 = arith.addf %add3A_937, %mul3A_996 : vector<16xf32>
      %mul3A_998 = arith.constant 8 : i32
      %mul3A_999 = arith.muli %scan3A_782, %mul3A_998 : i32
      %add3A_1000 = arith.constant 3 : i32
      %add3A_1001 = arith.addi %mul3A_999, %add3A_1000 : i32
      %mul3A_1002 = arith.constant 16 : i32
      %mul3A_1003 = arith.muli %add3A_1001, %mul3A_1002 : i32
      %get3A_1004 = arith.constant 2 : i32
      %get3A_1005 = arith.index_cast %get3A_1004 : i32 to index
      %get3A_1006 = arith.index_cast %mul3A_1003 : i32 to index
      %get3A_1007 = tpu.vector_load %arg8[%get3A_1005, %get3A_1006] {strides = array<i32>} : memref<5x1024xf32, #tpu.memory_space<vmem>>, vector<16xf32>,
      %mul3A_1008 = arith.mulf %scan3A_792#3, %get3A_1007 : vector<16xf32>
      %add3A_1009 = arith.addf %add3A_949, %mul3A_1008 : vector<16xf32>
      %mul3A_1010 = arith.constant 8 : i32
      %mul3A_1011 = arith.muli %scan3A_782, %mul3A_1010 : i32
      %add3A_1012 = arith.constant 3 : i32
      %add3A_1013 = arith.addi %mul3A_1011, %add3A_1012 : i32
      %mul3A_1014 = arith.constant 16 : i32
      %mul3A_1015 = arith.muli %add3A_1013, %mul3A_1014 : i32
      %get3A_1016 = arith.constant 3 : i32
      %get3A_1017 = arith.index_cast %get3A_1016 : i32 to index
      %get3A_1018 = arith.index_cast %mul3A_1015 : i32 to index
      %get3A_1019 = tpu.vector_load %arg8[%get3A_1017, %get3A_1018] {strides = array<i32>} : memref<5x1024xf32, #tpu.memory_space<vmem>>, vector<16xf32>,
      %mul3A_1020 = arith.mulf %scan3A_792#3, %get3A_1019 : vector<16xf32>
      %add3A_1021 = arith.addf %add3A_961, %mul3A_1020 : vector<16xf32>
      %mul3A_1022 = arith.constant 8 : i32
      %mul3A_1023 = arith.muli %scan3A_782, %mul3A_1022 : i32
      %add3A_1024 = arith.constant 3 : i32
      %add3A_1025 = arith.addi %mul3A_1023, %add3A_1024 : i32
      %mul3A_1026 = arith.constant 16 : i32
      %mul3A_1027 = arith.muli %add3A_1025, %mul3A_1026 : i32
      %get3A_1028 = arith.constant 4 : i32
      %get3A_1029 = arith.index_cast %get3A_1028 : i32 to index
      %get3A_1030 = arith.index_cast %mul3A_1027 : i32 to index
      %get3A_1031 = tpu.vector_load %arg8[%get3A_1029, %get3A_1030] {strides = array<i32>} : memref<5x1024xf32, #tpu.memory_space<vmem>>, vector<16xf32>,
      %mul3A_1032 = arith.mulf %scan3A_792#3, %get3A_1031 : vector<16xf32>
      %add3A_1033 = arith.addf %add3A_973, %mul3A_1032 : vector<16xf32>
      %mul3A_1034 = arith.constant 8 : i32
      %mul3A_1035 = arith.muli %scan3A_782, %mul3A_1034 : i32
      %add3A_1036 = arith.constant 4 : i32
      %add3A_1037 = arith.addi %mul3A_1035, %add3A_1036 : i32
      %mul3A_1038 = arith.constant 16 : i32
      %mul3A_1039 = arith.muli %add3A_1037, %mul3A_1038 : i32
      %get3A_1040 = arith.constant 0 : i32
      %get3A_1041 = arith.index_cast %get3A_1040 : i32 to index
      %get3A_1042 = arith.index_cast %mul3A_1039 : i32 to index
      %get3A_1043 = tpu.vector_load %arg8[%get3A_1041, %get3A_1042] {strides = array<i32>} : memref<5x1024xf32, #tpu.memory_space<vmem>>, vector<16xf32>,
      %mul3A_1044 = arith.mulf %scan3A_792#4, %get3A_1043 : vector<16xf32>
      %add3A_1045 = arith.addf %add3A_985, %mul3A_1044 : vector<16xf32>
      %mul3A_1046 = arith.constant 8 : i32
      %mul3A_1047 = arith.muli %scan3A_782, %mul3A_1046 : i32
      %add3A_1048 = arith.constant 4 : i32
      %add3A_1049 = arith.addi %mul3A_1047, %add3A_1048 : i32
      %mul3A_1050 = arith.constant 16 : i32
      %mul3A_1051 = arith.muli %add3A_1049, %mul3A_1050 : i32
      %get3A_1052 = arith.constant 1 : i32
      %get3A_1053 = arith.index_cast %get3A_1052 : i32 to index
      %get3A_1054 = arith.index_cast %mul3A_1051 : i32 to index
      %get3A_1055 = tpu.vector_load %arg8[%get3A_1053, %get3A_1054] {strides = array<i32>} : memref<5x1024xf32, #tpu.memory_space<vmem>>, vector<16xf32>,
      %mul3A_1056 = arith.mulf %scan3A_792#4, %get3A_1055 : vector<16xf32>
      %add3A_1057 = arith.addf %add3A_997, %mul3A_1056 : vector<16xf32>
      %mul3A_1058 = arith.constant 8 : i32
      %mul3A_1059 = arith.muli %scan3A_782, %mul3A_1058 : i32
      %add3A_1060 = arith.constant 4 : i32
      %add3A_1061 = arith.addi %mul3A_1059, %add3A_1060 : i32
      %mul3A_1062 = arith.constant 16 : i32
      %mul3A_1063 = arith.muli %add3A_1061, %mul3A_1062 : i32
      %get3A_1064 = arith.constant 2 : i32
      %get3A_1065 = arith.index_cast %get3A_1064 : i32 to index
      %get3A_1066 = arith.index_cast %mul3A_1063 : i32 to index
      %get3A_1067 = tpu.vector_load %arg8[%get3A_1065, %get3A_1066] {strides = array<i32>} : memref<5x1024xf32, #tpu.memory_space<vmem>>, vector<16xf32>,
      %mul3A_1068 = arith.mulf %scan3A_792#4, %get3A_1067 : vector<16xf32>
      %add3A_1069 = arith.addf %add3A_1009, %mul3A_1068 : vector<16xf32>
      %mul3A_1070 = arith.constant 8 : i32
      %mul3A_1071 = arith.muli %scan3A_782, %mul3A_1070 : i32
      %add3A_1072 = arith.constant 4 : i32
      %add3A_1073 = arith.addi %mul3A_1071, %add3A_1072 : i32
      %mul3A_1074 = arith.constant 16 : i32
      %mul3A_1075 = arith.muli %add3A_1073, %mul3A_1074 : i32
      %get3A_1076 = arith.constant 3 : i32
      %get3A_1077 = arith.index_cast %get3A_1076 : i32 to index
      %get3A_1078 = arith.index_cast %mul3A_1075 : i32 to index
      %get3A_1079 = tpu.vector_load %arg8[%get3A_1077, %get3A_1078] {strides = array<i32>} : memref<5x1024xf32, #tpu.memory_space<vmem>>, vector<16xf32>,
      %mul3A_1080 = arith.mulf %scan3A_792#4, %get3A_1079 : vector<16xf32>
      %add3A_1081 = arith.addf %add3A_1021, %mul3A_1080 : vector<16xf32>
      %mul3A_1082 = arith.constant 8 : i32
      %mul3A_1083 = arith.muli %scan3A_782, %mul3A_1082 : i32
      %add3A_1084 = arith.constant 4 : i32
      %add3A_1085 = arith.addi %mul3A_1083, %add3A_1084 : i32
      %mul3A_1086 = arith.constant 16 : i32
      %mul3A_1087 = arith.muli %add3A_1085, %mul3A_1086 : i32
      %get3A_1088 = arith.constant 4 : i32
      %get3A_1089 = arith.index_cast %get3A_1088 : i32 to index
      %get3A_1090 = arith.index_cast %mul3A_1087 : i32 to index
      %get3A_1091 = tpu.vector_load %arg8[%get3A_1089, %get3A_1090] {strides = array<i32>} : memref<5x1024xf32, #tpu.memory_space<vmem>>, vector<16xf32>,
      %mul3A_1092 = arith.mulf %scan3A_792#4, %get3A_1091 : vector<16xf32>
      %add3A_1093 = arith.addf %add3A_1033, %mul3A_1092 : vector<16xf32>
      %mul3A_1094 = arith.constant 8 : i32
      %mul3A_1095 = arith.muli %scan3A_782, %mul3A_1094 : i32
      %add3A_1096 = arith.constant 5 : i32
      %add3A_1097 = arith.addi %mul3A_1095, %add3A_1096 : i32
      %mul3A_1098 = arith.constant 16 : i32
      %mul3A_1099 = arith.muli %add3A_1097, %mul3A_1098 : i32
      %get3A_1100 = arith.constant 0 : i32
      %get3A_1101 = arith.index_cast %get3A_1100 : i32 to index
      %get3A_1102 = arith.index_cast %mul3A_1099 : i32 to index
      %get3A_1103 = tpu.vector_load %arg8[%get3A_1101, %get3A_1102] {strides = array<i32>} : memref<5x1024xf32, #tpu.memory_space<vmem>>, vector<16xf32>,
      %mul3A_1104 = arith.mulf %scan3A_792#5, %get3A_1103 : vector<16xf32>
      %add3A_1105 = arith.addf %add3A_1045, %mul3A_1104 : vector<16xf32>
      %mul3A_1106 = arith.constant 8 : i32
      %mul3A_1107 = arith.muli %scan3A_782, %mul3A_1106 : i32
      %add3A_1108 = arith.constant 5 : i32
      %add3A_1109 = arith.addi %mul3A_1107, %add3A_1108 : i32
      %mul3A_1110 = arith.constant 16 : i32
      %mul3A_1111 = arith.muli %add3A_1109, %mul3A_1110 : i32
      %get3A_1112 = arith.constant 1 : i32
      %get3A_1113 = arith.index_cast %get3A_1112 : i32 to index
      %get3A_1114 = arith.index_cast %mul3A_1111 : i32 to index
      %get3A_1115 = tpu.vector_load %arg8[%get3A_1113, %get3A_1114] {strides = array<i32>} : memref<5x1024xf32, #tpu.memory_space<vmem>>, vector<16xf32>,
      %mul3A_1116 = arith.mulf %scan3A_792#5, %get3A_1115 : vector<16xf32>
      %add3A_1117 = arith.addf %add3A_1057, %mul3A_1116 : vector<16xf32>
      %mul3A_1118 = arith.constant 8 : i32
      %mul3A_1119 = arith.muli %scan3A_782, %mul3A_1118 : i32
      %add3A_1120 = arith.constant 5 : i32
      %add3A_1121 = arith.addi %mul3A_1119, %add3A_1120 : i32
      %mul3A_1122 = arith.constant 16 : i32
      %mul3A_1123 = arith.muli %add3A_1121, %mul3A_1122 : i32
      %get3A_1124 = arith.constant 2 : i32
      %get3A_1125 = arith.index_cast %get3A_1124 : i32 to index
      %get3A_1126 = arith.index_cast %mul3A_1123 : i32 to index
      %get3A_1127 = tpu.vector_load %arg8[%get3A_1125, %get3A_1126] {strides = array<i32>} : memref<5x1024xf32, #tpu.memory_space<vmem>>, vector<16xf32>,
      %mul3A_1128 = arith.mulf %scan3A_792#5, %get3A_1127 : vector<16xf32>
      %add3A_1129 = arith.addf %add3A_1069, %mul3A_1128 : vector<16xf32>
      %mul3A_1130 = arith.constant 8 : i32
      %mul3A_1131 = arith.muli %scan3A_782, %mul3A_1130 : i32
      %add3A_1132 = arith.constant 5 : i32
      %add3A_1133 = arith.addi %mul3A_1131, %add3A_1132 : i32
      %mul3A_1134 = arith.constant 16 : i32
      %mul3A_1135 = arith.muli %add3A_1133, %mul3A_1134 : i32
      %get3A_1136 = arith.constant 3 : i32
      %get3A_1137 = arith.index_cast %get3A_1136 : i32 to index
      %get3A_1138 = arith.index_cast %mul3A_1135 : i32 to index
      %get3A_1139 = tpu.vector_load %arg8[%get3A_1137, %get3A_1138] {strides = array<i32>} : memref<5x1024xf32, #tpu.memory_space<vmem>>, vector<16xf32>,
      %mul3A_1140 = arith.mulf %scan3A_792#5, %get3A_1139 : vector<16xf32>
      %add3A_1141 = arith.addf %add3A_1081, %mul3A_1140 : vector<16xf32>
      %mul3A_1142 = arith.constant 8 : i32
      %mul3A_1143 = arith.muli %scan3A_782, %mul3A_1142 : i32
      %add3A_1144 = arith.constant 5 : i32
      %add3A_1145 = arith.addi %mul3A_1143, %add3A_1144 : i32
      %mul3A_1146 = arith.constant 16 : i32
      %mul3A_1147 = arith.muli %add3A_1145, %mul3A_1146 : i32
      %get3A_1148 = arith.constant 4 : i32
      %get3A_1149 = arith.index_cast %get3A_1148 : i32 to index
      %get3A_1150 = arith.index_cast %mul3A_1147 : i32 to index
      %get3A_1151 = tpu.vector_load %arg8[%get3A_1149, %get3A_1150] {strides = array<i32>} : memref<5x1024xf32, #tpu.memory_space<vmem>>, vector<16xf32>,
      %mul3A_1152 = arith.mulf %scan3A_792#5, %get3A_1151 : vector<16xf32>
      %add3A_1153 = arith.addf %add3A_1093, %mul3A_1152 : vector<16xf32>
      %mul3A_1154 = arith.constant 8 : i32
      %mul3A_1155 = arith.muli %scan3A_782, %mul3A_1154 : i32
      %add3A_1156 = arith.constant 6 : i32
      %add3A_1157 = arith.addi %mul3A_1155, %add3A_1156 : i32
      %mul3A_1158 = arith.constant 16 : i32
      %mul3A_1159 = arith.muli %add3A_1157, %mul3A_1158 : i32
      %get3A_1160 = arith.constant 0 : i32
      %get3A_1161 = arith.index_cast %get3A_1160 : i32 to index
      %get3A_1162 = arith.index_cast %mul3A_1159 : i32 to index
      %get3A_1163 = tpu.vector_load %arg8[%get3A_1161, %get3A_1162] {strides = array<i32>} : memref<5x1024xf32, #tpu.memory_space<vmem>>, vector<16xf32>,
      %mul3A_1164 = arith.mulf %scan3A_792#6, %get3A_1163 : vector<16xf32>
      %add3A_1165 = arith.addf %add3A_1105, %mul3A_1164 : vector<16xf32>
      %mul3A_1166 = arith.constant 8 : i32
      %mul3A_1167 = arith.muli %scan3A_782, %mul3A_1166 : i32
      %add3A_1168 = arith.constant 6 : i32
      %add3A_1169 = arith.addi %mul3A_1167, %add3A_1168 : i32
      %mul3A_1170 = arith.constant 16 : i32
      %mul3A_1171 = arith.muli %add3A_1169, %mul3A_1170 : i32
      %get3A_1172 = arith.constant 1 : i32
      %get3A_1173 = arith.index_cast %get3A_1172 : i32 to index
      %get3A_1174 = arith.index_cast %mul3A_1171 : i32 to index
      %get3A_1175 = tpu.vector_load %arg8[%get3A_1173, %get3A_1174] {strides = array<i32>} : memref<5x1024xf32, #tpu.memory_space<vmem>>, vector<16xf32>,
      %mul3A_1176 = arith.mulf %scan3A_792#6, %get3A_1175 : vector<16xf32>
      %add3A_1177 = arith.addf %add3A_1117, %mul3A_1176 : vector<16xf32>
      %mul3A_1178 = arith.constant 8 : i32
      %mul3A_1179 = arith.muli %scan3A_782, %mul3A_1178 : i32
      %add3A_1180 = arith.constant 6 : i32
      %add3A_1181 = arith.addi %mul3A_1179, %add3A_1180 : i32
      %mul3A_1182 = arith.constant 16 : i32
      %mul3A_1183 = arith.muli %add3A_1181, %mul3A_1182 : i32
      %get3A_1184 = arith.constant 2 : i32
      %get3A_1185 = arith.index_cast %get3A_1184 : i32 to index
      %get3A_1186 = arith.index_cast %mul3A_1183 : i32 to index
      %get3A_1187 = tpu.vector_load %arg8[%get3A_1185, %get3A_1186] {strides = array<i32>} : memref<5x1024xf32, #tpu.memory_space<vmem>>, vector<16xf32>,
      %mul3A_1188 = arith.mulf %scan3A_792#6, %get3A_1187 : vector<16xf32>
      %add3A_1189 = arith.addf %add3A_1129, %mul3A_1188 : vector<16xf32>
      %mul3A_1190 = arith.constant 8 : i32
      %mul3A_1191 = arith.muli %scan3A_782, %mul3A_1190 : i32
      %add3A_1192 = arith.constant 6 : i32
      %add3A_1193 = arith.addi %mul3A_1191, %add3A_1192 : i32
      %mul3A_1194 = arith.constant 16 : i32
      %mul3A_1195 = arith.muli %add3A_1193, %mul3A_1194 : i32
      %get3A_1196 = arith.constant 3 : i32
      %get3A_1197 = arith.index_cast %get3A_1196 : i32 to index
      %get3A_1198 = arith.index_cast %mul3A_1195 : i32 to index
      %get3A_1199 = tpu.vector_load %arg8[%get3A_1197, %get3A_1198] {strides = array<i32>} : memref<5x1024xf32, #tpu.memory_space<vmem>>, vector<16xf32>,
      %mul3A_1200 = arith.mulf %scan3A_792#6, %get3A_1199 : vector<16xf32>
      %add3A_1201 = arith.addf %add3A_1141, %mul3A_1200 : vector<16xf32>
      %mul3A_1202 = arith.constant 8 : i32
      %mul3A_1203 = arith.muli %scan3A_782, %mul3A_1202 : i32
      %add3A_1204 = arith.constant 6 : i32
      %add3A_1205 = arith.addi %mul3A_1203, %add3A_1204 : i32
      %mul3A_1206 = arith.constant 16 : i32
      %mul3A_1207 = arith.muli %add3A_1205, %mul3A_1206 : i32
      %get3A_1208 = arith.constant 4 : i32
      %get3A_1209 = arith.index_cast %get3A_1208 : i32 to index
      %get3A_1210 = arith.index_cast %mul3A_1207 : i32 to index
      %get3A_1211 = tpu.vector_load %arg8[%get3A_1209, %get3A_1210] {strides = array<i32>} : memref<5x1024xf32, #tpu.memory_space<vmem>>, vector<16xf32>,
      %mul3A_1212 = arith.mulf %scan3A_792#6, %get3A_1211 : vector<16xf32>
      %add3A_1213 = arith.addf %add3A_1153, %mul3A_1212 : vector<16xf32>
      %mul3A_1214 = arith.constant 8 : i32
      %mul3A_1215 = arith.muli %scan3A_782, %mul3A_1214 : i32
      %add3A_1216 = arith.constant 7 : i32
      %add3A_1217 = arith.addi %mul3A_1215, %add3A_1216 : i32
      %mul3A_1218 = arith.constant 16 : i32
      %mul3A_1219 = arith.muli %add3A_1217, %mul3A_1218 : i32
      %get3A_1220 = arith.constant 0 : i32
      %get3A_1221 = arith.index_cast %get3A_1220 : i32 to index
      %get3A_1222 = arith.index_cast %mul3A_1219 : i32 to index
      %get3A_1223 = tpu.vector_load %arg8[%get3A_1221, %get3A_1222] {strides = array<i32>} : memref<5x1024xf32, #tpu.memory_space<vmem>>, vector<16xf32>,
      %mul3A_1224 = arith.mulf %scan3A_792#7, %get3A_1223 : vector<16xf32>
      %add3A_1225 = arith.addf %add3A_1165, %mul3A_1224 : vector<16xf32>
      %mul3A_1226 = arith.constant 8 : i32
      %mul3A_1227 = arith.muli %scan3A_782, %mul3A_1226 : i32
      %add3A_1228 = arith.constant 7 : i32
      %add3A_1229 = arith.addi %mul3A_1227, %add3A_1228 : i32
      %mul3A_1230 = arith.constant 16 : i32
      %mul3A_1231 = arith.muli %add3A_1229, %mul3A_1230 : i32
      %get3A_1232 = arith.constant 1 : i32
      %get3A_1233 = arith.index_cast %get3A_1232 : i32 to index
      %get3A_1234 = arith.index_cast %mul3A_1231 : i32 to index
      %get3A_1235 = tpu.vector_load %arg8[%get3A_1233, %get3A_1234] {strides = array<i32>} : memref<5x1024xf32, #tpu.memory_space<vmem>>, vector<16xf32>,
      %mul3A_1236 = arith.mulf %scan3A_792#7, %get3A_1235 : vector<16xf32>
      %add3A_1237 = arith.addf %add3A_1177, %mul3A_1236 : vector<16xf32>
      %mul3A_1238 = arith.constant 8 : i32
      %mul3A_1239 = arith.muli %scan3A_782, %mul3A_1238 : i32
      %add3A_1240 = arith.constant 7 : i32
      %add3A_1241 = arith.addi %mul3A_1239, %add3A_1240 : i32
      %mul3A_1242 = arith.constant 16 : i32
      %mul3A_1243 = arith.muli %add3A_1241, %mul3A_1242 : i32
      %get3A_1244 = arith.constant 2 : i32
      %get3A_1245 = arith.index_cast %get3A_1244 : i32 to index
      %get3A_1246 = arith.index_cast %mul3A_1243 : i32 to index
      %get3A_1247 = tpu.vector_load %arg8[%get3A_1245, %get3A_1246] {strides = array<i32>} : memref<5x1024xf32, #tpu.memory_space<vmem>>, vector<16xf32>,
      %mul3A_1248 = arith.mulf %scan3A_792#7, %get3A_1247 : vector<16xf32>
      %add3A_1249 = arith.addf %add3A_1189, %mul3A_1248 : vector<16xf32>
      %mul3A_1250 = arith.constant 8 : i32
      %mul3A_1251 = arith.muli %scan3A_782, %mul3A_1250 : i32
      %add3A_1252 = arith.constant 7 : i32
      %add3A_1253 = arith.addi %mul3A_1251, %add3A_1252 : i32
      %mul3A_1254 = arith.constant 16 : i32
      %mul3A_1255 = arith.muli %add3A_1253, %mul3A_1254 : i32
      %get3A_1256 = arith.constant 3 : i32
      %get3A_1257 = arith.index_cast %get3A_1256 : i32 to index
      %get3A_1258 = arith.index_cast %mul3A_1255 : i32 to index
      %get3A_1259 = tpu.vector_load %arg8[%get3A_1257, %get3A_1258] {strides = array<i32>} : memref<5x1024xf32, #tpu.memory_space<vmem>>, vector<16xf32>,
      %mul3A_1260 = arith.mulf %scan3A_792#7, %get3A_1259 : vector<16xf32>
      %add3A_1261 = arith.addf %add3A_1201, %mul3A_1260 : vector<16xf32>
      %mul3A_1262 = arith.constant 8 : i32
      %mul3A_1263 = arith.muli %scan3A_782, %mul3A_1262 : i32
      %add3A_1264 = arith.constant 7 : i32
      %add3A_1265 = arith.addi %mul3A_1263, %add3A_1264 : i32
      %mul3A_1266 = arith.constant 16 : i32
      %mul3A_1267 = arith.muli %add3A_1265, %mul3A_1266 : i32
      %get3A_1268 = arith.constant 4 : i32
      %get3A_1269 = arith.index_cast %get3A_1268 : i32 to index
      %get3A_1270 = arith.index_cast %mul3A_1267 : i32 to index
      %get3A_1271 = tpu.vector_load %arg8[%get3A_1269, %get3A_1270] {strides = array<i32>} : memref<5x1024xf32, #tpu.memory_space<vmem>>, vector<16xf32>,
      %mul3A_1272 = arith.mulf %scan3A_792#7, %get3A_1271 : vector<16xf32>
      %add3A_1273 = arith.addf %add3A_1213, %mul3A_1272 : vector<16xf32>
      scf.yield %add3A_1225, %add3A_1237, %add3A_1249, %add3A_1261, %add3A_1273 : vector<16xf32>, vector<16xf32>, vector<16xf32>, vector<16xf32>, vector<16xf32>
    }
    %scan3A_715 = arith.constant 8 : i32
    %dma_wait3A_716 = arith.constant 16 : i32
    %dma_wait3A_717 = arith.constant 0 : i32
    %dma_wait3A_718 = tpu.memref_slice %arg9[%dma_wait3A_716, %dma_wait3A_717] : memref<32x1024xf32, #tpu.memory_space<vmem>> -> memref<16x1024xf32, #tpu.memory_space<vmem>>
    %dma_wait3A_719 = tpu.memref_slice %arg6[%add3A_12] : memref<80xi32, #tpu.memory_space<vmem>> -> memref<16xi32, #tpu.memory_space<vmem>>
    %dma_wait3A_720 = arith.constant 0 : i32
    %dma_wait3A_721 = arith.constant 0 : i32
    %dma_wait3A_722 = tpu.memref_slice %arg2[%dma_wait3A_720, %dma_wait3A_721] : memref<32768x1024xf32, #tpu.memory_space<hbm>> -> memref<32768x1024xf32, #tpu.memory_space<hbm>>
    tpu.wait_indirect_dma semaphore(%arg12 : memref<!tpu.dma_semaphore, #tpu.memory_space<semaphore_mem>>) src(%dma_wait3A_722 : memref<32768x1024xf32, #tpu.memory_space<hbm>>) dst(%dma_wait3A_718 : memref<16x1024xf32, #tpu.memory_space<vmem>>)
    %scan3A_723 = arith.constant 0 : i32
    %scan3A_724 = arith.constant 8 : i32
    %scan3A_725 = arith.addi %scan3A_723, %scan3A_724 : i32
    %scan3A_726 = arith.constant 1 : i32
    %scan3A_727:5 = scf.for %scan3A_782 = %scan3A_723 to %scan3A_725 step %scan3A_726 iter_args(%scan3A_783 = %scan3A_714#0, %scan3A_784 = %scan3A_714#1, %scan3A_785 = %scan3A_714#2, %scan3A_786 = %scan3A_714#3, %scan3A_787 = %scan3A_714#4) -> (vector<16xf32>, vector<16xf32>, vector<16xf32>, vector<16xf32>, vector<16xf32>)  : i32 {
      %scan3A_788 = arith.constant 16 : i32
      %scan3A_789 = arith.constant 16 : i32
      %scan3A_790 = arith.addi %scan3A_788, %scan3A_789 : i32
      %scan3A_791 = arith.constant 2 : i32
      %scan3A_792:8 = scf.for %scan3A_1274 = %scan3A_788 to %scan3A_790 step %scan3A_791 iter_args(%scan3A_1275 = %broadcast_in_dim3A_0, %scan3A_1276 = %broadcast_in_dim3A_0, %scan3A_1277 = %broadcast_in_dim3A_0, %scan3A_1278 = %broadcast_in_dim3A_0, %scan3A_1279 = %broadcast_in_dim3A_0, %scan3A_1280 = %broadcast_in_dim3A_0, %scan3A_1281 = %broadcast_in_dim3A_0, %scan3A_1282 = %broadcast_in_dim3A_0) -> (vector<16xf32>, vector<16xf32>, vector<16xf32>, vector<16xf32>, vector<16xf32>, vector<16xf32>, vector<16xf32>, vector<16xf32>)  : i32 {
        %add3A_1283 = vector.broadcast %scan3A_1274 : i32 to vector<16xi32>
        %add3A_1284 = arith.addi %broadcast_in_dim3A_704, %add3A_1283 : vector<16xi32>
        %gather3A_1285 = tpu.vector_load_idx %arg7[%add3A_1284] : memref<64xf32, #tpu.memory_space<vmem>>[vector<16xi32>], vector<16xf32>,
        %mul3A_1286 = arith.constant 8 : i32
        %mul3A_1287 = arith.muli %scan3A_782, %mul3A_1286 : i32
        %add3A_1288 = arith.constant 0 : i32
        %add3A_1289 = arith.addi %mul3A_1287, %add3A_1288 : i32
        %mul3A_1290 = arith.constant 16 : i32
        %mul3A_1291 = arith.muli %add3A_1289, %mul3A_1290 : i32
        %get3A_1292 = arith.index_cast %scan3A_1274 : i32 to index
        %get3A_1293 = arith.index_cast %mul3A_1291 : i32 to index
        %get3A_1294 = tpu.vector_load %arg9[%get3A_1292, %get3A_1293] {strides = array<i32>} : memref<32x1024xf32, #tpu.memory_space<vmem>>, vector<16xf32>,
        %mul3A_1295 = arith.mulf %gather3A_1285, %get3A_1294 : vector<16xf32>
        %add3A_1296 = arith.addf %scan3A_1275, %mul3A_1295 : vector<16xf32>
        %mul3A_1297 = arith.constant 8 : i32
        %mul3A_1298 = arith.muli %scan3A_782, %mul3A_1297 : i32
        %add3A_1299 = arith.constant 1 : i32
        %add3A_1300 = arith.addi %mul3A_1298, %add3A_1299 : i32
        %mul3A_1301 = arith.constant 16 : i32
        %mul3A_1302 = arith.muli %add3A_1300, %mul3A_1301 : i32
        %get3A_1303 = arith.index_cast %scan3A_1274 : i32 to index
        %get3A_1304 = arith.index_cast %mul3A_1302 : i32 to index
        %get3A_1305 = tpu.vector_load %arg9[%get3A_1303, %get3A_1304] {strides = array<i32>} : memref<32x1024xf32, #tpu.memory_space<vmem>>, vector<16xf32>,
        %mul3A_1306 = arith.mulf %gather3A_1285, %get3A_1305 : vector<16xf32>
        %add3A_1307 = arith.addf %scan3A_1276, %mul3A_1306 : vector<16xf32>
        %mul3A_1308 = arith.constant 8 : i32
        %mul3A_1309 = arith.muli %scan3A_782, %mul3A_1308 : i32
        %add3A_1310 = arith.constant 2 : i32
        %add3A_1311 = arith.addi %mul3A_1309, %add3A_1310 : i32
        %mul3A_1312 = arith.constant 16 : i32
        %mul3A_1313 = arith.muli %add3A_1311, %mul3A_1312 : i32
        %get3A_1314 = arith.index_cast %scan3A_1274 : i32 to index
        %get3A_1315 = arith.index_cast %mul3A_1313 : i32 to index
        %get3A_1316 = tpu.vector_load %arg9[%get3A_1314, %get3A_1315] {strides = array<i32>} : memref<32x1024xf32, #tpu.memory_space<vmem>>, vector<16xf32>,
        %mul3A_1317 = arith.mulf %gather3A_1285, %get3A_1316 : vector<16xf32>
        %add3A_1318 = arith.addf %scan3A_1277, %mul3A_1317 : vector<16xf32>
        %mul3A_1319 = arith.constant 8 : i32
        %mul3A_1320 = arith.muli %scan3A_782, %mul3A_1319 : i32
        %add3A_1321 = arith.constant 3 : i32
        %add3A_1322 = arith.addi %mul3A_1320, %add3A_1321 : i32
        %mul3A_1323 = arith.constant 16 : i32
        %mul3A_1324 = arith.muli %add3A_1322, %mul3A_1323 : i32
        %get3A_1325 = arith.index_cast %scan3A_1274 : i32 to index
        %get3A_1326 = arith.index_cast %mul3A_1324 : i32 to index
        %get3A_1327 = tpu.vector_load %arg9[%get3A_1325, %get3A_1326] {strides = array<i32>} : memref<32x1024xf32, #tpu.memory_space<vmem>>, vector<16xf32>,
        %mul3A_1328 = arith.mulf %gather3A_1285, %get3A_1327 : vector<16xf32>
        %add3A_1329 = arith.addf %scan3A_1278, %mul3A_1328 : vector<16xf32>
        %mul3A_1330 = arith.constant 8 : i32
        %mul3A_1331 = arith.muli %scan3A_782, %mul3A_1330 : i32
        %add3A_1332 = arith.constant 4 : i32
        %add3A_1333 = arith.addi %mul3A_1331, %add3A_1332 : i32
        %mul3A_1334 = arith.constant 16 : i32
        %mul3A_1335 = arith.muli %add3A_1333, %mul3A_1334 : i32
        %get3A_1336 = arith.index_cast %scan3A_1274 : i32 to index
        %get3A_1337 = arith.index_cast %mul3A_1335 : i32 to index
        %get3A_1338 = tpu.vector_load %arg9[%get3A_1336, %get3A_1337] {strides = array<i32>} : memref<32x1024xf32, #tpu.memory_space<vmem>>, vector<16xf32>,
        %mul3A_1339 = arith.mulf %gather3A_1285, %get3A_1338 : vector<16xf32>
        %add3A_1340 = arith.addf %scan3A_1279, %mul3A_1339 : vector<16xf32>
        %mul3A_1341 = arith.constant 8 : i32
        %mul3A_1342 = arith.muli %scan3A_782, %mul3A_1341 : i32
        %add3A_1343 = arith.constant 5 : i32
        %add3A_1344 = arith.addi %mul3A_1342, %add3A_1343 : i32
        %mul3A_1345 = arith.constant 16 : i32
        %mul3A_1346 = arith.muli %add3A_1344, %mul3A_1345 : i32
        %get3A_1347 = arith.index_cast %scan3A_1274 : i32 to index
        %get3A_1348 = arith.index_cast %mul3A_1346 : i32 to index
        %get3A_1349 = tpu.vector_load %arg9[%get3A_1347, %get3A_1348] {strides = array<i32>} : memref<32x1024xf32, #tpu.memory_space<vmem>>, vector<16xf32>,
        %mul3A_1350 = arith.mulf %gather3A_1285, %get3A_1349 : vector<16xf32>
        %add3A_1351 = arith.addf %scan3A_1280, %mul3A_1350 : vector<16xf32>
        %mul3A_1352 = arith.constant 8 : i32
        %mul3A_1353 = arith.muli %scan3A_782, %mul3A_1352 : i32
        %add3A_1354 = arith.constant 6 : i32
        %add3A_1355 = arith.addi %mul3A_1353, %add3A_1354 : i32
        %mul3A_1356 = arith.constant 16 : i32
        %mul3A_1357 = arith.muli %add3A_1355, %mul3A_1356 : i32
        %get3A_1358 = arith.index_cast %scan3A_1274 : i32 to index
        %get3A_1359 = arith.index_cast %mul3A_1357 : i32 to index
        %get3A_1360 = tpu.vector_load %arg9[%get3A_1358, %get3A_1359] {strides = array<i32>} : memref<32x1024xf32, #tpu.memory_space<vmem>>, vector<16xf32>,
        %mul3A_1361 = arith.mulf %gather3A_1285, %get3A_1360 : vector<16xf32>
        %add3A_1362 = arith.addf %scan3A_1281, %mul3A_1361 : vector<16xf32>
        %mul3A_1363 = arith.constant 8 : i32
        %mul3A_1364 = arith.muli %scan3A_782, %mul3A_1363 : i32
        %add3A_1365 = arith.constant 7 : i32
        %add3A_1366 = arith.addi %mul3A_1364, %add3A_1365 : i32
        %mul3A_1367 = arith.constant 16 : i32
        %mul3A_1368 = arith.muli %add3A_1366, %mul3A_1367 : i32
        %get3A_1369 = arith.index_cast %scan3A_1274 : i32 to index
        %get3A_1370 = arith.index_cast %mul3A_1368 : i32 to index
        %get3A_1371 = tpu.vector_load %arg9[%get3A_1369, %get3A_1370] {strides = array<i32>} : memref<32x1024xf32, #tpu.memory_space<vmem>>, vector<16xf32>,
        %mul3A_1372 = arith.mulf %gather3A_1285, %get3A_1371 : vector<16xf32>
        %add3A_1373 = arith.addf %scan3A_1282, %mul3A_1372 : vector<16xf32>
        %scan3A_1374 = arith.constant 1 : i32
        %scan3A_1375 = arith.addi %scan3A_1274, %scan3A_1374 : i32
        %add3A_1376 = vector.broadcast %scan3A_1375 : i32 to vector<16xi32>
        %add3A_1377 = arith.addi %broadcast_in_dim3A_704, %add3A_1376 : vector<16xi32>
        %gather3A_1378 = tpu.vector_load_idx %arg7[%add3A_1377] : memref<64xf32, #tpu.memory_space<vmem>>[vector<16xi32>], vector<16xf32>,
        %mul3A_1379 = arith.constant 8 : i32
        %mul3A_1380 = arith.muli %scan3A_782, %mul3A_1379 : i32
        %add3A_1381 = arith.constant 0 : i32
        %add3A_1382 = arith.addi %mul3A_1380, %add3A_1381 : i32
        %mul3A_1383 = arith.constant 16 : i32
        %mul3A_1384 = arith.muli %add3A_1382, %mul3A_1383 : i32
        %get3A_1385 = arith.index_cast %scan3A_1375 : i32 to index
        %get3A_1386 = arith.index_cast %mul3A_1384 : i32 to index
        %get3A_1387 = tpu.vector_load %arg9[%get3A_1385, %get3A_1386] {strides = array<i32>} : memref<32x1024xf32, #tpu.memory_space<vmem>>, vector<16xf32>,
        %mul3A_1388 = arith.mulf %gather3A_1378, %get3A_1387 : vector<16xf32>
        %add3A_1389 = arith.addf %add3A_1296, %mul3A_1388 : vector<16xf32>
        %mul3A_1390 = arith.constant 8 : i32
        %mul3A_1391 = arith.muli %scan3A_782, %mul3A_1390 : i32
        %add3A_1392 = arith.constant 1 : i32
        %add3A_1393 = arith.addi %mul3A_1391, %add3A_1392 : i32
        %mul3A_1394 = arith.constant 16 : i32
        %mul3A_1395 = arith.muli %add3A_1393, %mul3A_1394 : i32
        %get3A_1396 = arith.index_cast %scan3A_1375 : i32 to index
        %get3A_1397 = arith.index_cast %mul3A_1395 : i32 to index
        %get3A_1398 = tpu.vector_load %arg9[%get3A_1396, %get3A_1397] {strides = array<i32>} : memref<32x1024xf32, #tpu.memory_space<vmem>>, vector<16xf32>,
        %mul3A_1399 = arith.mulf %gather3A_1378, %get3A_1398 : vector<16xf32>
        %add3A_1400 = arith.addf %add3A_1307, %mul3A_1399 : vector<16xf32>
        %mul3A_1401 = arith.constant 8 : i32
        %mul3A_1402 = arith.muli %scan3A_782, %mul3A_1401 : i32
        %add3A_1403 = arith.constant 2 : i32
        %add3A_1404 = arith.addi %mul3A_1402, %add3A_1403 : i32
        %mul3A_1405 = arith.constant 16 : i32
        %mul3A_1406 = arith.muli %add3A_1404, %mul3A_1405 : i32
        %get3A_1407 = arith.index_cast %scan3A_1375 : i32 to index
        %get3A_1408 = arith.index_cast %mul3A_1406 : i32 to index
        %get3A_1409 = tpu.vector_load %arg9[%get3A_1407, %get3A_1408] {strides = array<i32>} : memref<32x1024xf32, #tpu.memory_space<vmem>>, vector<16xf32>,
        %mul3A_1410 = arith.mulf %gather3A_1378, %get3A_1409 : vector<16xf32>
        %add3A_1411 = arith.addf %add3A_1318, %mul3A_1410 : vector<16xf32>
        %mul3A_1412 = arith.constant 8 : i32
        %mul3A_1413 = arith.muli %scan3A_782, %mul3A_1412 : i32
        %add3A_1414 = arith.constant 3 : i32
        %add3A_1415 = arith.addi %mul3A_1413, %add3A_1414 : i32
        %mul3A_1416 = arith.constant 16 : i32
        %mul3A_1417 = arith.muli %add3A_1415, %mul3A_1416 : i32
        %get3A_1418 = arith.index_cast %scan3A_1375 : i32 to index
        %get3A_1419 = arith.index_cast %mul3A_1417 : i32 to index
        %get3A_1420 = tpu.vector_load %arg9[%get3A_1418, %get3A_1419] {strides = array<i32>} : memref<32x1024xf32, #tpu.memory_space<vmem>>, vector<16xf32>,
        %mul3A_1421 = arith.mulf %gather3A_1378, %get3A_1420 : vector<16xf32>
        %add3A_1422 = arith.addf %add3A_1329, %mul3A_1421 : vector<16xf32>
        %mul3A_1423 = arith.constant 8 : i32
        %mul3A_1424 = arith.muli %scan3A_782, %mul3A_1423 : i32
        %add3A_1425 = arith.constant 4 : i32
        %add3A_1426 = arith.addi %mul3A_1424, %add3A_1425 : i32
        %mul3A_1427 = arith.constant 16 : i32
        %mul3A_1428 = arith.muli %add3A_1426, %mul3A_1427 : i32
        %get3A_1429 = arith.index_cast %scan3A_1375 : i32 to index
        %get3A_1430 = arith.index_cast %mul3A_1428 : i32 to index
        %get3A_1431 = tpu.vector_load %arg9[%get3A_1429, %get3A_1430] {strides = array<i32>} : memref<32x1024xf32, #tpu.memory_space<vmem>>, vector<16xf32>,
        %mul3A_1432 = arith.mulf %gather3A_1378, %get3A_1431 : vector<16xf32>
        %add3A_1433 = arith.addf %add3A_1340, %mul3A_1432 : vector<16xf32>
        %mul3A_1434 = arith.constant 8 : i32
        %mul3A_1435 = arith.muli %scan3A_782, %mul3A_1434 : i32
        %add3A_1436 = arith.constant 5 : i32
        %add3A_1437 = arith.addi %mul3A_1435, %add3A_1436 : i32
        %mul3A_1438 = arith.constant 16 : i32
        %mul3A_1439 = arith.muli %add3A_1437, %mul3A_1438 : i32
        %get3A_1440 = arith.index_cast %scan3A_1375 : i32 to index
        %get3A_1441 = arith.index_cast %mul3A_1439 : i32 to index
        %get3A_1442 = tpu.vector_load %arg9[%get3A_1440, %get3A_1441] {strides = array<i32>} : memref<32x1024xf32, #tpu.memory_space<vmem>>, vector<16xf32>,
        %mul3A_1443 = arith.mulf %gather3A_1378, %get3A_1442 : vector<16xf32>
        %add3A_1444 = arith.addf %add3A_1351, %mul3A_1443 : vector<16xf32>
        %mul3A_1445 = arith.constant 8 : i32
        %mul3A_1446 = arith.muli %scan3A_782, %mul3A_1445 : i32
        %add3A_1447 = arith.constant 6 : i32
        %add3A_1448 = arith.addi %mul3A_1446, %add3A_1447 : i32
        %mul3A_1449 = arith.constant 16 : i32
        %mul3A_1450 = arith.muli %add3A_1448, %mul3A_1449 : i32
        %get3A_1451 = arith.index_cast %scan3A_1375 : i32 to index
        %get3A_1452 = arith.index_cast %mul3A_1450 : i32 to index
        %get3A_1453 = tpu.vector_load %arg9[%get3A_1451, %get3A_1452] {strides = array<i32>} : memref<32x1024xf32, #tpu.memory_space<vmem>>, vector<16xf32>,
        %mul3A_1454 = arith.mulf %gather3A_1378, %get3A_1453 : vector<16xf32>
        %add3A_1455 = arith.addf %add3A_1362, %mul3A_1454 : vector<16xf32>
        %mul3A_1456 = arith.constant 8 : i32
        %mul3A_1457 = arith.muli %scan3A_782, %mul3A_1456 : i32
        %add3A_1458 = arith.constant 7 : i32
        %add3A_1459 = arith.addi %mul3A_1457, %add3A_1458 : i32
        %mul3A_1460 = arith.constant 16 : i32
        %mul3A_1461 = arith.muli %add3A_1459, %mul3A_1460 : i32
        %get3A_1462 = arith.index_cast %scan3A_1375 : i32 to index
        %get3A_1463 = arith.index_cast %mul3A_1461 : i32 to index
        %get3A_1464 = tpu.vector_load %arg9[%get3A_1462, %get3A_1463] {strides = array<i32>} : memref<32x1024xf32, #tpu.memory_space<vmem>>, vector<16xf32>,
        %mul3A_1465 = arith.mulf %gather3A_1378, %get3A_1464 : vector<16xf32>
        %add3A_1466 = arith.addf %add3A_1373, %mul3A_1465 : vector<16xf32>
        scf.yield %add3A_1389, %add3A_1400, %add3A_1411, %add3A_1422, %add3A_1433, %add3A_1444, %add3A_1455, %add3A_1466 : vector<16xf32>, vector<16xf32>, vector<16xf32>, vector<16xf32>, vector<16xf32>, vector<16xf32>, vector<16xf32>, vector<16xf32>
      }
      %scan3A_793 = arith.constant 16 : i32
      %mul3A_794 = arith.constant 8 : i32
      %mul3A_795 = arith.muli %scan3A_782, %mul3A_794 : i32
      %add3A_796 = arith.constant 0 : i32
      %add3A_797 = arith.addi %mul3A_795, %add3A_796 : i32
      %mul3A_798 = arith.constant 16 : i32
      %mul3A_799 = arith.muli %add3A_797, %mul3A_798 : i32
      %get3A_800 = arith.constant 0 : i32
      %get3A_801 = arith.index_cast %get3A_800 : i32 to index
      %get3A_802 = arith.index_cast %mul3A_799 : i32 to index
      %get3A_803 = tpu.vector_load %arg8[%get3A_801, %get3A_802] {strides = array<i32>} : memref<5x1024xf32, #tpu.memory_space<vmem>>, vector<16xf32>,
      %mul3A_804 = arith.mulf %scan3A_792#0, %get3A_803 : vector<16xf32>
      %add3A_805 = arith.addf %scan3A_783, %mul3A_804 : vector<16xf32>
      %mul3A_806 = arith.constant 8 : i32
      %mul3A_807 = arith.muli %scan3A_782, %mul3A_806 : i32
      %add3A_808 = arith.constant 0 : i32
      %add3A_809 = arith.addi %mul3A_807, %add3A_808 : i32
      %mul3A_810 = arith.constant 16 : i32
      %mul3A_811 = arith.muli %add3A_809, %mul3A_810 : i32
      %get3A_812 = arith.constant 1 : i32
      %get3A_813 = arith.index_cast %get3A_812 : i32 to index
      %get3A_814 = arith.index_cast %mul3A_811 : i32 to index
      %get3A_815 = tpu.vector_load %arg8[%get3A_813, %get3A_814] {strides = array<i32>} : memref<5x1024xf32, #tpu.memory_space<vmem>>, vector<16xf32>,
      %mul3A_816 = arith.mulf %scan3A_792#0, %get3A_815 : vector<16xf32>
      %add3A_817 = arith.addf %scan3A_784, %mul3A_816 : vector<16xf32>
      %mul3A_818 = arith.constant 8 : i32
      %mul3A_819 = arith.muli %scan3A_782, %mul3A_818 : i32
      %add3A_820 = arith.constant 0 : i32
      %add3A_821 = arith.addi %mul3A_819, %add3A_820 : i32
      %mul3A_822 = arith.constant 16 : i32
      %mul3A_823 = arith.muli %add3A_821, %mul3A_822 : i32
      %get3A_824 = arith.constant 2 : i32
      %get3A_825 = arith.index_cast %get3A_824 : i32 to index
      %get3A_826 = arith.index_cast %mul3A_823 : i32 to index
      %get3A_827 = tpu.vector_load %arg8[%get3A_825, %get3A_826] {strides = array<i32>} : memref<5x1024xf32, #tpu.memory_space<vmem>>, vector<16xf32>,
      %mul3A_828 = arith.mulf %scan3A_792#0, %get3A_827 : vector<16xf32>
      %add3A_829 = arith.addf %scan3A_785, %mul3A_828 : vector<16xf32>
      %mul3A_830 = arith.constant 8 : i32
      %mul3A_831 = arith.muli %scan3A_782, %mul3A_830 : i32
      %add3A_832 = arith.constant 0 : i32
      %add3A_833 = arith.addi %mul3A_831, %add3A_832 : i32
      %mul3A_834 = arith.constant 16 : i32
      %mul3A_835 = arith.muli %add3A_833, %mul3A_834 : i32
      %get3A_836 = arith.constant 3 : i32
      %get3A_837 = arith.index_cast %get3A_836 : i32 to index
      %get3A_838 = arith.index_cast %mul3A_835 : i32 to index
      %get3A_839 = tpu.vector_load %arg8[%get3A_837, %get3A_838] {strides = array<i32>} : memref<5x1024xf32, #tpu.memory_space<vmem>>, vector<16xf32>,
      %mul3A_840 = arith.mulf %scan3A_792#0, %get3A_839 : vector<16xf32>
      %add3A_841 = arith.addf %scan3A_786, %mul3A_840 : vector<16xf32>
      %mul3A_842 = arith.constant 8 : i32
      %mul3A_843 = arith.muli %scan3A_782, %mul3A_842 : i32
      %add3A_844 = arith.constant 0 : i32
      %add3A_845 = arith.addi %mul3A_843, %add3A_844 : i32
      %mul3A_846 = arith.constant 16 : i32
      %mul3A_847 = arith.muli %add3A_845, %mul3A_846 : i32
      %get3A_848 = arith.constant 4 : i32
      %get3A_849 = arith.index_cast %get3A_848 : i32 to index
      %get3A_850 = arith.index_cast %mul3A_847 : i32 to index
      %get3A_851 = tpu.vector_load %arg8[%get3A_849, %get3A_850] {strides = array<i32>} : memref<5x1024xf32, #tpu.memory_space<vmem>>, vector<16xf32>,
      %mul3A_852 = arith.mulf %scan3A_792#0, %get3A_851 : vector<16xf32>
      %add3A_853 = arith.addf %scan3A_787, %mul3A_852 : vector<16xf32>
      %mul3A_854 = arith.constant 8 : i32
      %mul3A_855 = arith.muli %scan3A_782, %mul3A_854 : i32
      %add3A_856 = arith.constant 1 : i32
      %add3A_857 = arith.addi %mul3A_855, %add3A_856 : i32
      %mul3A_858 = arith.constant 16 : i32
      %mul3A_859 = arith.muli %add3A_857, %mul3A_858 : i32
      %get3A_860 = arith.constant 0 : i32
      %get3A_861 = arith.index_cast %get3A_860 : i32 to index
      %get3A_862 = arith.index_cast %mul3A_859 : i32 to index
      %get3A_863 = tpu.vector_load %arg8[%get3A_861, %get3A_862] {strides = array<i32>} : memref<5x1024xf32, #tpu.memory_space<vmem>>, vector<16xf32>,
      %mul3A_864 = arith.mulf %scan3A_792#1, %get3A_863 : vector<16xf32>
      %add3A_865 = arith.addf %add3A_805, %mul3A_864 : vector<16xf32>
      %mul3A_866 = arith.constant 8 : i32
      %mul3A_867 = arith.muli %scan3A_782, %mul3A_866 : i32
      %add3A_868 = arith.constant 1 : i32
      %add3A_869 = arith.addi %mul3A_867, %add3A_868 : i32
      %mul3A_870 = arith.constant 16 : i32
      %mul3A_871 = arith.muli %add3A_869, %mul3A_870 : i32
      %get3A_872 = arith.constant 1 : i32
      %get3A_873 = arith.index_cast %get3A_872 : i32 to index
      %get3A_874 = arith.index_cast %mul3A_871 : i32 to index
      %get3A_875 = tpu.vector_load %arg8[%get3A_873, %get3A_874] {strides = array<i32>} : memref<5x1024xf32, #tpu.memory_space<vmem>>, vector<16xf32>,
      %mul3A_876 = arith.mulf %scan3A_792#1, %get3A_875 : vector<16xf32>
      %add3A_877 = arith.addf %add3A_817, %mul3A_876 : vector<16xf32>
      %mul3A_878 = arith.constant 8 : i32
      %mul3A_879 = arith.muli %scan3A_782, %mul3A_878 : i32
      %add3A_880 = arith.constant 1 : i32
      %add3A_881 = arith.addi %mul3A_879, %add3A_880 : i32
      %mul3A_882 = arith.constant 16 : i32
      %mul3A_883 = arith.muli %add3A_881, %mul3A_882 : i32
      %get3A_884 = arith.constant 2 : i32
      %get3A_885 = arith.index_cast %get3A_884 : i32 to index
      %get3A_886 = arith.index_cast %mul3A_883 : i32 to index
      %get3A_887 = tpu.vector_load %arg8[%get3A_885, %get3A_886] {strides = array<i32>} : memref<5x1024xf32, #tpu.memory_space<vmem>>, vector<16xf32>,
      %mul3A_888 = arith.mulf %scan3A_792#1, %get3A_887 : vector<16xf32>
      %add3A_889 = arith.addf %add3A_829, %mul3A_888 : vector<16xf32>
      %mul3A_890 = arith.constant 8 : i32
      %mul3A_891 = arith.muli %scan3A_782, %mul3A_890 : i32
      %add3A_892 = arith.constant 1 : i32
      %add3A_893 = arith.addi %mul3A_891, %add3A_892 : i32
      %mul3A_894 = arith.constant 16 : i32
      %mul3A_895 = arith.muli %add3A_893, %mul3A_894 : i32
      %get3A_896 = arith.constant 3 : i32
      %get3A_897 = arith.index_cast %get3A_896 : i32 to index
      %get3A_898 = arith.index_cast %mul3A_895 : i32 to index
      %get3A_899 = tpu.vector_load %arg8[%get3A_897, %get3A_898] {strides = array<i32>} : memref<5x1024xf32, #tpu.memory_space<vmem>>, vector<16xf32>,
      %mul3A_900 = arith.mulf %scan3A_792#1, %get3A_899 : vector<16xf32>
      %add3A_901 = arith.addf %add3A_841, %mul3A_900 : vector<16xf32>
      %mul3A_902 = arith.constant 8 : i32
      %mul3A_903 = arith.muli %scan3A_782, %mul3A_902 : i32
      %add3A_904 = arith.constant 1 : i32
      %add3A_905 = arith.addi %mul3A_903, %add3A_904 : i32
      %mul3A_906 = arith.constant 16 : i32
      %mul3A_907 = arith.muli %add3A_905, %mul3A_906 : i32
      %get3A_908 = arith.constant 4 : i32
      %get3A_909 = arith.index_cast %get3A_908 : i32 to index
      %get3A_910 = arith.index_cast %mul3A_907 : i32 to index
      %get3A_911 = tpu.vector_load %arg8[%get3A_909, %get3A_910] {strides = array<i32>} : memref<5x1024xf32, #tpu.memory_space<vmem>>, vector<16xf32>,
      %mul3A_912 = arith.mulf %scan3A_792#1, %get3A_911 : vector<16xf32>
      %add3A_913 = arith.addf %add3A_853, %mul3A_912 : vector<16xf32>
      %mul3A_914 = arith.constant 8 : i32
      %mul3A_915 = arith.muli %scan3A_782, %mul3A_914 : i32
      %add3A_916 = arith.constant 2 : i32
      %add3A_917 = arith.addi %mul3A_915, %add3A_916 : i32
      %mul3A_918 = arith.constant 16 : i32
      %mul3A_919 = arith.muli %add3A_917, %mul3A_918 : i32
      %get3A_920 = arith.constant 0 : i32
      %get3A_921 = arith.index_cast %get3A_920 : i32 to index
      %get3A_922 = arith.index_cast %mul3A_919 : i32 to index
      %get3A_923 = tpu.vector_load %arg8[%get3A_921, %get3A_922] {strides = array<i32>} : memref<5x1024xf32, #tpu.memory_space<vmem>>, vector<16xf32>,
      %mul3A_924 = arith.mulf %scan3A_792#2, %get3A_923 : vector<16xf32>
      %add3A_925 = arith.addf %add3A_865, %mul3A_924 : vector<16xf32>
      %mul3A_926 = arith.constant 8 : i32
      %mul3A_927 = arith.muli %scan3A_782, %mul3A_926 : i32
      %add3A_928 = arith.constant 2 : i32
      %add3A_929 = arith.addi %mul3A_927, %add3A_928 : i32
      %mul3A_930 = arith.constant 16 : i32
      %mul3A_931 = arith.muli %add3A_929, %mul3A_930 : i32
      %get3A_932 = arith.constant 1 : i32
      %get3A_933 = arith.index_cast %get3A_932 : i32 to index
      %get3A_934 = arith.index_cast %mul3A_931 : i32 to index
      %get3A_935 = tpu.vector_load %arg8[%get3A_933, %get3A_934] {strides = array<i32>} : memref<5x1024xf32, #tpu.memory_space<vmem>>, vector<16xf32>,
      %mul3A_936 = arith.mulf %scan3A_792#2, %get3A_935 : vector<16xf32>
      %add3A_937 = arith.addf %add3A_877, %mul3A_936 : vector<16xf32>
      %mul3A_938 = arith.constant 8 : i32
      %mul3A_939 = arith.muli %scan3A_782, %mul3A_938 : i32
      %add3A_940 = arith.constant 2 : i32
      %add3A_941 = arith.addi %mul3A_939, %add3A_940 : i32
      %mul3A_942 = arith.constant 16 : i32
      %mul3A_943 = arith.muli %add3A_941, %mul3A_942 : i32
      %get3A_944 = arith.constant 2 : i32
      %get3A_945 = arith.index_cast %get3A_944 : i32 to index
      %get3A_946 = arith.index_cast %mul3A_943 : i32 to index
      %get3A_947 = tpu.vector_load %arg8[%get3A_945, %get3A_946] {strides = array<i32>} : memref<5x1024xf32, #tpu.memory_space<vmem>>, vector<16xf32>,
      %mul3A_948 = arith.mulf %scan3A_792#2, %get3A_947 : vector<16xf32>
      %add3A_949 = arith.addf %add3A_889, %mul3A_948 : vector<16xf32>
      %mul3A_950 = arith.constant 8 : i32
      %mul3A_951 = arith.muli %scan3A_782, %mul3A_950 : i32
      %add3A_952 = arith.constant 2 : i32
      %add3A_953 = arith.addi %mul3A_951, %add3A_952 : i32
      %mul3A_954 = arith.constant 16 : i32
      %mul3A_955 = arith.muli %add3A_953, %mul3A_954 : i32
      %get3A_956 = arith.constant 3 : i32
      %get3A_957 = arith.index_cast %get3A_956 : i32 to index
      %get3A_958 = arith.index_cast %mul3A_955 : i32 to index
      %get3A_959 = tpu.vector_load %arg8[%get3A_957, %get3A_958] {strides = array<i32>} : memref<5x1024xf32, #tpu.memory_space<vmem>>, vector<16xf32>,
      %mul3A_960 = arith.mulf %scan3A_792#2, %get3A_959 : vector<16xf32>
      %add3A_961 = arith.addf %add3A_901, %mul3A_960 : vector<16xf32>
      %mul3A_962 = arith.constant 8 : i32
      %mul3A_963 = arith.muli %scan3A_782, %mul3A_962 : i32
      %add3A_964 = arith.constant 2 : i32
      %add3A_965 = arith.addi %mul3A_963, %add3A_964 : i32
      %mul3A_966 = arith.constant 16 : i32
      %mul3A_967 = arith.muli %add3A_965, %mul3A_966 : i32
      %get3A_968 = arith.constant 4 : i32
      %get3A_969 = arith.index_cast %get3A_968 : i32 to index
      %get3A_970 = arith.index_cast %mul3A_967 : i32 to index
      %get3A_971 = tpu.vector_load %arg8[%get3A_969, %get3A_970] {strides = array<i32>} : memref<5x1024xf32, #tpu.memory_space<vmem>>, vector<16xf32>,
      %mul3A_972 = arith.mulf %scan3A_792#2, %get3A_971 : vector<16xf32>
      %add3A_973 = arith.addf %add3A_913, %mul3A_972 : vector<16xf32>
      %mul3A_974 = arith.constant 8 : i32
      %mul3A_975 = arith.muli %scan3A_782, %mul3A_974 : i32
      %add3A_976 = arith.constant 3 : i32
      %add3A_977 = arith.addi %mul3A_975, %add3A_976 : i32
      %mul3A_978 = arith.constant 16 : i32
      %mul3A_979 = arith.muli %add3A_977, %mul3A_978 : i32
      %get3A_980 = arith.constant 0 : i32
      %get3A_981 = arith.index_cast %get3A_980 : i32 to index
      %get3A_982 = arith.index_cast %mul3A_979 : i32 to index
      %get3A_983 = tpu.vector_load %arg8[%get3A_981, %get3A_982] {strides = array<i32>} : memref<5x1024xf32, #tpu.memory_space<vmem>>, vector<16xf32>,
      %mul3A_984 = arith.mulf %scan3A_792#3, %get3A_983 : vector<16xf32>
      %add3A_985 = arith.addf %add3A_925, %mul3A_984 : vector<16xf32>
      %mul3A_986 = arith.constant 8 : i32
      %mul3A_987 = arith.muli %scan3A_782, %mul3A_986 : i32
      %add3A_988 = arith.constant 3 : i32
      %add3A_989 = arith.addi %mul3A_987, %add3A_988 : i32
      %mul3A_990 = arith.constant 16 : i32
      %mul3A_991 = arith.muli %add3A_989, %mul3A_990 : i32
      %get3A_992 = arith.constant 1 : i32
      %get3A_993 = arith.index_cast %get3A_992 : i32 to index
      %get3A_994 = arith.index_cast %mul3A_991 : i32 to index
      %get3A_995 = tpu.vector_load %arg8[%get3A_993, %get3A_994] {strides = array<i32>} : memref<5x1024xf32, #tpu.memory_space<vmem>>, vector<16xf32>,
      %mul3A_996 = arith.mulf %scan3A_792#3, %get3A_995 : vector<16xf32>
      %add3A_997 = arith.addf %add3A_937, %mul3A_996 : vector<16xf32>
      %mul3A_998 = arith.constant 8 : i32
      %mul3A_999 = arith.muli %scan3A_782, %mul3A_998 : i32
      %add3A_1000 = arith.constant 3 : i32
      %add3A_1001 = arith.addi %mul3A_999, %add3A_1000 : i32
      %mul3A_1002 = arith.constant 16 : i32
      %mul3A_1003 = arith.muli %add3A_1001, %mul3A_1002 : i32
      %get3A_1004 = arith.constant 2 : i32
      %get3A_1005 = arith.index_cast %get3A_1004 : i32 to index
      %get3A_1006 = arith.index_cast %mul3A_1003 : i32 to index
      %get3A_1007 = tpu.vector_load %arg8[%get3A_1005, %get3A_1006] {strides = array<i32>} : memref<5x1024xf32, #tpu.memory_space<vmem>>, vector<16xf32>,
      %mul3A_1008 = arith.mulf %scan3A_792#3, %get3A_1007 : vector<16xf32>
      %add3A_1009 = arith.addf %add3A_949, %mul3A_1008 : vector<16xf32>
      %mul3A_1010 = arith.constant 8 : i32
      %mul3A_1011 = arith.muli %scan3A_782, %mul3A_1010 : i32
      %add3A_1012 = arith.constant 3 : i32
      %add3A_1013 = arith.addi %mul3A_1011, %add3A_1012 : i32
      %mul3A_1014 = arith.constant 16 : i32
      %mul3A_1015 = arith.muli %add3A_1013, %mul3A_1014 : i32
      %get3A_1016 = arith.constant 3 : i32
      %get3A_1017 = arith.index_cast %get3A_1016 : i32 to index
      %get3A_1018 = arith.index_cast %mul3A_1015 : i32 to index
      %get3A_1019 = tpu.vector_load %arg8[%get3A_1017, %get3A_1018] {strides = array<i32>} : memref<5x1024xf32, #tpu.memory_space<vmem>>, vector<16xf32>,
      %mul3A_1020 = arith.mulf %scan3A_792#3, %get3A_1019 : vector<16xf32>
      %add3A_1021 = arith.addf %add3A_961, %mul3A_1020 : vector<16xf32>
      %mul3A_1022 = arith.constant 8 : i32
      %mul3A_1023 = arith.muli %scan3A_782, %mul3A_1022 : i32
      %add3A_1024 = arith.constant 3 : i32
      %add3A_1025 = arith.addi %mul3A_1023, %add3A_1024 : i32
      %mul3A_1026 = arith.constant 16 : i32
      %mul3A_1027 = arith.muli %add3A_1025, %mul3A_1026 : i32
      %get3A_1028 = arith.constant 4 : i32
      %get3A_1029 = arith.index_cast %get3A_1028 : i32 to index
      %get3A_1030 = arith.index_cast %mul3A_1027 : i32 to index
      %get3A_1031 = tpu.vector_load %arg8[%get3A_1029, %get3A_1030] {strides = array<i32>} : memref<5x1024xf32, #tpu.memory_space<vmem>>, vector<16xf32>,
      %mul3A_1032 = arith.mulf %scan3A_792#3, %get3A_1031 : vector<16xf32>
      %add3A_1033 = arith.addf %add3A_973, %mul3A_1032 : vector<16xf32>
      %mul3A_1034 = arith.constant 8 : i32
      %mul3A_1035 = arith.muli %scan3A_782, %mul3A_1034 : i32
      %add3A_1036 = arith.constant 4 : i32
      %add3A_1037 = arith.addi %mul3A_1035, %add3A_1036 : i32
      %mul3A_1038 = arith.constant 16 : i32
      %mul3A_1039 = arith.muli %add3A_1037, %mul3A_1038 : i32
      %get3A_1040 = arith.constant 0 : i32
      %get3A_1041 = arith.index_cast %get3A_1040 : i32 to index
      %get3A_1042 = arith.index_cast %mul3A_1039 : i32 to index
      %get3A_1043 = tpu.vector_load %arg8[%get3A_1041, %get3A_1042] {strides = array<i32>} : memref<5x1024xf32, #tpu.memory_space<vmem>>, vector<16xf32>,
      %mul3A_1044 = arith.mulf %scan3A_792#4, %get3A_1043 : vector<16xf32>
      %add3A_1045 = arith.addf %add3A_985, %mul3A_1044 : vector<16xf32>
      %mul3A_1046 = arith.constant 8 : i32
      %mul3A_1047 = arith.muli %scan3A_782, %mul3A_1046 : i32
      %add3A_1048 = arith.constant 4 : i32
      %add3A_1049 = arith.addi %mul3A_1047, %add3A_1048 : i32
      %mul3A_1050 = arith.constant 16 : i32
      %mul3A_1051 = arith.muli %add3A_1049, %mul3A_1050 : i32
      %get3A_1052 = arith.constant 1 : i32
      %get3A_1053 = arith.index_cast %get3A_1052 : i32 to index
      %get3A_1054 = arith.index_cast %mul3A_1051 : i32 to index
      %get3A_1055 = tpu.vector_load %arg8[%get3A_1053, %get3A_1054] {strides = array<i32>} : memref<5x1024xf32, #tpu.memory_space<vmem>>, vector<16xf32>,
      %mul3A_1056 = arith.mulf %scan3A_792#4, %get3A_1055 : vector<16xf32>
      %add3A_1057 = arith.addf %add3A_997, %mul3A_1056 : vector<16xf32>
      %mul3A_1058 = arith.constant 8 : i32
      %mul3A_1059 = arith.muli %scan3A_782, %mul3A_1058 : i32
      %add3A_1060 = arith.constant 4 : i32
      %add3A_1061 = arith.addi %mul3A_1059, %add3A_1060 : i32
      %mul3A_1062 = arith.constant 16 : i32
      %mul3A_1063 = arith.muli %add3A_1061, %mul3A_1062 : i32
      %get3A_1064 = arith.constant 2 : i32
      %get3A_1065 = arith.index_cast %get3A_1064 : i32 to index
      %get3A_1066 = arith.index_cast %mul3A_1063 : i32 to index
      %get3A_1067 = tpu.vector_load %arg8[%get3A_1065, %get3A_1066] {strides = array<i32>} : memref<5x1024xf32, #tpu.memory_space<vmem>>, vector<16xf32>,
      %mul3A_1068 = arith.mulf %scan3A_792#4, %get3A_1067 : vector<16xf32>
      %add3A_1069 = arith.addf %add3A_1009, %mul3A_1068 : vector<16xf32>
      %mul3A_1070 = arith.constant 8 : i32
      %mul3A_1071 = arith.muli %scan3A_782, %mul3A_1070 : i32
      %add3A_1072 = arith.constant 4 : i32
      %add3A_1073 = arith.addi %mul3A_1071, %add3A_1072 : i32
      %mul3A_1074 = arith.constant 16 : i32
      %mul3A_1075 = arith.muli %add3A_1073, %mul3A_1074 : i32
      %get3A_1076 = arith.constant 3 : i32
      %get3A_1077 = arith.index_cast %get3A_1076 : i32 to index
      %get3A_1078 = arith.index_cast %mul3A_1075 : i32 to index
      %get3A_1079 = tpu.vector_load %arg8[%get3A_1077, %get3A_1078] {strides = array<i32>} : memref<5x1024xf32, #tpu.memory_space<vmem>>, vector<16xf32>,
      %mul3A_1080 = arith.mulf %scan3A_792#4, %get3A_1079 : vector<16xf32>
      %add3A_1081 = arith.addf %add3A_1021, %mul3A_1080 : vector<16xf32>
      %mul3A_1082 = arith.constant 8 : i32
      %mul3A_1083 = arith.muli %scan3A_782, %mul3A_1082 : i32
      %add3A_1084 = arith.constant 4 : i32
      %add3A_1085 = arith.addi %mul3A_1083, %add3A_1084 : i32
      %mul3A_1086 = arith.constant 16 : i32
      %mul3A_1087 = arith.muli %add3A_1085, %mul3A_1086 : i32
      %get3A_1088 = arith.constant 4 : i32
      %get3A_1089 = arith.index_cast %get3A_1088 : i32 to index
      %get3A_1090 = arith.index_cast %mul3A_1087 : i32 to index
      %get3A_1091 = tpu.vector_load %arg8[%get3A_1089, %get3A_1090] {strides = array<i32>} : memref<5x1024xf32, #tpu.memory_space<vmem>>, vector<16xf32>,
      %mul3A_1092 = arith.mulf %scan3A_792#4, %get3A_1091 : vector<16xf32>
      %add3A_1093 = arith.addf %add3A_1033, %mul3A_1092 : vector<16xf32>
      %mul3A_1094 = arith.constant 8 : i32
      %mul3A_1095 = arith.muli %scan3A_782, %mul3A_1094 : i32
      %add3A_1096 = arith.constant 5 : i32
      %add3A_1097 = arith.addi %mul3A_1095, %add3A_1096 : i32
      %mul3A_1098 = arith.constant 16 : i32
      %mul3A_1099 = arith.muli %add3A_1097, %mul3A_1098 : i32
      %get3A_1100 = arith.constant 0 : i32
      %get3A_1101 = arith.index_cast %get3A_1100 : i32 to index
      %get3A_1102 = arith.index_cast %mul3A_1099 : i32 to index
      %get3A_1103 = tpu.vector_load %arg8[%get3A_1101, %get3A_1102] {strides = array<i32>} : memref<5x1024xf32, #tpu.memory_space<vmem>>, vector<16xf32>,
      %mul3A_1104 = arith.mulf %scan3A_792#5, %get3A_1103 : vector<16xf32>
      %add3A_1105 = arith.addf %add3A_1045, %mul3A_1104 : vector<16xf32>
      %mul3A_1106 = arith.constant 8 : i32
      %mul3A_1107 = arith.muli %scan3A_782, %mul3A_1106 : i32
      %add3A_1108 = arith.constant 5 : i32
      %add3A_1109 = arith.addi %mul3A_1107, %add3A_1108 : i32
      %mul3A_1110 = arith.constant 16 : i32
      %mul3A_1111 = arith.muli %add3A_1109, %mul3A_1110 : i32
      %get3A_1112 = arith.constant 1 : i32
      %get3A_1113 = arith.index_cast %get3A_1112 : i32 to index
      %get3A_1114 = arith.index_cast %mul3A_1111 : i32 to index
      %get3A_1115 = tpu.vector_load %arg8[%get3A_1113, %get3A_1114] {strides = array<i32>} : memref<5x1024xf32, #tpu.memory_space<vmem>>, vector<16xf32>,
      %mul3A_1116 = arith.mulf %scan3A_792#5, %get3A_1115 : vector<16xf32>
      %add3A_1117 = arith.addf %add3A_1057, %mul3A_1116 : vector<16xf32>
      %mul3A_1118 = arith.constant 8 : i32
      %mul3A_1119 = arith.muli %scan3A_782, %mul3A_1118 : i32
      %add3A_1120 = arith.constant 5 : i32
      %add3A_1121 = arith.addi %mul3A_1119, %add3A_1120 : i32
      %mul3A_1122 = arith.constant 16 : i32
      %mul3A_1123 = arith.muli %add3A_1121, %mul3A_1122 : i32
      %get3A_1124 = arith.constant 2 : i32
      %get3A_1125 = arith.index_cast %get3A_1124 : i32 to index
      %get3A_1126 = arith.index_cast %mul3A_1123 : i32 to index
      %get3A_1127 = tpu.vector_load %arg8[%get3A_1125, %get3A_1126] {strides = array<i32>} : memref<5x1024xf32, #tpu.memory_space<vmem>>, vector<16xf32>,
      %mul3A_1128 = arith.mulf %scan3A_792#5, %get3A_1127 : vector<16xf32>
      %add3A_1129 = arith.addf %add3A_1069, %mul3A_1128 : vector<16xf32>
      %mul3A_1130 = arith.constant 8 : i32
      %mul3A_1131 = arith.muli %scan3A_782, %mul3A_1130 : i32
      %add3A_1132 = arith.constant 5 : i32
      %add3A_1133 = arith.addi %mul3A_1131, %add3A_1132 : i32
      %mul3A_1134 = arith.constant 16 : i32
      %mul3A_1135 = arith.muli %add3A_1133, %mul3A_1134 : i32
      %get3A_1136 = arith.constant 3 : i32
      %get3A_1137 = arith.index_cast %get3A_1136 : i32 to index
      %get3A_1138 = arith.index_cast %mul3A_1135 : i32 to index
      %get3A_1139 = tpu.vector_load %arg8[%get3A_1137, %get3A_1138] {strides = array<i32>} : memref<5x1024xf32, #tpu.memory_space<vmem>>, vector<16xf32>,
      %mul3A_1140 = arith.mulf %scan3A_792#5, %get3A_1139 : vector<16xf32>
      %add3A_1141 = arith.addf %add3A_1081, %mul3A_1140 : vector<16xf32>
      %mul3A_1142 = arith.constant 8 : i32
      %mul3A_1143 = arith.muli %scan3A_782, %mul3A_1142 : i32
      %add3A_1144 = arith.constant 5 : i32
      %add3A_1145 = arith.addi %mul3A_1143, %add3A_1144 : i32
      %mul3A_1146 = arith.constant 16 : i32
      %mul3A_1147 = arith.muli %add3A_1145, %mul3A_1146 : i32
      %get3A_1148 = arith.constant 4 : i32
      %get3A_1149 = arith.index_cast %get3A_1148 : i32 to index
      %get3A_1150 = arith.index_cast %mul3A_1147 : i32 to index
      %get3A_1151 = tpu.vector_load %arg8[%get3A_1149, %get3A_1150] {strides = array<i32>} : memref<5x1024xf32, #tpu.memory_space<vmem>>, vector<16xf32>,
      %mul3A_1152 = arith.mulf %scan3A_792#5, %get3A_1151 : vector<16xf32>
      %add3A_1153 = arith.addf %add3A_1093, %mul3A_1152 : vector<16xf32>
      %mul3A_1154 = arith.constant 8 : i32
      %mul3A_1155 = arith.muli %scan3A_782, %mul3A_1154 : i32
      %add3A_1156 = arith.constant 6 : i32
      %add3A_1157 = arith.addi %mul3A_1155, %add3A_1156 : i32
      %mul3A_1158 = arith.constant 16 : i32
      %mul3A_1159 = arith.muli %add3A_1157, %mul3A_1158 : i32
      %get3A_1160 = arith.constant 0 : i32
      %get3A_1161 = arith.index_cast %get3A_1160 : i32 to index
      %get3A_1162 = arith.index_cast %mul3A_1159 : i32 to index
      %get3A_1163 = tpu.vector_load %arg8[%get3A_1161, %get3A_1162] {strides = array<i32>} : memref<5x1024xf32, #tpu.memory_space<vmem>>, vector<16xf32>,
      %mul3A_1164 = arith.mulf %scan3A_792#6, %get3A_1163 : vector<16xf32>
      %add3A_1165 = arith.addf %add3A_1105, %mul3A_1164 : vector<16xf32>
      %mul3A_1166 = arith.constant 8 : i32
      %mul3A_1167 = arith.muli %scan3A_782, %mul3A_1166 : i32
      %add3A_1168 = arith.constant 6 : i32
      %add3A_1169 = arith.addi %mul3A_1167, %add3A_1168 : i32
      %mul3A_1170 = arith.constant 16 : i32
      %mul3A_1171 = arith.muli %add3A_1169, %mul3A_1170 : i32
      %get3A_1172 = arith.constant 1 : i32
      %get3A_1173 = arith.index_cast %get3A_1172 : i32 to index
      %get3A_1174 = arith.index_cast %mul3A_1171 : i32 to index
      %get3A_1175 = tpu.vector_load %arg8[%get3A_1173, %get3A_1174] {strides = array<i32>} : memref<5x1024xf32, #tpu.memory_space<vmem>>, vector<16xf32>,
      %mul3A_1176 = arith.mulf %scan3A_792#6, %get3A_1175 : vector<16xf32>
      %add3A_1177 = arith.addf %add3A_1117, %mul3A_1176 : vector<16xf32>
      %mul3A_1178 = arith.constant 8 : i32
      %mul3A_1179 = arith.muli %scan3A_782, %mul3A_1178 : i32
      %add3A_1180 = arith.constant 6 : i32
      %add3A_1181 = arith.addi %mul3A_1179, %add3A_1180 : i32
      %mul3A_1182 = arith.constant 16 : i32
      %mul3A_1183 = arith.muli %add3A_1181, %mul3A_1182 : i32
      %get3A_1184 = arith.constant 2 : i32
      %get3A_1185 = arith.index_cast %get3A_1184 : i32 to index
      %get3A_1186 = arith.index_cast %mul3A_1183 : i32 to index
      %get3A_1187 = tpu.vector_load %arg8[%get3A_1185, %get3A_1186] {strides = array<i32>} : memref<5x1024xf32, #tpu.memory_space<vmem>>, vector<16xf32>,
      %mul3A_1188 = arith.mulf %scan3A_792#6, %get3A_1187 : vector<16xf32>
      %add3A_1189 = arith.addf %add3A_1129, %mul3A_1188 : vector<16xf32>
      %mul3A_1190 = arith.constant 8 : i32
      %mul3A_1191 = arith.muli %scan3A_782, %mul3A_1190 : i32
      %add3A_1192 = arith.constant 6 : i32
      %add3A_1193 = arith.addi %mul3A_1191, %add3A_1192 : i32
      %mul3A_1194 = arith.constant 16 : i32
      %mul3A_1195 = arith.muli %add3A_1193, %mul3A_1194 : i32
      %get3A_1196 = arith.constant 3 : i32
      %get3A_1197 = arith.index_cast %get3A_1196 : i32 to index
      %get3A_1198 = arith.index_cast %mul3A_1195 : i32 to index
      %get3A_1199 = tpu.vector_load %arg8[%get3A_1197, %get3A_1198] {strides = array<i32>} : memref<5x1024xf32, #tpu.memory_space<vmem>>, vector<16xf32>,
      %mul3A_1200 = arith.mulf %scan3A_792#6, %get3A_1199 : vector<16xf32>
      %add3A_1201 = arith.addf %add3A_1141, %mul3A_1200 : vector<16xf32>
      %mul3A_1202 = arith.constant 8 : i32
      %mul3A_1203 = arith.muli %scan3A_782, %mul3A_1202 : i32
      %add3A_1204 = arith.constant 6 : i32
      %add3A_1205 = arith.addi %mul3A_1203, %add3A_1204 : i32
      %mul3A_1206 = arith.constant 16 : i32
      %mul3A_1207 = arith.muli %add3A_1205, %mul3A_1206 : i32
      %get3A_1208 = arith.constant 4 : i32
      %get3A_1209 = arith.index_cast %get3A_1208 : i32 to index
      %get3A_1210 = arith.index_cast %mul3A_1207 : i32 to index
      %get3A_1211 = tpu.vector_load %arg8[%get3A_1209, %get3A_1210] {strides = array<i32>} : memref<5x1024xf32, #tpu.memory_space<vmem>>, vector<16xf32>,
      %mul3A_1212 = arith.mulf %scan3A_792#6, %get3A_1211 : vector<16xf32>
      %add3A_1213 = arith.addf %add3A_1153, %mul3A_1212 : vector<16xf32>
      %mul3A_1214 = arith.constant 8 : i32
      %mul3A_1215 = arith.muli %scan3A_782, %mul3A_1214 : i32
      %add3A_1216 = arith.constant 7 : i32
      %add3A_1217 = arith.addi %mul3A_1215, %add3A_1216 : i32
      %mul3A_1218 = arith.constant 16 : i32
      %mul3A_1219 = arith.muli %add3A_1217, %mul3A_1218 : i32
      %get3A_1220 = arith.constant 0 : i32
      %get3A_1221 = arith.index_cast %get3A_1220 : i32 to index
      %get3A_1222 = arith.index_cast %mul3A_1219 : i32 to index
      %get3A_1223 = tpu.vector_load %arg8[%get3A_1221, %get3A_1222] {strides = array<i32>} : memref<5x1024xf32, #tpu.memory_space<vmem>>, vector<16xf32>,
      %mul3A_1224 = arith.mulf %scan3A_792#7, %get3A_1223 : vector<16xf32>
      %add3A_1225 = arith.addf %add3A_1165, %mul3A_1224 : vector<16xf32>
      %mul3A_1226 = arith.constant 8 : i32
      %mul3A_1227 = arith.muli %scan3A_782, %mul3A_1226 : i32
      %add3A_1228 = arith.constant 7 : i32
      %add3A_1229 = arith.addi %mul3A_1227, %add3A_1228 : i32
      %mul3A_1230 = arith.constant 16 : i32
      %mul3A_1231 = arith.muli %add3A_1229, %mul3A_1230 : i32
      %get3A_1232 = arith.constant 1 : i32
      %get3A_1233 = arith.index_cast %get3A_1232 : i32 to index
      %get3A_1234 = arith.index_cast %mul3A_1231 : i32 to index
      %get3A_1235 = tpu.vector_load %arg8[%get3A_1233, %get3A_1234] {strides = array<i32>} : memref<5x1024xf32, #tpu.memory_space<vmem>>, vector<16xf32>,
      %mul3A_1236 = arith.mulf %scan3A_792#7, %get3A_1235 : vector<16xf32>
      %add3A_1237 = arith.addf %add3A_1177, %mul3A_1236 : vector<16xf32>
      %mul3A_1238 = arith.constant 8 : i32
      %mul3A_1239 = arith.muli %scan3A_782, %mul3A_1238 : i32
      %add3A_1240 = arith.constant 7 : i32
      %add3A_1241 = arith.addi %mul3A_1239, %add3A_1240 : i32
      %mul3A_1242 = arith.constant 16 : i32
      %mul3A_1243 = arith.muli %add3A_1241, %mul3A_1242 : i32
      %get3A_1244 = arith.constant 2 : i32
      %get3A_1245 = arith.index_cast %get3A_1244 : i32 to index
      %get3A_1246 = arith.index_cast %mul3A_1243 : i32 to index
      %get3A_1247 = tpu.vector_load %arg8[%get3A_1245, %get3A_1246] {strides = array<i32>} : memref<5x1024xf32, #tpu.memory_space<vmem>>, vector<16xf32>,
      %mul3A_1248 = arith.mulf %scan3A_792#7, %get3A_1247 : vector<16xf32>
      %add3A_1249 = arith.addf %add3A_1189, %mul3A_1248 : vector<16xf32>
      %mul3A_1250 = arith.constant 8 : i32
      %mul3A_1251 = arith.muli %scan3A_782, %mul3A_1250 : i32
      %add3A_1252 = arith.constant 7 : i32
      %add3A_1253 = arith.addi %mul3A_1251, %add3A_1252 : i32
      %mul3A_1254 = arith.constant 16 : i32
      %mul3A_1255 = arith.muli %add3A_1253, %mul3A_1254 : i32
      %get3A_1256 = arith.constant 3 : i32
      %get3A_1257 = arith.index_cast %get3A_1256 : i32 to index
      %get3A_1258 = arith.index_cast %mul3A_1255 : i32 to index
      %get3A_1259 = tpu.vector_load %arg8[%get3A_1257, %get3A_1258] {strides = array<i32>} : memref<5x1024xf32, #tpu.memory_space<vmem>>, vector<16xf32>,
      %mul3A_1260 = arith.mulf %scan3A_792#7, %get3A_1259 : vector<16xf32>
      %add3A_1261 = arith.addf %add3A_1201, %mul3A_1260 : vector<16xf32>
      %mul3A_1262 = arith.constant 8 : i32
      %mul3A_1263 = arith.muli %scan3A_782, %mul3A_1262 : i32
      %add3A_1264 = arith.constant 7 : i32
      %add3A_1265 = arith.addi %mul3A_1263, %add3A_1264 : i32
      %mul3A_1266 = arith.constant 16 : i32
      %mul3A_1267 = arith.muli %add3A_1265, %mul3A_1266 : i32
      %get3A_1268 = arith.constant 4 : i32
      %get3A_1269 = arith.index_cast %get3A_1268 : i32 to index
      %get3A_1270 = arith.index_cast %mul3A_1267 : i32 to index
      %get3A_1271 = tpu.vector_load %arg8[%get3A_1269, %get3A_1270] {strides = array<i32>} : memref<5x1024xf32, #tpu.memory_space<vmem>>, vector<16xf32>,
      %mul3A_1272 = arith.mulf %scan3A_792#7, %get3A_1271 : vector<16xf32>
      %add3A_1273 = arith.addf %add3A_1213, %mul3A_1272 : vector<16xf32>
      scf.yield %add3A_1225, %add3A_1237, %add3A_1249, %add3A_1261, %add3A_1273 : vector<16xf32>, vector<16xf32>, vector<16xf32>, vector<16xf32>, vector<16xf32>
    }
    %scan3A_728 = arith.constant 8 : i32
    %reduce_sum3A = arith.constant true
    %reduce_sum3A_729 = vector.broadcast %reduce_sum3A : i1 to vector<16xi1>
    %reduce_sum3A_730 = tpu.scan <sum>, %scan3A_727#0 masked %reduce_sum3A_729 : vector<16xf32>, vector<16xi1> -> vector<16xf32>
    %reduce_sum3A_731 = vector.extract %reduce_sum3A_730[15] : f32 from vector<16xf32>
    %broadcast_in_dim3A_732 = vector.broadcast %reduce_sum3A_731 : f32 to vector<16xf32>
    %eq3A = arith.constant 0 : i32
    %eq3A_733 = vector.broadcast %eq3A : i32 to vector<16xi32>
    %eq3A_734 = arith.cmpi eq, %iota3A, %eq3A_733 : vector<16xi32>
    %select_n3A_735 = arith.select %eq3A_734, %broadcast_in_dim3A_732, %broadcast_in_dim3A_0 : vector<16xi1>, vector<16xf32>
    %add3A_736 = arith.addf %broadcast_in_dim3A_0, %select_n3A_735 : vector<16xf32>
    %reduce_sum3A_737 = arith.constant true
    %reduce_sum3A_738 = vector.broadcast %reduce_sum3A_737 : i1 to vector<16xi1>
    %reduce_sum3A_739 = tpu.scan <sum>, %scan3A_727#1 masked %reduce_sum3A_738 : vector<16xf32>, vector<16xi1> -> vector<16xf32>
    %reduce_sum3A_740 = vector.extract %reduce_sum3A_739[15] : f32 from vector<16xf32>
    %broadcast_in_dim3A_741 = vector.broadcast %reduce_sum3A_740 : f32 to vector<16xf32>
    %eq3A_742 = arith.constant 1 : i32
    %eq3A_743 = vector.broadcast %eq3A_742 : i32 to vector<16xi32>
    %eq3A_744 = arith.cmpi eq, %iota3A, %eq3A_743 : vector<16xi32>
    %select_n3A_745 = arith.select %eq3A_744, %broadcast_in_dim3A_741, %broadcast_in_dim3A_0 : vector<16xi1>, vector<16xf32>
    %add3A_746 = arith.addf %add3A_736, %select_n3A_745 : vector<16xf32>
    %reduce_sum3A_747 = arith.constant true
    %reduce_sum3A_748 = vector.broadcast %reduce_sum3A_747 : i1 to vector<16xi1>
    %reduce_sum3A_749 = tpu.scan <sum>, %scan3A_727#2 masked %reduce_sum3A_748 : vector<16xf32>, vector<16xi1> -> vector<16xf32>
    %reduce_sum3A_750 = vector.extract %reduce_sum3A_749[15] : f32 from vector<16xf32>
    %broadcast_in_dim3A_751 = vector.broadcast %reduce_sum3A_750 : f32 to vector<16xf32>
    %eq3A_752 = arith.constant 2 : i32
    %eq3A_753 = vector.broadcast %eq3A_752 : i32 to vector<16xi32>
    %eq3A_754 = arith.cmpi eq, %iota3A, %eq3A_753 : vector<16xi32>
    %select_n3A_755 = arith.select %eq3A_754, %broadcast_in_dim3A_751, %broadcast_in_dim3A_0 : vector<16xi1>, vector<16xf32>
    %add3A_756 = arith.addf %add3A_746, %select_n3A_755 : vector<16xf32>
    %reduce_sum3A_757 = arith.constant true
    %reduce_sum3A_758 = vector.broadcast %reduce_sum3A_757 : i1 to vector<16xi1>
    %reduce_sum3A_759 = tpu.scan <sum>, %scan3A_727#3 masked %reduce_sum3A_758 : vector<16xf32>, vector<16xi1> -> vector<16xf32>
    %reduce_sum3A_760 = vector.extract %reduce_sum3A_759[15] : f32 from vector<16xf32>
    %broadcast_in_dim3A_761 = vector.broadcast %reduce_sum3A_760 : f32 to vector<16xf32>
    %eq3A_762 = arith.constant 3 : i32
    %eq3A_763 = vector.broadcast %eq3A_762 : i32 to vector<16xi32>
    %eq3A_764 = arith.cmpi eq, %iota3A, %eq3A_763 : vector<16xi32>
    %select_n3A_765 = arith.select %eq3A_764, %broadcast_in_dim3A_761, %broadcast_in_dim3A_0 : vector<16xi1>, vector<16xf32>
    %add3A_766 = arith.addf %add3A_756, %select_n3A_765 : vector<16xf32>
    %reduce_sum3A_767 = arith.constant true
    %reduce_sum3A_768 = vector.broadcast %reduce_sum3A_767 : i1 to vector<16xi1>
    %reduce_sum3A_769 = tpu.scan <sum>, %scan3A_727#4 masked %reduce_sum3A_768 : vector<16xf32>, vector<16xi1> -> vector<16xf32>
    %reduce_sum3A_770 = vector.extract %reduce_sum3A_769[15] : f32 from vector<16xf32>
    %broadcast_in_dim3A_771 = vector.broadcast %reduce_sum3A_770 : f32 to vector<16xf32>
    %eq3A_772 = arith.constant 4 : i32
    %eq3A_773 = vector.broadcast %eq3A_772 : i32 to vector<16xi32>
    %eq3A_774 = arith.cmpi eq, %iota3A, %eq3A_773 : vector<16xi32>
    %select_n3A_775 = arith.select %eq3A_774, %broadcast_in_dim3A_771, %broadcast_in_dim3A_0 : vector<16xi1>, vector<16xf32>
    %add3A_776 = arith.addf %add3A_766, %select_n3A_775 : vector<16xf32>
    %swap3A_777 = arith.constant 0 : index
    %swap3A_778 = tpu.vector_load %arg10[%swap3A_777] {strides = array<i32>} : memref<16xf32, #tpu.memory_space<vmem>>, vector<16xf32>,
    tpu.vector_store %arg10[%swap3A_777], %add3A_776 {strides = array<i32>} : memref<16xf32, #tpu.memory_space<vmem>>, vector<16xf32>,
    %mul3A_779 = arith.constant 16 : i32
    %mul3A_780 = arith.muli %arg0, %mul3A_779 : i32
    %add3A_781 = arith.addi %mul3A_780, %arg1 : i32
    "tpu.region"() ({
      %run_scoped3A = tpu.sem_alloc : memref<!tpu.dma_semaphore, #tpu.memory_space<semaphore_mem>>
      %dma_start3A_782 = arith.constant 0 : i32
      %dma_start3A_783 = tpu.memref_slice %arg5[%add3A_781, %dma_start3A_782] : memref<32x16xf32, #tpu.memory_space<hbm>> -> memref<1x16xf32, #tpu.memory_space<hbm>>
      %dma_start3A_784 = tpu.memref_squeeze %dma_start3A_783 : memref<1x16xf32, #tpu.memory_space<hbm>> -> memref<16xf32, #tpu.memory_space<hbm>>
      %dma_start3A_785 = arith.constant 0 : i32
      %dma_start3A_786 = tpu.memref_slice %arg5[%add3A_781, %dma_start3A_785] : memref<32x16xf32, #tpu.memory_space<hbm>> -> memref<1x16xf32, #tpu.memory_space<hbm>>
      %dma_start3A_787 = tpu.memref_squeeze %dma_start3A_786 : memref<1x16xf32, #tpu.memory_space<hbm>> -> memref<16xf32, #tpu.memory_space<hbm>>
      tpu.enqueue_dma source(%arg10 : memref<16xf32, #tpu.memory_space<vmem>>) target(%dma_start3A_787 : memref<16xf32, #tpu.memory_space<hbm>>) target_semaphore(%run_scoped3A : memref<!tpu.dma_semaphore, #tpu.memory_space<semaphore_mem>>)
      %dma_wait3A_788 = arith.constant 0 : i32
      %dma_wait3A_789 = tpu.memref_slice %arg5[%add3A_781, %dma_wait3A_788] : memref<32x16xf32, #tpu.memory_space<hbm>> -> memref<1x16xf32, #tpu.memory_space<hbm>>
      %dma_wait3A_790 = tpu.memref_squeeze %dma_wait3A_789 : memref<1x16xf32, #tpu.memory_space<hbm>> -> memref<16xf32, #tpu.memory_space<hbm>>
      %dma_wait3A_791 = arith.constant 0 : i32
      %dma_wait3A_792 = tpu.memref_slice %arg5[%add3A_781, %dma_wait3A_791] : memref<32x16xf32, #tpu.memory_space<hbm>> -> memref<1x16xf32, #tpu.memory_space<hbm>>
      %dma_wait3A_793 = tpu.memref_squeeze %dma_wait3A_792 : memref<1x16xf32, #tpu.memory_space<hbm>> -> memref<16xf32, #tpu.memory_space<hbm>>
      tpu.wait_dma2 semaphore(%run_scoped3A : memref<!tpu.dma_semaphore, #tpu.memory_space<semaphore_mem>>) src(%arg10 : memref<16xf32, #tpu.memory_space<vmem>>) dst(%dma_wait3A_793 : memref<16xf32, #tpu.memory_space<hbm>>)
      tpu.yield
    }) : () -> ()
    return
  }
}

</mosaic_0001>

<sc_bundles>
// kernel: kernel.3.cloned.1.call-start
scs
__scs_entry_jumppad:
0x0: {  	(pc) =	sbr.rel $0x88, $3  }
0x1: {  	(tag) =	ssettag $0x0;
	lr =	simm.s32 $0x1  }
0x2: {  	[smem:$0x3F9B] =	sst lr;
	_ =	strace $0xD0000000  }
0x3: {  	_ = 	snop  }
0x4: {  	_ = 	snop  }
0x5: {  	_ = 	snop  }
0x6: {  	_ = 	snop  }
0x7: {  	_ = 	snop  }
__scs_overlays_trampoline_lowered:
0x8: {  	[smem:$0x3FAA] =	sst s0  }
0x9: {  	[smem:$0x3FAB] =	sst s1  }
0xa: {  	[smem:$0x3FAC] =	sst s2  }
0xb: {  	[smem:$0x3FAD] =	sst s3  }
0xc: {  	[smem:$0x3FAE] =	sst s4  }
0xd: {  	[smem:$0x3FAF] =	sst s5  }
0xe: {  	[smem:$0x3FB0] =	sst s6  }
0xf: {  	[smem:$0x3FB1] =	sst s7  }
0x10: {  	[smem:$0x3FB2] =	sst s8  }
0x11: {  	[smem:$0x3FB3] =	sst s9;
	s0 =	simm.s32 @!p0 $0x0  }
0x12: {  	s1 =	sld [smem:$0x3F99];
	s0 =	simm.s32 @p0 $0x1  }
0x13: {  	[smem:$0x3FB4] =	sst s0;
	s0 =	simm.s32 @!p1 $0x0  }
0x14: {  	s2 =	sld [smem:$0x3F98];
	s0 =	simm.s32 @p1 $0x1  }
0x15: {  	[smem:$0x3FB5] =	sst s0;
	s0 =	simm.s32 @!p2 $0x0  }
0x16: {  	s3 =	sld [smem:$0x3FDB];
	s0 =	simm.s32 @p2 $0x1  }
0x17: {  	s4 =	simm.s32 $0x1BF5;
	[smem:$0x3FB7] =	sst s0  }
0x18: {  	s0 =	sld [smem:$0x3F9A];
	_ =	swait.ge [sflag:s4], $0x0  }
0x19: {  	s7 =	sld [smem:$0x3F9B]  }
0x1a: {  	s8 =	sadd.s32 $0xFFFFE003, lr  }
0x1b: {  	s9 =	sadd.s32 $0xFFFFFEF7, lr;
	s5 =	simm.s32 $0xFFFFFFFF;
	p2 =	slt.u32 s8, $0xFFFFF086  }
0x1c: {  	p1 =	slt.u32 s9, $0xF7A;
	s5 =	simm.s32 @!p2 $0x0  }
0x1d: {  	s5 =	simm.s32 @p1 $0x1;
	p0 =	seq.s32 s7, s2  }
0x1e: {  	s7 =	smul.u32 @!p0 $0xF7A, s2;
	p2 =	seq.s32 @!p0 s5, $0x0  }
0x1f: {  	s9 =	smul.u32 $0xF7A, s1;
	s8 =	simm.s32 @!p0 $0x1BF5;
	p2 =	por !p2, p0  }
0x20: {  	[sflag:s8] =	ssyncset.s32 @!p0 $0xFFFFF086;
	s6 =	sadd.s32 @!p0 s3, s7;
	s7 =	simm.s32 @!p0 $0x108  }
0x21: {  	s3 =	sadd.s32 s3, s9;
	s6 =	sadd.s32 @!p0 $0x88, s6;
	s7 =	simm.s32 @p2 $0x1082  }
0x22: {  	[simem:s7], [sflag:s8] =	dma.local @!p0 [hbm:s6], $0xF7A  }
0x23: {  	s9 =	sor.u32 $0xD0000000, s2;
	s6 =	simm.s32 $0x108;
	_ =	swait.ge @!p0 [sflag:s8], $0x0  }
0x24: {  	s3 =	sadd.s32 $0x88, s3;
	s6 =	simm.s32 @!p1 $0x1082;
	[sflag:s4] =	ssyncset.s32 $0xFFFFF086  }
0x25: {  	[simem:s6], [sflag:s4] =	dma.local [hbm:s3], $0xF7A  }
0x26: {  	[smem:$0x3F9B] =	sst s1;
	(tag) =	ssettag s2;
	_ =	strace s9  }
0x27: {  	s1 =	sld [smem:$0x3FAB]  }
0x28: {  	s2 =	sld [smem:$0x3FAC]  }
0x29: {  	s4 =	sld [smem:$0x3FAE]  }
0x2a: {  	p0 =	seq.s32 s5, $0x0;
	s5 =	sld [smem:$0x3FAF]  }
0x2b: {  	s6 =	sld [smem:$0x3FB0]  }
0x2c: {  	s7 =	sld [smem:$0x3FB1]  }
0x2d: {  	s3 =	simm.s32 $0x108;
	s8 =	sld [smem:$0x3FB2]  }
0x2e: {  	s3 =	simm.s32 @!p0 $0x1082;
	s9 =	sld [smem:$0x3FB3]  }
0x2f: {  	lr =	sadd.s32 s0, s3;
	s0 =	sld [smem:$0x3FAA]  }
0x30: {  	s3 =	sld [smem:$0x3FAD]  }
0x31: {  	[smem:$0x3FB6] =	sst s10  }
0x32: {  	s10 =	sld [smem:$0x3FB4];
	_ =	sdelay $0x3  }
0x33: {  	p0 =	seq.s32 s10, $0x1;
	s10 =	sld [smem:$0x3FB6];
	_ =	sdelay $0x3  }
0x34: {  	[smem:$0x3FB6] =	sst s10  }
0x35: {  	s10 =	sld [smem:$0x3FB5];
	_ =	sdelay $0x3  }
0x36: {  	p1 =	seq.s32 s10, $0x1;
	s10 =	sld [smem:$0x3FB6];
	_ =	sdelay $0x3  }
0x37: {  	[smem:$0x3FB6] =	sst s10  }
0x38: {  	s10 =	sld [smem:$0x3FB7]  }
0x39: {  	_ = 	snop;
	(pc) =	sbr.ind lr, $3  }
0x3a: {  	_ = 	snop  }
0x3b: {  	_ = 	snop  }
0x3c: {  	p2 =	seq.s32 s10, $0x1;
	s10 =	sld [smem:$0x3FB6]  }
0x3d: {  	_ =	shalt  }
0x3e: {  	_ =	shalt  }
0x3f: {  	_ =	shalt  }
0x40: {  	_ =	shalt  }
0x41: {  	_ =	shalt  }
0x42: {  	_ =	shalt  }
0x43: {  	_ =	shalt  }
0x44: {  	_ =	shalt  }
0x45: {  	_ =	shalt  }
0x46: {  	_ =	shalt  }
0x47: {  	_ =	shalt  }
0x48: {  	_ =	shalt  }
0x49: {  	_ =	shalt  }
0x4a: {  	_ =	shalt  }
0x4b: {  	_ =	shalt  }
0x4c: {  	_ =	shalt  }
0x4d: {  	_ =	shalt  }
0x4e: {  	_ =	shalt  }
0x4f: {  	_ =	shalt  }
0x50: {  	_ =	shalt  }
0x51: {  	_ =	shalt  }
0x52: {  	_ =	shalt  }
0x53: {  	_ =	shalt  }
0x54: {  	_ =	shalt  }
0x55: {  	_ =	shalt  }
0x56: {  	_ =	shalt  }
0x57: {  	_ =	shalt  }
0x58: {  	_ =	shalt  }
0x59: {  	_ =	shalt  }
0x5a: {  	_ =	shalt  }
0x5b: {  	_ =	shalt  }
0x5c: {  	_ =	shalt  }
0x5d: {  	_ =	shalt  }
0x5e: {  	_ =	shalt  }
0x5f: {  	_ =	shalt  }
0x60: {  	_ =	shalt  }
0x61: {  	_ =	shalt  }
0x62: {  	_ =	shalt  }
0x63: {  	_ =	shalt  }
0x64: {  	_ =	shalt  }
0x65: {  	_ =	shalt  }
0x66: {  	_ =	shalt  }
0x67: {  	_ =	shalt  }
0x68: {  	_ =	shalt  }
0x69: {  	_ =	shalt  }
0x6a: {  	_ =	shalt  }
0x6b: {  	_ =	shalt  }
0x6c: {  	_ =	shalt  }
0x6d: {  	_ =	shalt  }
0x6e: {  	_ =	shalt  }
0x6f: {  	_ =	shalt  }
0x70: {  	_ =	shalt  }
0x71: {  	_ =	shalt  }
0x72: {  	_ =	shalt  }
0x73: {  	_ =	shalt  }
0x74: {  	_ =	shalt  }
0x75: {  	_ =	shalt  }
0x76: {  	_ =	shalt  }
0x77: {  	_ =	shalt  }
0x78: {  	_ =	shalt  }
0x79: {  	_ =	shalt  }
0x7a: {  	_ =	shalt  }
0x7b: {  	_ =	shalt  }
0x7c: {  	_ =	shalt  }
0x7d: {  	_ =	shalt  }
0x7e: {  	_ =	shalt  }
0x7f: {  	_ =	shalt  }
0x80: {  	_ =	shalt  }
0x81: {  	_ =	shalt  }
0x82: {  	_ =	shalt  }
0x83: {  	_ =	shalt  }
0x84: {  	_ =	shalt  }
0x85: {  	_ =	shalt  }
0x86: {  	_ =	shalt  }
0x87: {  	_ =	shalt  }
.Lfunc_end0:
.L_simem_size_0:
called_computation_lowered:
.L_overlay_start_0:
0x88: {  	s2 =	sld [smem:$0x3FD9]  }
0x89: {  	s3 =	sld [smem:$0x3FFE];
	_ =	sdelay $0x1  }
0x8a: {  	s1 =	srdreg.scid  }
0x8b: {  	s0 =	sand.u32 $0x1, s1  }
0x8c: {  	s17 =	sshll.u32 s0, $0xA;
	s2 =	sadd.s32 s3, s2  }
0x8d: {  	s2 =	sadd.s32 s2, s17  }
0x8e: {  	[smem:$0x3FC2] =	sst s2  }
0x8f: {  	_ = 	snop  }
0x90: {  	s2 =	sld [smem:$0x3FC9]  }
0x91: {  	s18 =	sld [smem:$0x3FC5];
	(tm) =	ssettm $0x1  }
0x92: {  	s4 =	sld [smem:$0x3FFB];
	_ =	sdelay $0x3  }
0x93: {  	_ =	strace s4  }
0x94: {  	s4 =	sld [smem:$0x3FFC];
	_ =	sdelay $0x3  }
0x95: {  	_ =	strace s4  }
0x96: {  	s4 =	sld [smem:$0x3FFD];
	_ =	sdelay $0x3  }
0x97: {  	_ =	strace s4  }
0x98: {  	_ =	strace $0x8FFFFFFF  }
0x99: {  	s19 =	sld [smem:$0x3FDB];
	_ =	sdelay $0x1  }
0x9a: {  	s5 =	simm.s32 $_scs_section_size  }
0x9b: {  	s6 =	simm.s32 $_size__tile_overlayer_lowered;
	s7 =	simm.s32 $_tile_overlayer_lowered  }
0x9c: {  	s22 =	simm.s32 $0x1BFF;
	s21 =	sshll.u32 s7, $0x1;
	s4 =	sadd.s32 s5, s19  }
0x9d: {  	s8 =	simm.s32 $0x0;
	s20 =	sshll.u32 s6, $0x1;
	s6 =	sadd.s32 s21, s4  }
0x9e: {  	[timem:s8], [sflag:s22] =	dma.local [hbm:s6], s20  }
0x9f: {  	_ =	swait.ge [sflag:s22], s20  }
0xa0: {  	s5 =	ssub.s32 $0x0, s20;
	[sflag:s22] =	ssyncset.done $0x0  }
0xa1: {  	[sflag:s22] =	ssyncadd.s32 s5;
	_ =	sdelay $0x1  }
0xa2: {  	s23 =	simm.s32 $0x1B8B  }
0xa3: {  	_ =	swait.ge [sflag:s23], $0x1  }
0xa4: {  	[sflag:s23] =	ssyncset.done $0x0  }
0xa5: {  	s25 =	simm.s32 $0x1B8E;
	s24 =	sld [smem:$0x3FFE];
	[sflag:s23] =	ssyncadd.s32 $0xFFFFFFFF  }
0xa6: {  	s26 =	simm.s32 $execute0_lowered;
	[smem:$0x3FD2] =	sst s25  }
0xa7: {  	s6 =	sshll.u32 s26, $0x1;
	_ =	strace $0x80000046;
	[dreg:$0x1] =	wrdreg $0xFFFFFFFF  }
0xa8: {  	s28 =	simm.s32 $_size_execute0_lowered;
	s4 =	sadd.s32 s4, s6;
	[dreg:$0x0] =	wrdreg $0x0  }
0xa9: {  	s6 =	sshll.u32 s28, $0x1;
	[dreg:$0x2] =	wrdreg s4  }
0xaa: {  	[dreg:$0x3] =	wrdreg s6  }
0xab: {  	[dreg:$0x4] =	wrdreg $0xC0  }
0xac: {  	_ =	task [dreg:s8], $0x5FFFF  }
0xad: {  	[dreg:$0x1] =	wrdreg $0xFFFFFFFF  }
0xae: {  	[dreg:$0x0] =	wrdreg $0x60  }
0xaf: {  	[dreg:$0x2] =	wrdreg s2  }
0xb0: {  	[dreg:$0x3] =	wrdreg s24  }
0xb1: {  	[dreg:$0x4] =	wrdreg s18  }
0xb2: {  	[dreg:$0x5] =	wrdreg $0x9  }
0xb3: {  	_ =	task.clear_ibuf [dreg:s8], $0x6FFFF;
	_ =	strace $0x90000046  }
0xb4: {  	s29 =	simm.s32 $0x9;
	_ =	strace $0x80000048  }
0xb5: {  	_ =	swait.ge [sflag:s29], $0x1  }
0xb6: {  	[sflag:s29] =	ssyncadd.s32 $0xFFFFFFFF  }
0xb7: {  	_ =	strace $0x90000048  }
0xb8: {  	_ =	sfence  }
0xb9: {  	s30 =	sld [smem:$0x0];
	_ =	sdelay $0x2  }
0xba: {  	s31 =	sshll.u32 s1, $0xD;
	s1 =	sshrl.u32 s1, $0x2  }
0xbb: {  	s3 =	sand.u32 $0x4000, s31;
	s1 =	sadd.s32 s1, s30  }
0xbc: {  	s0 =	sor.u32 s3, s0;
	s1 =	sshll.u32 s1, $0x11  }
0xbd: {  	s0 =	sor.u32 s1, s0  }
0xbe: {  	s0 =	sadd.s32 $0x8F2B, s0  }
0xbf: {  	[sflag:s0] =	ssyncadd.remote.s32 $0x1  }
0xc0: {  	_ =	sfence.sel $0xFFFF  }
0xc1: {  	[dreg:$0x0] =	wrdreg $0xFFFFFFFF;
	(pc) =	sbr.abs _section_cstart, $3  }
0xc2: {  	[dreg:$0x1] =	wrdreg $0xFFFFFFFF  }
0xc3: {  	_ =	task.clear_ibuf [dreg:s8], $0x2FFFF;
	_ =	strace $0x9FFFFFFF  }
0xc4: {  	(tm) =	ssettm $0x7FFFFFFF  }
0xc5: {  	_ =	shalt  }
tec
execute0_lowered:
.L_overlay_start_1:
0x0: {  	(tag) =	ssettag $0x1  }
0x1: {  	s1 =	rddreg [dreg:$0x0]  }
0x2: {  	s0 =	rddreg [dreg:$0x1];
	s2 =	srdreg.scid  }
0x3: {  	s9 =	stileid.u32;
	s4 =	simm.s32 $0x0;
	s13 =	simm.s32 $0x4  }
0x4: {  	s24 =	simm.s32 $0x7100;
	s25 =	simm.s32 $0x7900;
	s28 =	simm.s32 $0x8900  }
0x5: {  	s29 =	simm.s32 $0x9100;
	s30 =	simm.s32 $0x9900;
	s31 =	simm.s32 $0x1  }
0x6: {  	s12 =	simm.s32 $0xA100;
	s14 =	simm.s32 $0x0;
	s2 =	sand.u32 $0x1, s2  }
0x7: {  	v3 =	vlaneseq.u32;
	vm0 =	vmmov $0xffff;
	v4 =	vimm.s32 $0x0;
	s3 =	sshll.u32 s9, $0x4;
	[smem:$0x7FF] =	sst s4;
	s7 =	sadd.s32 $0x100, s1  }
0x8: {  	v6 =	vimm.s32 $0x0;
	v10 =	vimm.s32 $0x4A;
	v11 =	vimm.s32 $0x43;
	s8 =	sadd.s32 $0x200, s1;
	s10 =	sshll.u32 s9, $0xB;
	s9 =	sadd.s32 $0x300, s1  }
0x9: {  	v12 =	vimm.s32 $0x4B;
	v13 =	vimm.s32 $0x44;
	v14 =	vimm.s32 $0x4C;
	s5 =	ssub.s32 $0x2, s2;
	s0 =	sadd.s32 s3, s0;
	_ =	strace $0x80000047  }
0xa: {  	v15 =	vimm.s32 $0x45;
	v16 =	vimm.s32 $0x4D;
	v17 =	vimm.s32 $0x46;
	s6 =	sshll.u32 s2, $0x5;
	s2 =	sshll.u32 s2, $0x8;
	s26 =	sshrl.u32 s5, $0x1  }
0xb: {  	v18 =	vimm.s32 $0x4E;
	v19 =	vimm.s32 $0x47;
	v20 =	vimm.s32 $0x4F;
	s3 =	ssub.s32 s5, s26;
	s5 =	sadd.s32 $0x600, s0;
	s0 =	sadd.s32 s2, s0  }
0xc: {  	v2 =	vshrl.u32 v3, $0x3;
	v4 =	vsel vm0, $0xFFFFFFFF, v4;
	v0 =	vmov s10;
	s26 =	simm.s32 $0x8100;
	s2 =	simm.s32 $0x80;
	s10 =	sadd.s32 $0x800, s0  }
0xd: {  	v1 =	vand.u32 $0x7, v3;
	v3 =	vor.u32 $0x8, v3;
	v2 =	vmul.u32 $0x8, v2;
	[tilespmem:$0x1FFF0] =	vst v4;
	s11 =	smax.u32 s3, $0x1;
	s0 =	simm.s32 $0x3;
	s3 =	simm.s32 $0x2  }
.LBB2_1:
0xe: {  	s15 =	rddreg [dreg:$0x2];
	s16 =	simm.s32 $0x100  }
0xf: {  	[tilespmem:s16], [sflag:$0x3] =	stream.linear.gather [hbm4b:s15+s4], $0x2000, $0x38;
	[tilespmem:$0xA180] =	vst v63  }
0x10: {  	_ = 	snop  }
0x11: {  	[tilespmem:s4], [sflag:$0x4] =	stream.linear.gather [hbm4b:s5+s4], $0x80, $0x38;
	[tilespmem:$0xA180] =	vst v63  }
0x12: {  	_ =	swait.ge [sflag:s13], $0x80  }
0x13: {  	[sflag:s13] =	ssyncset.done $0x0  }
0x14: {  	[sflag:s13] =	ssyncadd.s32 $0xFFFFFF80  }
0x15: {  	v21 =	vld [tilespmem:s6+$0x0];
	_ =	sdelay $0x4  }
0x16: {  	v22 =	vshll.u32 v21, $0x3  }
0x17: {  	v21 =	vand.u32 $0x7, v21;
	v22 =	vand.u32 $0xFFFFFFC0, v22  }
0x18: {  	v21 =	vor.u32 v21, v22  }
0x19: {  	v22 =	vperm.xlane v21, v1  }
0x1a: {  	v4 =	vld [tilespmem:$0x1FFF0]  }
0x1b: {  	v22 =	vadd.s32 v2, v22;
	_ =	sdelay $0x3  }
0x1c: {  	s22 =	simm.s32 $0x2100;
	vm0 =	vnez.u8 v4  }
0x1d: {  	[tilespmem:s22], [sflag:$0x1] =	stream.indirect_vreg.gather [hbm4b:s1+s4], $0x80, v22, vm0, $0xb8;
	[tilespmem:$0xA180] =	vst v63  }
0x1e: {  	s23 =	simm.s32 $0x2900;
	v21 =	vperm.xlane v21, v3  }
0x1f: {  	[tilespmem:s23], [sflag:$0x1] =	stream.indirect_vreg.gather [hbm4b:s7+s4], $0x80, v22, vm0, $0xb8;
	[tilespmem:$0xA180] =	vst v63  }
0x20: {  	s16 =	simm.s32 $0x3100;
	v21 =	vadd.s32 v2, v21  }
0x21: {  	[tilespmem:s16], [sflag:$0x1] =	stream.indirect_vreg.gather [hbm4b:s8+s4], $0x80, v22, vm0, $0xb8;
	[tilespmem:$0xA180] =	vst v63  }
0x22: {  	s17 =	simm.s32 $0x3900  }
0x23: {  	[tilespmem:s17], [sflag:$0x1] =	stream.indirect_vreg.gather [hbm4b:s9+s4], $0x80, v22, vm0, $0xb8;
	[tilespmem:$0xA180] =	vst v63  }
0x24: {  	s18 =	simm.s32 $0x4100  }
0x25: {  	[tilespmem:s18], [sflag:$0x1] =	stream.indirect_vreg.gather [hbm4b:s1+s4], $0x80, v21, vm0, $0xb8;
	[tilespmem:$0xA180] =	vst v63  }
0x26: {  	s19 =	simm.s32 $0x4900  }
0x27: {  	[tilespmem:s19], [sflag:$0x1] =	stream.indirect_vreg.gather [hbm4b:s7+s4], $0x80, v21, vm0, $0xb8;
	[tilespmem:$0xA180] =	vst v63  }
0x28: {  	s20 =	simm.s32 $0x5100  }
0x29: {  	[tilespmem:s20], [sflag:$0x1] =	stream.indirect_vreg.gather [hbm4b:s8+s4], $0x80, v21, vm0, $0xb8;
	[tilespmem:$0xA180] =	vst v63  }
0x2a: {  	s21 =	simm.s32 $0x5900  }
0x2b: {  	[tilespmem:s21], [sflag:$0x1] =	stream.indirect_vreg.gather [hbm4b:s9+s4], $0x80, v21, vm0, $0xb8;
	[tilespmem:$0xA180] =	vst v63  }
0x2c: {  	v21 =	vld [tilespmem:s6+$0x10];
	_ =	sdelay $0x4  }
0x2d: {  	v22 =	vshll.u32 v21, $0x3  }
0x2e: {  	v21 =	vand.u32 $0x7, v21;
	v22 =	vand.u32 $0xFFFFFFC0, v22  }
0x2f: {  	v21 =	vor.u32 v21, v22  }
0x30: {  	v22 =	vperm.xlane v21, v1;
	_ =	sdelay $0x1  }
0x31: {  	v22 =	vadd.s32 v2, v22;
	_ =	sdelay $0x3  }
0x32: {  	s22 =	simm.s32 $0x6100  }
0x33: {  	[tilespmem:s22], [sflag:$0x2] =	stream.indirect_vreg.gather [hbm4b:s1+s4], $0x80, v22, vm0, $0xb8;
	[tilespmem:$0xA180] =	vst v63  }
0x34: {  	s23 =	simm.s32 $0x6900;
	v21 =	vperm.xlane v21, v3  }
0x35: {  	[tilespmem:s23], [sflag:$0x2] =	stream.indirect_vreg.gather [hbm4b:s7+s4], $0x80, v22, vm0, $0xb8;
	[tilespmem:$0xA180] =	vst v63  }
0x36: {  	v21 =	vadd.s32 v2, v21  }
0x37: {  	[tilespmem:s24], [sflag:$0x2] =	stream.indirect_vreg.gather [hbm4b:s8+s4], $0x80, v22, vm0, $0xb8;
	[tilespmem:$0xA180] =	vst v63  }
0x38: {  	_ = 	snop  }
0x39: {  	[tilespmem:s25], [sflag:$0x2] =	stream.indirect_vreg.gather [hbm4b:s9+s4], $0x80, v22, vm0, $0xb8;
	[tilespmem:$0xA180] =	vst v63  }
0x3a: {  	_ = 	snop  }
0x3b: {  	[tilespmem:s26], [sflag:$0x2] =	stream.indirect_vreg.gather [hbm4b:s1+s4], $0x80, v21, vm0, $0xb8;
	[tilespmem:$0xA180] =	vst v63  }
0x3c: {  	_ = 	snop  }
0x3d: {  	v4 =	vimm.s32 $0x40;
	[tilespmem:s28], [sflag:$0x2] =	stream.indirect_vreg.gather [hbm4b:s7+s4], $0x80, v21, vm0, $0xb8;
	[tilespmem:$0xA180] =	vst v63  }
0x3e: {  	_ = 	snop  }
0x3f: {  	[tilespmem:s29], [sflag:$0x2] =	stream.indirect_vreg.gather [hbm4b:s8+s4], $0x80, v21, vm0, $0xb8;
	[tilespmem:$0xA180] =	vst v63  }
0x40: {  	_ = 	snop  }
0x41: {  	[tilespmem:s30], [sflag:$0x2] =	stream.indirect_vreg.gather [hbm4b:s9+s4], $0x80, v21, vm0, $0xb8;
	[tilespmem:$0xA180] =	vst v63  }
0x42: {  	v27 =	vld.idx.msk [tilespmem:v4+s4+$0x0], $0xffff;
	v4 =	vimm.s32 $0x48  }
0x43: {  	v21 =	vld [tilespmem:$0x0]  }
0x44: {  	v24 =	vld [tilespmem:$0x10]  }
0x45: {  	v26 =	vld [tilespmem:$0x20]  }
0x46: {  	v29 =	vld [tilespmem:$0x30]  }
0x47: {  	v28 =	vld.idx.msk [tilespmem:v4+s4+$0x0], $0xffff;
	_ =	sdelay $0x1  }
0x48: {  	v25 =	vsub.s32 v21, v0;
	v4 =	vimm.s32 $0x41  }
0x49: {  	v23 =	vsub.s32 v24, v0;
	v22 =	vsub.s32 v26, v0;
	vm6 =	vne.s32 v21, v0  }
0x4a: {  	vm7 =	vne.s32 v24, v0;
	v24 =	vsub.s32 v29, v0;
	vm1 =	vle.s32 v27, v25  }
0x4b: {  	vm9 =	vle.s32 v27, v23;
	vm12 =	vle.s32 v27, v22;
	v30 =	vsub.s32 v28, v27  }
0x4c: {  	vm2 =	vle.s32 v25, v28;
	vm3 =	vle.s32 v23, v28;
	vm5 =	vle.s32 v22, v28  }
0x4d: {  	v37 =	vld.idx.msk [tilespmem:v4+s4+$0x0], $0xffff;
	v4 =	vimm.s32 $0x49;
	vm8 =	vgt.s32 v30, $0x2;
	vm1 =	vmand vm1, vm2  }
0x4e: {  	vm2 =	vmand vm9, vm3;
	vm3 =	vmand vm12, vm5;
	vm9 =	vle.s32 v27, v24  }
0x4f: {  	vm5 =	vne.s32 v26, v0;
	vm1 =	vmand vm1, vm8;
	vm2 =	vmand vm2, vm8  }
0x50: {  	vm3 =	vmand vm3, vm8;
	vm10 =	vmand vm6, vm1;
	vm11 =	vmand vm7, vm2  }
0x51: {  	vm13 =	vmand vm5, vm3;
	v26 =	vmpcnt.ones.xlane vm1;
	v38 =	vmpcnt.ones.xlane vm2  }
0x52: {  	v32 =	vmpcnt.ones.xlane vm3;
	v21 =	vmpcnt.ones.xlane vm10;
	vm10 =	vle.s32 v24, v28  }
0x53: {  	v36 =	vmpcnt.ones.xlane vm11;
	v27 =	vmpcnt.ones.xlane vm13;
	vm9 =	vmand vm9, vm10  }
0x54: {  	v31 =	vld.idx.msk [tilespmem:v4+s4+$0x0], $0xffff;
	v26 =	vadd.s32 v26, v38;
	vm9 =	vmand vm9, vm8;
	vm8 =	vne.s32 v29, v0  }
0x55: {  	v4 =	vimm.s32 $0x42;
	v21 =	vadd.s32 v21, v36;
	vm14 =	vmand vm8, vm9  }
0x56: {  	v21 =	vadd.s32 v27, v21;
	v27 =	vmpcnt.ones.xlane vm9;
	v39 =	vmpcnt.ones.xlane vm14  }
0x57: {  	v34 =	vsel vm1, $0x3F800000, v6;
	vm0 =	vle.s32 v37, v25;
	v26 =	vadd.s32 v32, v26  }
0x58: {  	vm4 =	vle.s32 v37, v23;
	v27 =	vadd.s32 v27, v26;
	v21 =	vadd.s32 v39, v21  }
0x59: {  	v40 =	vsub.s32 v31, v37;
	vm11 =	vle.s32 v25, v31;
	v27 =	vcvt.s32.f32 v27  }
0x5a: {  	vm13 =	vle.s32 v23, v31;
	v36 =	vld.idx.msk [tilespmem:v4+s4+$0x0], $0xffff;
	v4 =	vimm.s32 $0x0;
	vm15 =	vgt.s32 v21, $0x0  }
0x5b: {  	v21 =	vimm.f32 $0.0e+00;
	vm12 =	vgt.s32 v40, $0x2;
	vm10 =	vmand vm0, vm11  }
0x5c: {  	vm11 =	vmand vm4, vm13;
	vm0 =	vle.s32 v37, v22;
	vm4 =	vle.s32 v22, v31  }
0x5d: {  	v26 =	vsel vm15, $0x3F800000, v21;
	vm10 =	vmand vm10, vm12;
	v27 =	vmax.f32 v27, $1.000000000e+00  }
0x5e: {  	vm11 =	vmand vm11, vm12;
	vm13 =	vmand vm0, vm4;
	vm0 =	vle.s32 v37, v24  }
0x5f: {  	v52 =	vld.idx.msk [tilespmem:v11+s4+$0x0], $0xffff;
	vm15 =	vle.s32 v24, v31;
	vm14 =	vmand vm6, vm10;
	v41 =	vmpcnt.ones.xlane vm10  }
0x60: {  	v39 =	vld.idx.msk [tilespmem:v12+s4+$0x0], $0xffff;
	v43 =	vmpcnt.ones.xlane vm11;
	vm13 =	vmand vm13, vm12;
	vm4 =	vmand vm7, vm11  }
0x61: {  	(erf) = vrcp.f32 v27;
	v27 =	vsel vm2, $0x3F800000, v6;
	v35 =	vsel vm10, $0x3F800000, v6  }
0x62: {  	v32 =	vsel vm11, $0x3F800000, v6;
	v42 =	vmpcnt.ones.xlane vm14;
	vm14 =	vmand vm0, vm15  }
0x63: {  	v45 =	vmpcnt.ones.xlane vm13;
	v46 =	vmpcnt.ones.xlane vm4;
	vm0 =	vmand vm5, vm13  }
0x64: {  	v37 =	vld.idx.msk [tilespmem:v10+s4+$0x0], $0xffff;
	v44 =	vadd.s32 v41, v43;
	vm12 =	vmand vm14, vm12;
	v48 =	vmpcnt.ones.xlane vm0  }
0x65: {  	vm15 =	vle.s32 v36, v25;
	vm11 =	vle.s32 v36, v23;
	v54 =	vsub.s32 v39, v52  }
0x66: {  	vm0 =	vle.s32 v25, v39;
	v47 =	vmpcnt.ones.xlane vm12;
	v28 =	vadd.s32 v45, v44  }
0x67: {  	vm4 =	vmand vm8, vm12;
	v30 =	vadd.s32 v42, v46;
	v33 =	vsel vm12, $0x3F800000, v6  }
0x68: {  	v49 =	vmpcnt.ones.xlane vm4;
	v29 =	vadd.s32 v48, v30;
	v30 =	vsel vm9, $0x3F800000, v6  }
0x69: {  	v38 =	vsub.s32 v37, v36;
	vm4 =	vle.s32 v25, v37;
	vm12 =	vle.s32 v23, v37  }
0x6a: {  	v28 =	vadd.s32 v47, v28;
	vm9 =	vgt.s32 v38, $0x2;
	vm1 =	vmand vm15, vm4  }
0x6b: {  	vm2 =	vmand vm11, vm12;
	v50 =	vcvt.s32.f32 v28;
	v29 =	vadd.s32 v49, v29  }
0x6c: {  	v28 =	vsel vm3, $0x3F800000, v6;
	vm1 =	vmand vm1, vm9;
	vm2 =	vmand vm2, vm9  }
0x6d: {  	vm14 =	vgt.s32 v29, $0x0;
	v29 =	vsel vm13, $0x3F800000, v6;
	vm13 =	vle.s32 v36, v22  }
0x6e: {  	v46 =	vmpcnt.ones.xlane vm1;
	vm15 =	vmand vm6, vm1;
	vm12 =	vmand vm7, vm2  }
0x6f: {  	v47 =	vmpcnt.ones.xlane vm2;
	v45 =	vsel vm1, $0x3F800000, v6;
	v51 =	vmax.f32 v50, $1.000000000e+00  }
0x70: {  	v31 =	vsel vm14, $0x3F800000, v21;
	vm14 =	vle.s32 v22, v37;
	v40 =	vmpcnt.ones.xlane vm15  }
0x71: {  	v41 =	vmpcnt.ones.xlane vm12;
	vm15 =	vle.s32 v24, v37;
	vm3 =	vmand vm13, vm14  }
0x72: {  	(erf) = vrcp.f32 v51;
	vm14 =	vle.s32 v36, v24;
	vm3 =	vmand vm3, vm9  }
0x73: {  	v53 =	vadd.s32 v40, v41;
	vm10 =	vmand vm14, vm15;
	vm14 =	vle.s32 v52, v24  }
0x74: {  	v41 =	vsel vm2, $0x3F800000, v6;
	vm13 =	vmand vm5, vm3;
	v48 =	vmpcnt.ones.xlane vm3  }
0x75: {  	v50 =	vld.idx.msk [tilespmem:v13+s4+$0x0], $0xffff;
	vm9 =	vmand vm10, vm9;
	vm10 =	vle.s32 v52, v25;
	v42 =	vmpcnt.ones.xlane vm13  }
0x76: {  	v51 =	vld.idx.msk [tilespmem:v14+s4+$0x0], $0xffff;
	vm4 =	vmand vm8, vm9;
	vm13 =	vgt.s32 v54, $0x2;
	vm10 =	vmand vm10, vm0  }
0x77: {  	v49 =	vmpcnt.ones.xlane vm9;
	vm0 =	vle.s32 v52, v23;
	v43 =	vsel vm9, $0x3F800000, v6  }
0x78: {  	v55 =	vmpcnt.ones.xlane vm4;
	vm10 =	vmand vm10, vm13;
	vm4 =	vle.s32 v23, v39  }
0x79: {  	v36 =	vadd.s32 v42, v53;
	vm11 =	vmand vm6, vm10;
	vm15 =	vmand vm0, vm4  }
0x7a: {  	vm0 =	vle.s32 v52, v22;
	vm4 =	vle.s32 v22, v39;
	v42 =	vsel vm3, $0x3F800000, v6  }
0x7b: {  	v62 =	vmpcnt.ones.xlane vm10;
	v40 =	vsel vm10, $0x3F800000, v6;
	v52 =	vsub.s32 v51, v50  }
0x7c: {  	v36 =	vadd.s32 v55, v36;
	v56 =	vmpcnt.ones.xlane vm11;
	vm11 =	vmand vm15, vm13  }
0x7d: {  	vm12 =	vmand vm0, vm4;
	vm0 =	vle.s32 v24, v39;
	vm3 =	vgt.s32 v52, $0x2  }
0x7e: {  	vm15 =	vle.s32 v50, v22;
	vm4 =	vmand vm7, vm11;
	vm12 =	vmand vm12, vm13  }
0x7f: {  	vm14 =	vmand vm14, vm0;
	v63 =	vmpcnt.ones.xlane vm11;
	v38 =	vsel vm11, $0x3F800000, v6  }
0x80: {  	vm11 =	vle.s32 v50, v25;
	v57 =	vmpcnt.ones.xlane vm4;
	vm0 =	vmand vm5, vm12  }
0x81: {  	vm13 =	vmand vm14, vm13;
	vm14 =	vgt.s32 v36, $0x0;
	v61 =	vmpcnt.ones.xlane vm12  }
0x82: {  	v58 =	vmpcnt.ones.xlane vm0;
	vm0 =	vmand vm8, vm13;
	v44 =	vsel vm14, $0x3F800000, v21  }
0x83: {  	vm14 =	vle.s32 v23, v51;
	v62 =	vadd.s32 v62, v63;
	v37 =	vadd.s32 v56, v57  }
0x84: {  	v59 =	vmpcnt.ones.xlane vm0;
	v57 =	vmpcnt.ones.xlane vm13;
	vm0 =	vle.s32 v24, v51  }
0x85: {  	v36 =	vadd.s32 v58, v37;
	v37 =	vsel vm13, $0x3F800000, v6;
	vm13 =	vle.s32 v50, v23  }
0x86: {  	v36 =	vadd.s32 v59, v36;
	vm2 =	vmand vm13, vm14;
	vm13 =	vle.s32 v22, v51  }
0x87: {  	vm9 =	vgt.s32 v36, $0x0;
	v36 =	vsel vm12, $0x3F800000, v6;
	vm12 =	vle.s32 v25, v51  }
0x88: {  	v39 =	vsel vm9, $0x3F800000, v21;
	vm1 =	vmand vm11, vm12;
	vm12 =	vmand vm2, vm3  }
0x89: {  	v54 =	vld.idx.msk [tilespmem:v15+s4+$0x0], $0xffff;
	vm2 =	vmand vm15, vm13;
	vm15 =	vle.s32 v50, v24;
	vm1 =	vmand vm1, vm3  }
0x8a: {  	vm14 =	vmand vm7, vm12;
	vm2 =	vmand vm2, vm3;
	vm4 =	vmand vm15, vm0  }
0x8b: {  	v50 =	vld.idx.msk [tilespmem:v16+s4+$0x0], $0xffff;
	v58 =	vmpcnt.ones.xlane vm12;
	v53 =	vmpcnt.ones.xlane vm1;
	vm9 =	vmand vm6, vm1  }
0x8c: {  	v60 =	vmpcnt.ones.xlane vm14;
	vm13 =	vmand vm5, vm2;
	v59 =	vmpcnt.ones.xlane vm2  }
0x8d: {  	v52 =	vmpcnt.ones.xlane vm9;
	v55 =	vmpcnt.ones.xlane vm13;
	vm13 =	vmand vm4, vm3  }
0x8e: {  	vm14 =	vle.s32 v54, v25;
	vm4 =	vle.s32 v54, v23;
	vm3 =	vmand vm8, vm13  }
0x8f: {  	v51 =	vadd.s32 v52, v60;
	v60 =	vmpcnt.ones.xlane vm13;
	v52 =	vmpcnt.ones.xlane vm3  }
0x90: {  	vm15 =	vle.s32 v25, v50;
	vm0 =	vle.s32 v23, v50;
	vm9 =	vle.s32 v22, v50  }
0x91: {  	v51 =	vadd.s32 v55, v51;
	v55 =	vsub.s32 v50, v54;
	vm3 =	vmand vm14, vm15  }
0x92: {  	vm4 =	vmand vm4, vm0;
	v51 =	vadd.s32 v52, v51;
	vm11 =	vgt.s32 v55, $0x2  }
0x93: {  	vm15 =	vle.s32 v24, v50;
	vm3 =	vmand vm3, vm11;
	vm14 =	vgt.s32 v51, $0x0  }
0x94: {  	vm0 =	vmand vm4, vm11;
	vm4 =	vle.s32 v54, v22;
	vm10 =	vmand vm6, vm3  }
0x95: {  	v5 =	vld.idx.msk [tilespmem:v18+s4+$0x0], $0xffff;
	v4 =	vsel vm0, $0xFFFFFFFF, v4;
	vm0 =	vmand vm7, vm0;
	vm4 =	vmand vm4, vm9  }
0x96: {  	[tilespmem:$0x1FFE0] =	vst v4;
	v51 =	vmpcnt.ones.xlane vm10;
	v4 =	vld.idx.msk [tilespmem:v17+s4+$0x0], $0xffff;
	vm10 =	vmand vm4, vm11;
	vm4 =	vle.s32 v54, v24  }
0x97: {  	v54 =	vmpcnt.ones.xlane vm0;
	vm9 =	vmand vm5, vm10;
	vm4 =	vmand vm4, vm15  }
0x98: {  	v50 =	vsel vm1, $0x3F800000, v6;
	v55 =	vmpcnt.ones.xlane vm9;
	vm11 =	vmand vm4, vm11  }
0x99: {  	v52 =	vsel vm14, $0x3F800000, v21;
	v54 =	vadd.s32 v51, v54;
	vm9 =	vmand vm8, vm11  }
0x9a: {  	vm15 =	vle.s32 v25, v5;
	v54 =	vadd.s32 v55, v54;
	v55 =	vmpcnt.ones.xlane vm9  }
0x9b: {  	v51 =	vsel vm12, $0x3F800000, v6;
	v56 =	vsub.s32 v5, v4;
	vm14 =	vle.s32 v4, v25  }
0x9c: {  	v55 =	vadd.s32 v55, v54;
	vm4 =	vgt.s32 v56, $0x2;
	vm0 =	vmand vm14, vm15  }
0x9d: {  	v54 =	vsel vm2, $0x3F800000, v6;
	vm14 =	vle.s32 v4, v22;
	vm15 =	vle.s32 v22, v5  }
0x9e: {  	vm2 =	vle.s32 v4, v24;
	vm9 =	vgt.s32 v55, $0x0;
	vm12 =	vmand vm0, vm4  }
0x9f: {  	v9 =	vld.idx.msk [tilespmem:v20+s4+$0x0], $0xffff;
	v55 =	vsel vm13, $0x3F800000, v6;
	vm13 =	vle.s32 v23, v5;
	vm1 =	vmand vm14, vm15  }
0xa0: {  	v8 =	vld.idx.msk [tilespmem:v19+s4+$0x0], $0xffff;
	v56 =	vsel vm9, $0x3F800000, v21;
	vm0 =	vmand vm6, vm12;
	vm9 =	vle.s32 v4, v23  }
0xa1: {  	v7 =	vmpcnt.ones.xlane vm0;
	vm0 =	vmand vm9, vm13;
	vm9 =	vle.s32 v24, v5  }
0xa2: {  	vm14 =	vmand vm1, vm4;
	vm15 =	vmand vm0, vm4;
	vm13 =	vmand vm2, vm9  }
0xa3: {  	vm9 =	vmand vm5, vm14;
	vm1 =	vmand vm7, vm15;
	vm13 =	vmand vm13, vm4  }
0xa4: {  	v5 =	vmpcnt.ones.xlane vm9;
	vm9 =	vle.s32 v25, v9;
	v4 =	vmpcnt.ones.xlane vm1  }
0xa5: {  	vm0 =	vmand vm8, vm13;
	vm1 =	vle.s32 v8, v25;
	v25 =	vsub.s32 v9, v8  }
0xa6: {  	vm4 =	vgt.s32 v25, $0x2;
	v25 =	vmpcnt.ones.xlane vm0;
	vm0 =	vmand vm1, vm9  }
0xa7: {  	vm2 =	vle.s32 v8, v23;
	vm9 =	vle.s32 v23, v9;
	vm0 =	vmand vm0, vm4  }
0xa8: {  	v23 =	vpop (erf);
	vm1 =	vmand vm2, vm9;
	vm2 =	vle.s32 v8, v22;
	vm9 =	vle.s32 v22, v9  }
0xa9: {  	v23 =	vmul.f32 v23, v26;
	v26 =	vadd.f32 v31, v26;
	v4 =	vadd.s32 v7, v4  }
0xaa: {  	vm2 =	vmand vm2, vm9;
	vm9 =	vmand vm6, vm0;
	vm6 =	vmand vm1, vm4  }
0xab: {  	v4 =	vadd.s32 v5, v4;
	v22 =	vmpcnt.ones.xlane vm9;
	vm1 =	vmand vm7, vm6  }
0xac: {  	vm7 =	vle.s32 v8, v24;
	vm9 =	vle.s32 v24, v9;
	v9 =	vadd.s32 v46, v47  }
0xad: {  	vm2 =	vmand vm2, vm4;
	v34 =	vmul.f32 v34, v23;
	v27 =	vmul.f32 v27, v23  }
0xae: {  	v28 =	vmul.f32 v28, v23;
	v23 =	vmul.f32 v30, v23;
	v9 =	vadd.s32 v48, v9  }
0xaf: {  	v4 =	vadd.s32 v25, v4;
	v25 =	vadd.s32 v53, v58;
	v9 =	vadd.s32 v49, v9  }
0xb0: {  	v26 =	vadd.f32 v44, v26;
	v47 =	vmpcnt.ones.xlane vm0;
	v9 =	vcvt.s32.f32 v9  }
0xb1: {  	v63 =	vpop (erf);
	v8 =	vmpcnt.ones.xlane vm1;
	vm1 =	vmand vm7, vm9;
	vm9 =	vmand vm5, vm2  }
0xb2: {  	v48 =	vmul.f32 v63, v31;
	vm5 =	vgt.s32 v4, $0x0;
	v9 =	vmax.f32 v9, $1.000000000e+00  }
0xb3: {  	v25 =	vadd.s32 v59, v25;
	(erf) = vrcp.f32 v9;
	v9 =	vadd.s32 v61, v62  }
0xb4: {  	vm7 =	vmand vm1, vm4;
	v24 =	vmpcnt.ones.xlane vm9;
	v9 =	vadd.s32 v57, v9  }
0xb5: {  	v34 =	vadd.f32 $0.0e+00, v34;
	v4 =	vadd.f32 $0.0e+00, v23;
	v9 =	vcvt.s32.f32 v9  }
0xb6: {  	v23 =	vsel vm5, $0x3F800000, v21;
	v25 =	vadd.s32 v60, v25;
	v49 =	vmpcnt.ones.xlane vm2  }
0xb7: {  	v26 =	vadd.f32 v39, v26;
	vm4 =	vmand vm8, vm7;
	v7 =	vmax.f32 v9, $1.000000000e+00  }
0xb8: {  	v35 =	vmul.f32 v35, v48;
	(erf) = vrcp.f32 v7;
	v7 =	vadd.f32 $0.0e+00, v27;
	v27 =	vld [tilespmem:$0x1FFE0]  }
0xb9: {  	v29 =	vmul.f32 v29, v48;
	v63 =	vmul.f32 v33, v48;
	v5 =	vadd.s32 v22, v8  }
0xba: {  	v8 =	vadd.f32 $0.0e+00, v28;
	v22 =	vsel vm3, $0x3F800000, v6;
	v25 =	vcvt.s32.f32 v25  }
0xbb: {  	v46 =	vmpcnt.ones.xlane vm4;
	v5 =	vadd.s32 v24, v5;
	v26 =	vadd.f32 v52, v26  }
0xbc: {  	v8 =	vadd.f32 v29, v8;
	v61 =	vadd.f32 v35, v34;
	v62 =	vmul.f32 v32, v48  }
0xbd: {  	v35 =	vmpcnt.ones.xlane vm10;
	v9 =	vmpcnt.ones.xlane vm3;
	v24 =	vpop (erf);
	vm9 =	vnez.u8 v27  }
0xbe: {  	v25 =	vmax.f32 v25, $1.000000000e+00;
	v24 =	vmul.f32 v24, v44;
	v27 =	vmpcnt.ones.xlane vm9  }
0xbf: {  	v4 =	vadd.f32 v63, v4;
	(erf) = vrcp.f32 v25;
	v44 =	vmpcnt.ones.xlane vm15  }
0xc0: {  	v34 =	vmul.f32 v45, v24;
	v9 =	vadd.s32 v9, v27;
	v27 =	vmpcnt.ones.xlane vm11  }
0xc1: {  	v41 =	vmul.f32 v41, v24;
	v42 =	vmul.f32 v42, v24;
	v9 =	vadd.s32 v35, v9  }
0xc2: {  	v24 =	vmul.f32 v43, v24;
	v43 =	vmpcnt.ones.xlane vm12;
	v9 =	vadd.s32 v27, v9  }
0xc3: {  	v5 =	vadd.s32 v46, v5;
	v45 =	vmpcnt.ones.xlane vm14;
	v9 =	vcvt.s32.f32 v9  }
0xc4: {  	v46 =	vmpcnt.ones.xlane vm13;
	v48 =	vmpcnt.ones.xlane vm6;
	v28 =	vadd.s32 v43, v44  }
0xc5: {  	vm8 =	vgt.s32 v5, $0x0;
	v28 =	vadd.s32 v45, v28;
	v9 =	vmax.f32 v9, $1.000000000e+00  }
0xc6: {  	v57 =	vmpcnt.ones.xlane vm7;
	(erf) = vrcp.f32 v9;
	v9 =	vadd.s32 v46, v28  }
0xc7: {  	v30 =	vadd.s32 v47, v48;
	v7 =	vadd.f32 v62, v7;
	v25 =	vpop (erf);
	v9 =	vcvt.s32.f32 v9  }
0xc8: {  	v4 =	vadd.f32 v24, v4;
	v24 =	vadd.s32 v49, v30;
	v25 =	vmul.f32 v25, v39  }
0xc9: {  	v7 =	vadd.f32 v41, v7;
	v24 =	vadd.s32 v57, v24;
	v9 =	vmax.f32 v9, $1.000000000e+00  }
0xca: {  	v8 =	vadd.f32 v42, v8;
	v24 =	vcvt.s32.f32 v24;
	v53 =	vmul.f32 v40, v25  }
0xcb: {  	v27 =	vadd.f32 v34, v61;
	v58 =	vmul.f32 v38, v25;
	v59 =	vmul.f32 v36, v25  }
0xcc: {  	v25 =	vmul.f32 v37, v25;
	v24 =	vmax.f32 v24, $1.000000000e+00;
	(erf) = vrcp.f32 v9;
	v9 =	vpop (erf)  }
0xcd: {  	(erf) = vrcp.f32 v24;
	v24 =	vadd.f32 v56, v26;
	v9 =	vmul.f32 v9, v52  }
0xce: {  	v5 =	vsel vm8, $0x3F800000, v21;
	v27 =	vadd.f32 v53, v27;
	v4 =	vadd.f32 v25, v4  }
0xcf: {  	v24 =	vadd.f32 v23, v24;
	v25 =	vmul.f32 v50, v9;
	v60 =	vmul.f32 v51, v9  }
0xd0: {  	v7 =	vadd.f32 v58, v7;
	v26 =	vpop (erf);
	v61 =	vmul.f32 v54, v9;
	v9 =	vmul.f32 v55, v9  }
0xd1: {  	v8 =	vadd.f32 v59, v8;
	v26 =	vmul.f32 v26, v56;
	v24 =	vadd.f32 v5, v24  }
0xd2: {  	v25 =	vadd.f32 v25, v27;
	v27 =	vsel vm9, $0x3F800000, v6;
	v4 =	vadd.f32 v9, v4  }
0xd3: {  	v9 =	vmul.f32 v22, v26;
	v22 =	vmul.f32 v27, v26;
	v27 =	vsel vm10, $0x3F800000, v6  }
0xd4: {  	v7 =	vadd.f32 v60, v7;
	v62 =	vmax.f32 v24, $1.000000000e+00  }
0xd5: {  	v8 =	vadd.f32 v61, v8;
	(erf) = vrcp.f32 v62;
	v9 =	vadd.f32 v9, v25  }
0xd6: {  	v25 =	vmul.f32 v27, v26;
	v7 =	vadd.f32 v22, v7;
	v22 =	vsel vm11, $0x3F800000, v6;
	v27 =	vpop (erf)  }
0xd7: {  	v63 =	vsel vm0, $0x3F800000, v6;
	v22 =	vmul.f32 v22, v26;
	v23 =	vmul.f32 v27, v23  }
0xd8: {  	v26 =	vsel vm15, $0x3F800000, v6;
	v27 =	vpop (erf);
	v8 =	vadd.f32 v25, v8;
	v25 =	vsel vm12, $0x3F800000, v6  }
0xd9: {  	vm15 =	vgt.f32 v24, $0.0e+00;
	v5 =	vmul.f32 v27, v5;
	v25 =	vmul.f32 v25, v23  }
0xda: {  	v27 =	vsel vm14, $0x3F800000, v6;
	v4 =	vadd.f32 v22, v4;
	v22 =	vsel vm13, $0x3F800000, v6  }
0xdb: {  	v26 =	vmul.f32 v26, v23;
	v22 =	vmul.f32 v22, v23;
	v9 =	vadd.f32 v25, v9  }
0xdc: {  	v25 =	vmul.f32 v27, v23;
	v27 =	vmul.f32 v63, v5;
	v23 =	vsel vm6, $0x3F800000, v6  }
0xdd: {  	v7 =	vadd.f32 v26, v7;
	v4 =	vadd.f32 v22, v4;
	v23 =	vmul.f32 v23, v5  }
0xde: {  	v8 =	vadd.f32 v25, v8;
	v9 =	vadd.f32 v27, v9;
	v25 =	vsel vm2, $0x3F800000, v6  }
0xdf: {  	v26 =	vpop (erf);
	v27 =	vsel vm7, $0x3F800000, v6;
	v24 =	vmul.f32 v25, v5;
	v25 =	vsel vm15, $0x3F800000, v21  }
0xe0: {  	v5 =	vmul.f32 v27, v5;
	v26 =	vmul.f32 v26, v25;
	v25 =	vsub.f32 $1.000000000e+00, v25  }
0xe1: {  	v7 =	vadd.f32 v23, v7  }
0xe2: {  	v4 =	vadd.f32 v5, v4;
	v22 =	vmul.f32 $1.562500000e-02, v25;
	v9 =	vmul.f32 v26, v9  }
0xe3: {  	v8 =	vadd.f32 v24, v8;
	v5 =	vmul.f32 v26, v7  }
0xe4: {  	v4 =	vmul.f32 v26, v4;
	v7 =	vadd.f32 v22, v9  }
0xe5: {  	v8 =	vmul.f32 v26, v8;
	v5 =	vadd.f32 v22, v5  }
0xe6: {  	v4 =	vadd.f32 v22, v4;
	[tilespmem:$0x80] =	vst v7  }
0xe7: {  	v7 =	vadd.f32 v22, v8;
	[tilespmem:$0x90] =	vst v5  }
0xe8: {  	[tilespmem:$0xB0] =	vst v4  }
0xe9: {  	[tilespmem:$0xA0] =	vst v7  }
0xea: {  	_ =	swait.ge [sflag:s31], $0x4000  }
0xeb: {  	[sflag:s31] =	ssyncset.done $0x0  }
0xec: {  	[sflag:s31] =	ssyncadd.s32 $0xFFFFC000  }
0xed: {  	_ =	swait.ge [sflag:s0], $0x2000  }
0xee: {  	v23 =	vimm.f32 $0.0e+00;
	v24 =	vimm.f32 $0.0e+00;
	[sflag:s0] =	ssyncset.done $0x0  }
0xef: {  	s15 =	simm.s32 $0x0;
	v25 =	vimm.f32 $0.0e+00;
	v26 =	vimm.f32 $0.0e+00;
	v22 =	vimm.f32 $0.0e+00;
	[sflag:s0] =	ssyncadd.s32 $0xFFFFE000  }
.LBB2_2:
0xf0: {  	s18 =	sadd.s32 $0x0, s6  }
0xf1: {  	s22 =	sshll.u32 s15, $0xC;
	s16 =	sadd.s32 $0x1, s18  }
0xf2: {  	s19 =	simm.s32 $0x0;
	v4 =	vmov s16;
	s16 =	sshrl.u32 s22, $0x2  }
0xf3: {  	s20 =	simm.s32 $0x80;
	s19 =	sand.u32 $0x2000, s19;
	s17 =	sadd.s32 $0x2100, s16  }
0xf4: {  	s20 =	sand.u32 $0x380, s20;
	s19 =	sadd.s32 s19, s17  }
0xf5: {  	s21 =	sadd.s32 s20, s19  }
0xf6: {  	v7 =	vld [tilespmem:s21+$0x0]  }
0xf7: {  	v8 =	vld [tilespmem:s21+$0x10]  }
0xf8: {  	s23 =	simm.s32 $0x0;
	v5 =	vmov s18;
	v9 =	vld [tilespmem:s21+$0x20]  }
0xf9: {  	s18 =	sand.u32 $0x300, s23;
	v5 =	vand.u32 $0xFFFFFFFE, v5;
	v28 =	vld [tilespmem:s21+$0x30]  }
0xfa: {  	v5 =	vbroadcast v5, $0x0;
	s18 =	sadd.s32 s18, s19;
	v29 =	vld [tilespmem:s21+$0x40]  }
0xfb: {  	v30 =	vld [tilespmem:s18+$0x0]  }
0xfc: {  	v31 =	vld [tilespmem:s18+$0x10]  }
0xfd: {  	v4 =	vld.idx.msk [tilespmem:v4+s2+$0x0], $0xffff  }
0xfe: {  	s20 =	sadd.s32 $0x2, s6;
	v32 =	vld [tilespmem:s18+$0x20]  }
0xff: {  	v27 =	vmov s20;
	v43 =	vld [tilespmem:s21+$0x70]  }
0x100: {  	v27 =	vand.u32 $0xFFFFFFFE, v27;
	v5 =	vld.idx.msk [tilespmem:v5+s2+$0x0], $0xffff  }
0x101: {  	v34 =	vld [tilespmem:s18+$0x30];
	v27 =	vbroadcast v27, $0x0  }
0x102: {  	s19 =	sadd.s32 $0x1, s20;
	v35 =	vld [tilespmem:s18+$0x40];
	v7 =	vmul.f32 v7, v4;
	v8 =	vmul.f32 v8, v4  }
0x103: {  	v37 =	vld [tilespmem:s18+$0x50];
	v36 =	vmov s19;
	v9 =	vmul.f32 v9, v4;
	v28 =	vmul.f32 v28, v4  }
0x104: {  	v38 =	vld [tilespmem:s18+$0x60];
	v44 =	vmul.f32 v29, v4;
	v43 =	vmul.f32 v43, v4  }
0x105: {  	v29 =	vmul.f32 v30, v5;
	v30 =	vmul.f32 v31, v5;
	v31 =	vld [tilespmem:s18+$0x70];
	s18 =	simm.s32 $0x800  }
0x106: {  	v33 =	vld [tilespmem:s21+$0x50];
	s20 =	simm.s32 $0x180;
	v32 =	vmul.f32 v32, v5;
	v34 =	vmul.f32 v34, v5;
	s22 =	sand.u32 $0x2000, s18  }
0x107: {  	v39 =	vld [tilespmem:s21+$0x60];
	s23 =	sand.u32 $0x380, s20;
	v41 =	vmul.f32 v35, v5;
	s22 =	sadd.s32 s22, s17;
	v29 =	vadd.f32 v29, v21;
	v40 =	vadd.f32 v30, v21  }
0x108: {  	v46 =	vmul.f32 v37, v5;
	v30 =	vld.idx.msk [tilespmem:v36+s2+$0x0], $0xffff;
	v42 =	vadd.f32 v32, v21;
	v45 =	vadd.f32 v34, v21;
	s19 =	sadd.s32 s23, s22  }
0x109: {  	v38 =	vmul.f32 v38, v5;
	v35 =	vld [tilespmem:s19+$0x0];
	v34 =	vadd.f32 v7, v29;
	v32 =	vadd.f32 v8, v40  }
0x10a: {  	v36 =	vld [tilespmem:s19+$0x10];
	v29 =	vadd.f32 v28, v45;
	v8 =	vadd.f32 v41, v21;
	v5 =	vmul.f32 v31, v5  }
0x10b: {  	v7 =	vmul.f32 v33, v4;
	v37 =	vld [tilespmem:s19+$0x20];
	v31 =	vadd.f32 v9, v42;
	v9 =	vadd.f32 v46, v21  }
0x10c: {  	s23 =	simm.s32 $0x100;
	v40 =	vmul.f32 v39, v4;
	v39 =	vld [tilespmem:s19+$0x30];
	v42 =	vadd.f32 v38, v21;
	v41 =	vadd.f32 v5, v21  }
0x10d: {  	s21 =	simm.s32 $0x4;
	s23 =	sand.u32 $0x300, s23;
	v38 =	vld [tilespmem:s19+$0x40];
	v33 =	vadd.f32 v44, v8;
	v28 =	vadd.f32 v7, v9  }
.LBB2_3:
0x10e: {  	p0 =	slt.u32 s21, $0xE;
	s22 =	sadd.s32 s23, s22;
	v4 =	vld [tilespmem:s19+$0x50];
	v5 =	vadd.f32 v40, v42;
	v7 =	vadd.f32 v43, v41;
	v8 =	vmov v30  }
0x10f: {  	v9 =	vld [tilespmem:s22+$0x0]  }
0x110: {  	s23 =	sadd.s32 s6, s21;
	v30 =	vld [tilespmem:s22+$0x10]  }
0x111: {  	v40 =	vmov s23;
	v41 =	vld.idx.msk [tilespmem:v27+s2+$0x0], $0xffff  }
0x112: {  	v27 =	vand.u32 $0xFFFFFFFE, v40;
	v40 =	vld [tilespmem:s22+$0x20]  }
0x113: {  	v27 =	vbroadcast v27, $0x0;
	v42 =	vld [tilespmem:s22+$0x30]  }
0x114: {  	s23 =	sadd.s32 $0x1, s23;
	v44 =	vmul.f32 v35, v8;
	v36 =	vmul.f32 v36, v8;
	v43 =	vld [tilespmem:s22+$0x40]  }
0x115: {  	v35 =	vmov s23;
	v37 =	vmul.f32 v37, v8;
	v39 =	vmul.f32 v39, v8;
	v45 =	vld [tilespmem:s22+$0x50]  }
0x116: {  	v47 =	vmul.f32 v38, v8;
	v4 =	vmul.f32 v4, v8;
	v46 =	vld [tilespmem:s22+$0x60]  }
0x117: {  	s18 =	sadd.s32 $0x800, s18;
	v9 =	vmul.f32 v9, v41;
	v30 =	vmul.f32 v30, v41;
	v38 =	vld [tilespmem:s22+$0x70]  }
0x118: {  	s20 =	sadd.s32 $0x100, s20;
	s22 =	sand.u32 $0x2000, s18;
	v40 =	vmul.f32 v40, v41;
	v42 =	vmul.f32 v42, v41;
	v48 =	vld [tilespmem:s19+$0x60]  }
0x119: {  	s23 =	sand.u32 $0x380, s20;
	s22 =	sadd.s32 s22, s17;
	v9 =	vadd.f32 v9, v34;
	v32 =	vadd.f32 v30, v32;
	v43 =	vmul.f32 v43, v41;
	v49 =	vld [tilespmem:s19+$0x70]  }
0x11a: {  	s19 =	sadd.s32 s23, s22;
	v31 =	vadd.f32 v40, v31;
	v30 =	vld.idx.msk [tilespmem:v35+s2+$0x0], $0xffff;
	v29 =	vadd.f32 v42, v29;
	v40 =	vmul.f32 v45, v41  }
.Ltmp0:
0x11b: {  	v34 =	vadd.f32 v44, v9;
	v32 =	vadd.f32 v36, v32;
	v35 =	vld [tilespmem:s19+$0x0];
	v42 =	vmul.f32 v46, v41;
	(pc) =	sbr.rel @p0 .LBB2_3-.Ltmp0, $4  }
0x11c: {  	v31 =	vadd.f32 v37, v31;
	v36 =	vld [tilespmem:s19+$0x10];
	v9 =	vmul.f32 v38, v41;
	v29 =	vadd.f32 v39, v29  }
0x11d: {  	v33 =	vadd.f32 v43, v33;
	v28 =	vadd.f32 v40, v28;
	v37 =	vld [tilespmem:s19+$0x20];
	v40 =	vmul.f32 v48, v8  }
0x11e: {  	s23 =	sadd.s32 $0xFFFFFF80, s20;
	v42 =	vadd.f32 v42, v5;
	v39 =	vld [tilespmem:s19+$0x30];
	v41 =	vadd.f32 v9, v7;
	v43 =	vmul.f32 v49, v8  }
0x11f: {  	s21 =	sadd.s32 $0x2, s21;
	s23 =	sand.u32 $0x300, s23;
	v33 =	vadd.f32 v47, v33;
	v28 =	vadd.f32 v4, v28;
	v38 =	vld [tilespmem:s19+$0x40]  }
0x120: {  	_ =	sdelay $0x2  }
0x121: {  	v4 =	vld [tilespmem:s19+$0x50]  }
0x122: {  	v8 =	vld.idx.msk [tilespmem:v27+s2+$0x0], $0xffff  }
0x123: {  	v48 =	vld [tilespmem:s19+$0x60]  }
0x124: {  	v49 =	vld [tilespmem:s19+$0x70]  }
0x125: {  	v50 =	vld [tilespmem:s16+$0x100]  }
0x126: {  	v51 =	vld [tilespmem:s16+$0x180]  }
0x127: {  	v52 =	vld [tilespmem:s16+$0x200]  }
0x128: {  	v53 =	vld [tilespmem:s16+$0x280]  }
0x129: {  	v54 =	vld [tilespmem:s16+$0x300]  }
0x12a: {  	v55 =	vld [tilespmem:s16+$0x110]  }
0x12b: {  	v56 =	vld [tilespmem:s16+$0x190]  }
0x12c: {  	v57 =	vld [tilespmem:s16+$0x210]  }
0x12d: {  	v40 =	vadd.f32 v40, v42;
	v42 =	vld [tilespmem:s16+$0x290]  }
0x12e: {  	s17 =	sadd.s32 s23, s22;
	v41 =	vadd.f32 v43, v41;
	v43 =	vld [tilespmem:s16+$0x310]  }
0x12f: {  	v5 =	vld [tilespmem:s17+$0x0]  }
0x130: {  	v7 =	vld [tilespmem:s17+$0x10]  }
0x131: {  	v9 =	vld [tilespmem:s17+$0x20]  }
0x132: {  	v27 =	vld [tilespmem:s17+$0x30]  }
0x133: {  	v44 =	vld [tilespmem:s17+$0x40]  }
0x134: {  	v35 =	vmul.f32 v35, v30;
	v46 =	vld [tilespmem:s17+$0x60]  }
0x135: {  	v45 =	vld [tilespmem:s17+$0x50];
	v58 =	vmul.f32 v36, v30;
	v59 =	vmul.f32 v37, v30  }
0x136: {  	v47 =	vld [tilespmem:s17+$0x70];
	v60 =	vmul.f32 v39, v30;
	v5 =	vmul.f32 v5, v8  }
0x137: {  	v36 =	vld [tilespmem:s16+$0x130];
	v7 =	vmul.f32 v7, v8;
	v9 =	vmul.f32 v9, v8  }
0x138: {  	v39 =	vld [tilespmem:s16+$0x1C0];
	v27 =	vmul.f32 v27, v8;
	v61 =	vmul.f32 v44, v8  }
0x139: {  	v63 =	vmul.f32 v46, v8;
	v46 =	vmul.f32 v38, v30;
	v38 =	vld [tilespmem:s16+$0x1B0];
	v5 =	vadd.f32 v5, v34  }
0x13a: {  	v62 =	vmul.f32 v45, v8;
	v44 =	vld [tilespmem:s16+$0x330];
	v7 =	vadd.f32 v7, v32;
	v9 =	vadd.f32 v9, v31  }
0x13b: {  	v8 =	vmul.f32 v47, v8;
	v34 =	vld [tilespmem:s16+$0x120];
	v27 =	vadd.f32 v27, v29;
	v33 =	vadd.f32 v61, v33  }
0x13c: {  	v4 =	vmul.f32 v4, v30;
	v31 =	vld [tilespmem:s16+$0x1A0];
	v28 =	vadd.f32 v62, v28;
	v47 =	vadd.f32 v63, v40  }
0x13d: {  	v48 =	vmul.f32 v48, v30;
	v32 =	vld [tilespmem:s16+$0x2A0];
	v8 =	vadd.f32 v8, v41;
	v5 =	vadd.f32 v35, v5  }
0x13e: {  	v49 =	vmul.f32 v49, v30;
	v29 =	vld [tilespmem:s16+$0x320];
	v7 =	vadd.f32 v58, v7;
	v9 =	vadd.f32 v59, v9  }
0x13f: {  	v41 =	vld [tilespmem:s16+$0x230];
	v27 =	vadd.f32 v60, v27;
	v33 =	vadd.f32 v46, v33;
	v50 =	vmul.f32 v50, v5  }
0x140: {  	v61 =	vld [tilespmem:s16+$0x2C0];
	v4 =	vadd.f32 v4, v28;
	v51 =	vmul.f32 v51, v5;
	v52 =	vmul.f32 v52, v5  }
0x141: {  	v63 =	vld [tilespmem:s16+$0x340];
	v37 =	vadd.f32 v48, v47;
	v53 =	vmul.f32 v53, v5;
	v5 =	vmul.f32 v54, v5  }
0x142: {  	v35 =	vld [tilespmem:s16+$0x220];
	v8 =	vadd.f32 v49, v8;
	v58 =	vmul.f32 v55, v7;
	v60 =	vmul.f32 v57, v7  }
0x143: {  	v28 =	vld [tilespmem:s16+$0x2B0];
	v62 =	vmul.f32 v42, v7;
	v55 =	vmul.f32 v39, v33;
	v25 =	vadd.f32 v50, v25  }
0x144: {  	v46 =	vld [tilespmem:s16+$0x140];
	v26 =	vadd.f32 v51, v26;
	v5 =	vadd.f32 v5, v22;
	v22 =	vmul.f32 v56, v7  }
0x145: {  	v59 =	vld [tilespmem:s16+$0x240];
	v24 =	vadd.f32 v52, v24;
	v23 =	vadd.f32 v53, v23;
	v7 =	vmul.f32 v43, v7  }
0x146: {  	v48 =	vld [tilespmem:s16+$0x150];
	v25 =	vadd.f32 v58, v25;
	v22 =	vadd.f32 v22, v26;
	v26 =	vmul.f32 v34, v9  }
0x147: {  	v49 =	vld [tilespmem:s16+$0x1D0];
	v50 =	vmul.f32 v32, v9;
	v5 =	vadd.f32 v7, v5;
	v7 =	vmul.f32 v31, v9  }
0x148: {  	v54 =	vld [tilespmem:s16+$0x1E0];
	v24 =	vadd.f32 v60, v24;
	v25 =	vadd.f32 v26, v25;
	v26 =	vmul.f32 v35, v9  }
0x149: {  	v57 =	vld [tilespmem:s16+$0x360];
	v7 =	vadd.f32 v7, v22;
	v9 =	vmul.f32 v29, v9;
	v22 =	vmul.f32 v36, v27  }
0x14a: {  	v51 =	vld [tilespmem:s16+$0x250];
	v23 =	vadd.f32 v62, v23;
	v24 =	vadd.f32 v26, v24;
	v26 =	vmul.f32 v38, v27  }
0x14b: {  	v52 =	vld [tilespmem:s16+$0x2D0];
	v5 =	vadd.f32 v9, v5;
	v9 =	vadd.f32 v22, v25;
	v22 =	vmul.f32 v41, v27  }
0x14c: {  	v53 =	vld [tilespmem:s16+$0x350];
	v23 =	vadd.f32 v50, v23;
	v7 =	vadd.f32 v26, v7;
	v26 =	vmul.f32 v28, v27  }
0x14d: {  	v58 =	vmul.f32 v48, v4;
	v25 =	vld [tilespmem:s16+$0x160];
	v22 =	vadd.f32 v22, v24;
	v24 =	vmul.f32 v46, v33  }
0x14e: {  	v56 =	vld [tilespmem:s16+$0x260];
	v27 =	vmul.f32 v44, v27;
	v23 =	vadd.f32 v26, v23;
	v26 =	vmul.f32 v59, v33  }
0x14f: {  	v62 =	vld [tilespmem:s16+$0x270];
	v60 =	vmul.f32 v51, v4;
	v9 =	vadd.f32 v24, v9;
	v24 =	vmul.f32 v61, v33  }
0x150: {  	v5 =	vadd.f32 v27, v5;
	v27 =	vld [tilespmem:s16+$0x2E0];
	v22 =	vadd.f32 v26, v22;
	v26 =	vmul.f32 v63, v33  }
0x151: {  	v7 =	vadd.f32 v55, v7;
	v59 =	vld [tilespmem:s16+$0x170];
	v23 =	vadd.f32 v24, v23;
	v24 =	vmul.f32 v49, v4  }
0x152: {  	v61 =	vld [tilespmem:s16+$0x1F0];
	v25 =	vmul.f32 v25, v37;
	v5 =	vadd.f32 v26, v5;
	v26 =	vmul.f32 v52, v4  }
0x153: {  	v9 =	vadd.f32 v58, v9;
	v63 =	vld [tilespmem:s16+$0x370];
	v7 =	vadd.f32 v24, v7;
	v4 =	vmul.f32 v53, v4  }
0x154: {  	v22 =	vadd.f32 v60, v22;
	v24 =	vld [tilespmem:s16+$0x2F0];
	v23 =	vadd.f32 v26, v23;
	v26 =	vmul.f32 v54, v37  }
0x155: {  	s15 =	sadd.s32 $0x1, s15;
	v27 =	vmul.f32 v27, v37;
	v4 =	vadd.f32 v4, v5;
	v5 =	vmul.f32 v56, v37  }
0x156: {  	p0 =	sne.s32 s15, $0x8;
	v9 =	vadd.f32 v25, v9;
	v25 =	vmul.f32 v57, v37;
	v7 =	vadd.f32 v26, v7  }
.Ltmp1:
0x157: {  	v5 =	vadd.f32 v5, v22;
	v22 =	vadd.f32 v27, v23;
	v23 =	vmul.f32 v59, v8;
	(pc) =	sbr.rel @p0 .LBB2_2-.Ltmp1, $4  }
0x158: {  	v4 =	vadd.f32 v25, v4;
	v26 =	vmul.f32 v61, v8;
	v27 =	vmul.f32 v62, v8  }
0x159: {  	v25 =	vadd.f32 v23, v9;
	v9 =	vmul.f32 v24, v8;
	v8 =	vmul.f32 v63, v8  }
0x15a: {  	v26 =	vadd.f32 v26, v7;
	v24 =	vadd.f32 v27, v5  }
0x15b: {  	v23 =	vadd.f32 v9, v22;
	v22 =	vadd.f32 v8, v4  }
0x15c: {  	_ =	swait.ge [sflag:s3], $0x4000  }
0x15d: {  	[sflag:s3] =	ssyncset.done $0x0  }
0x15e: {  	s15 =	simm.s32 $0x0;
	[sflag:s3] =	ssyncadd.s32 $0xFFFFC000  }
.LBB2_6:
0x15f: {  	s18 =	sadd.s32 $0x10, s6  }
0x160: {  	s22 =	sshll.u32 s15, $0xC;
	s16 =	sadd.s32 $0x1, s18  }
0x161: {  	s19 =	simm.s32 $0x4000;
	v4 =	vmov s16;
	s16 =	sshrl.u32 s22, $0x2  }
0x162: {  	s20 =	simm.s32 $0x880;
	s19 =	sand.u32 $0x6000, s19;
	s17 =	sadd.s32 $0x2100, s16  }
0x163: {  	s20 =	sand.u32 $0x380, s20;
	s19 =	sadd.s32 s19, s17  }
0x164: {  	s21 =	sadd.s32 s20, s19  }
0x165: {  	v7 =	vld [tilespmem:s21+$0x0]  }
0x166: {  	v8 =	vld [tilespmem:s21+$0x10]  }
0x167: {  	s23 =	simm.s32 $0x800;
	v5 =	vmov s18;
	v9 =	vld [tilespmem:s21+$0x20]  }
0x168: {  	s18 =	sand.u32 $0x300, s23;
	v5 =	vand.u32 $0xFFFFFFFE, v5;
	v27 =	vld [tilespmem:s21+$0x30]  }
0x169: {  	v5 =	vbroadcast v5, $0x0;
	s18 =	sadd.s32 s18, s19;
	v28 =	vld [tilespmem:s21+$0x40]  }
0x16a: {  	v29 =	vld [tilespmem:s18+$0x0]  }
0x16b: {  	v30 =	vld [tilespmem:s18+$0x10]  }
0x16c: {  	v4 =	vld.idx.msk [tilespmem:v4+s2+$0x0], $0xffff  }
0x16d: {  	s20 =	sadd.s32 $0x12, s6;
	v31 =	vld [tilespmem:s18+$0x20]  }
0x16e: {  	v21 =	vmov s20;
	v42 =	vld [tilespmem:s21+$0x70]  }
0x16f: {  	v21 =	vand.u32 $0xFFFFFFFE, v21;
	v5 =	vld.idx.msk [tilespmem:v5+s2+$0x0], $0xffff  }
0x170: {  	v33 =	vld [tilespmem:s18+$0x30];
	v21 =	vbroadcast v21, $0x0  }
0x171: {  	s19 =	sadd.s32 $0x1, s20;
	v34 =	vld [tilespmem:s18+$0x40];
	v7 =	vmul.f32 v7, v4;
	v8 =	vmul.f32 v8, v4  }
0x172: {  	v36 =	vld [tilespmem:s18+$0x50];
	v35 =	vmov s19;
	v9 =	vmul.f32 v9, v4;
	v27 =	vmul.f32 v27, v4  }
0x173: {  	v37 =	vld [tilespmem:s18+$0x60];
	v43 =	vmul.f32 v28, v4;
	v42 =	vmul.f32 v42, v4  }
0x174: {  	v28 =	vmul.f32 v29, v5;
	v29 =	vmul.f32 v30, v5;
	v30 =	vld [tilespmem:s18+$0x70];
	s18 =	simm.s32 $0x4800  }
0x175: {  	v40 =	vimm.f32 $0.0e+00;
	v32 =	vld [tilespmem:s21+$0x50];
	s20 =	simm.s32 $0x980;
	v31 =	vmul.f32 v31, v5;
	v33 =	vmul.f32 v33, v5;
	s22 =	sand.u32 $0x6000, s18  }
0x176: {  	v38 =	vld [tilespmem:s21+$0x60];
	s23 =	sand.u32 $0x380, s20;
	v41 =	vmul.f32 v34, v5;
	s22 =	sadd.s32 s22, s17;
	v28 =	vadd.f32 v28, v40;
	v39 =	vadd.f32 v29, v40  }
0x177: {  	v46 =	vmul.f32 v36, v5;
	v29 =	vld.idx.msk [tilespmem:v35+s2+$0x0], $0xffff;
	v44 =	vadd.f32 v31, v40;
	v45 =	vadd.f32 v33, v40;
	s19 =	sadd.s32 s23, s22  }
0x178: {  	v37 =	vmul.f32 v37, v5;
	v34 =	vld [tilespmem:s19+$0x0];
	v33 =	vadd.f32 v7, v28;
	v31 =	vadd.f32 v8, v39  }
0x179: {  	v35 =	vld [tilespmem:s19+$0x10];
	v28 =	vadd.f32 v27, v45;
	v8 =	vadd.f32 v41, v40;
	v5 =	vmul.f32 v30, v5  }
0x17a: {  	v7 =	vmul.f32 v32, v4;
	v36 =	vld [tilespmem:s19+$0x20];
	v30 =	vadd.f32 v9, v44;
	v9 =	vadd.f32 v46, v40  }
0x17b: {  	s23 =	simm.s32 $0x900;
	v39 =	vmul.f32 v38, v4;
	v38 =	vld [tilespmem:s19+$0x30];
	v41 =	vadd.f32 v37, v40;
	v40 =	vadd.f32 v5, v40  }
0x17c: {  	s21 =	simm.s32 $0x14;
	s23 =	sand.u32 $0x300, s23;
	v37 =	vld [tilespmem:s19+$0x40];
	v32 =	vadd.f32 v43, v8;
	v27 =	vadd.f32 v7, v9  }
.LBB2_7:
0x17d: {  	p0 =	slt.u32 s21, $0x1E;
	s22 =	sadd.s32 s23, s22;
	v4 =	vld [tilespmem:s19+$0x50];
	v5 =	vadd.f32 v39, v41;
	v7 =	vadd.f32 v42, v40;
	v8 =	vmov v29  }
0x17e: {  	v9 =	vld [tilespmem:s22+$0x0]  }
0x17f: {  	s23 =	sadd.s32 s6, s21;
	v29 =	vld [tilespmem:s22+$0x10]  }
0x180: {  	v39 =	vmov s23;
	v40 =	vld.idx.msk [tilespmem:v21+s2+$0x0], $0xffff  }
0x181: {  	v21 =	vand.u32 $0xFFFFFFFE, v39;
	v39 =	vld [tilespmem:s22+$0x20]  }
0x182: {  	v21 =	vbroadcast v21, $0x0;
	v41 =	vld [tilespmem:s22+$0x30]  }
0x183: {  	s23 =	sadd.s32 $0x1, s23;
	v43 =	vmul.f32 v34, v8;
	v35 =	vmul.f32 v35, v8;
	v42 =	vld [tilespmem:s22+$0x40]  }
0x184: {  	v34 =	vmov s23;
	v36 =	vmul.f32 v36, v8;
	v38 =	vmul.f32 v38, v8;
	v44 =	vld [tilespmem:s22+$0x50]  }
0x185: {  	v46 =	vmul.f32 v37, v8;
	v4 =	vmul.f32 v4, v8;
	v45 =	vld [tilespmem:s22+$0x60]  }
0x186: {  	s18 =	sadd.s32 $0x800, s18;
	v9 =	vmul.f32 v9, v40;
	v29 =	vmul.f32 v29, v40;
	v37 =	vld [tilespmem:s22+$0x70]  }
0x187: {  	s20 =	sadd.s32 $0x100, s20;
	s22 =	sand.u32 $0x6000, s18;
	v39 =	vmul.f32 v39, v40;
	v41 =	vmul.f32 v41, v40;
	v47 =	vld [tilespmem:s19+$0x60]  }
0x188: {  	s23 =	sand.u32 $0x380, s20;
	s22 =	sadd.s32 s22, s17;
	v9 =	vadd.f32 v9, v33;
	v31 =	vadd.f32 v29, v31;
	v42 =	vmul.f32 v42, v40;
	v48 =	vld [tilespmem:s19+$0x70]  }
0x189: {  	s19 =	sadd.s32 s23, s22;
	v30 =	vadd.f32 v39, v30;
	v29 =	vld.idx.msk [tilespmem:v34+s2+$0x0], $0xffff;
	v28 =	vadd.f32 v41, v28;
	v39 =	vmul.f32 v44, v40  }
.Ltmp2:
0x18a: {  	v33 =	vadd.f32 v43, v9;
	v31 =	vadd.f32 v35, v31;
	v34 =	vld [tilespmem:s19+$0x0];
	v41 =	vmul.f32 v45, v40;
	(pc) =	sbr.rel @p0 .LBB2_7-.Ltmp2, $4  }
0x18b: {  	v30 =	vadd.f32 v36, v30;
	v35 =	vld [tilespmem:s19+$0x10];
	v9 =	vmul.f32 v37, v40;
	v28 =	vadd.f32 v38, v28  }
0x18c: {  	v32 =	vadd.f32 v42, v32;
	v27 =	vadd.f32 v39, v27;
	v36 =	vld [tilespmem:s19+$0x20];
	v39 =	vmul.f32 v47, v8  }
0x18d: {  	s23 =	sadd.s32 $0xFFFFFF80, s20;
	v41 =	vadd.f32 v41, v5;
	v38 =	vld [tilespmem:s19+$0x30];
	v40 =	vadd.f32 v9, v7;
	v42 =	vmul.f32 v48, v8  }
0x18e: {  	s21 =	sadd.s32 $0x2, s21;
	s23 =	sand.u32 $0x300, s23;
	v32 =	vadd.f32 v46, v32;
	v27 =	vadd.f32 v4, v27;
	v37 =	vld [tilespmem:s19+$0x40]  }
0x18f: {  	_ =	sdelay $0x2  }
0x190: {  	v4 =	vld [tilespmem:s19+$0x50]  }
0x191: {  	v8 =	vld.idx.msk [tilespmem:v21+s2+$0x0], $0xffff  }
0x192: {  	v47 =	vld [tilespmem:s19+$0x60]  }
0x193: {  	v48 =	vld [tilespmem:s19+$0x70]  }
0x194: {  	v49 =	vld [tilespmem:s16+$0x100]  }
0x195: {  	v50 =	vld [tilespmem:s16+$0x180]  }
0x196: {  	v51 =	vld [tilespmem:s16+$0x200]  }
0x197: {  	v52 =	vld [tilespmem:s16+$0x280]  }
0x198: {  	v53 =	vld [tilespmem:s16+$0x300]  }
0x199: {  	v54 =	vld [tilespmem:s16+$0x110]  }
0x19a: {  	v55 =	vld [tilespmem:s16+$0x190]  }
0x19b: {  	v56 =	vld [tilespmem:s16+$0x210]  }
0x19c: {  	v39 =	vadd.f32 v39, v41;
	v41 =	vld [tilespmem:s16+$0x290]  }
0x19d: {  	s17 =	sadd.s32 s23, s22;
	v40 =	vadd.f32 v42, v40;
	v42 =	vld [tilespmem:s16+$0x310]  }
0x19e: {  	v5 =	vld [tilespmem:s17+$0x0]  }
0x19f: {  	v7 =	vld [tilespmem:s17+$0x10]  }
0x1a0: {  	v9 =	vld [tilespmem:s17+$0x20]  }
0x1a1: {  	v21 =	vld [tilespmem:s17+$0x30]  }
0x1a2: {  	v45 =	vld [tilespmem:s17+$0x60]  }
0x1a3: {  	v34 =	vmul.f32 v34, v29;
	v43 =	vld [tilespmem:s17+$0x40]  }
0x1a4: {  	v44 =	vld [tilespmem:s17+$0x50];
	v58 =	vmul.f32 v35, v29;
	v59 =	vmul.f32 v36, v29  }
0x1a5: {  	v46 =	vld [tilespmem:s17+$0x70];
	v60 =	vmul.f32 v38, v29;
	v5 =	vmul.f32 v5, v8  }
0x1a6: {  	v35 =	vld [tilespmem:s16+$0x130];
	v7 =	vmul.f32 v7, v8;
	v9 =	vmul.f32 v9, v8  }
0x1a7: {  	v63 =	vmul.f32 v45, v8;
	v45 =	vmul.f32 v37, v29;
	v37 =	vld [tilespmem:s16+$0x1B0]  }
0x1a8: {  	v21 =	vmul.f32 v21, v8;
	v61 =	vmul.f32 v43, v8;
	v43 =	vld [tilespmem:s16+$0x330];
	v5 =	vadd.f32 v5, v33  }
0x1a9: {  	v62 =	vmul.f32 v44, v8;
	v33 =	vld [tilespmem:s16+$0x120];
	v7 =	vadd.f32 v7, v31;
	v9 =	vadd.f32 v9, v30  }
0x1aa: {  	v8 =	vmul.f32 v46, v8;
	v30 =	vld [tilespmem:s16+$0x1A0];
	v21 =	vadd.f32 v21, v28;
	v32 =	vadd.f32 v61, v32  }
0x1ab: {  	v4 =	vmul.f32 v4, v29;
	v31 =	vld [tilespmem:s16+$0x2A0];
	v27 =	vadd.f32 v62, v27;
	v46 =	vadd.f32 v63, v39  }
0x1ac: {  	v47 =	vmul.f32 v47, v29;
	v28 =	vld [tilespmem:s16+$0x320];
	v8 =	vadd.f32 v8, v40;
	v5 =	vadd.f32 v34, v5  }
0x1ad: {  	v48 =	vmul.f32 v48, v29;
	v40 =	vld [tilespmem:s16+$0x230];
	v7 =	vadd.f32 v58, v7;
	v9 =	vadd.f32 v59, v9  }
0x1ae: {  	v61 =	vld [tilespmem:s16+$0x240];
	v21 =	vadd.f32 v60, v21;
	v32 =	vadd.f32 v45, v32;
	v49 =	vmul.f32 v49, v5  }
0x1af: {  	v63 =	vld [tilespmem:s16+$0x2C0];
	v4 =	vadd.f32 v4, v27;
	v50 =	vmul.f32 v50, v5;
	v51 =	vmul.f32 v51, v5  }
0x1b0: {  	v34 =	vld [tilespmem:s16+$0x220];
	v36 =	vadd.f32 v47, v46;
	v57 =	vmul.f32 v52, v5;
	v5 =	vmul.f32 v53, v5  }
0x1b1: {  	v8 =	vadd.f32 v48, v8;
	v59 =	vld [tilespmem:s16+$0x1C0];
	v60 =	vmul.f32 v54, v7;
	v62 =	vmul.f32 v56, v7  }
0x1b2: {  	v27 =	vld [tilespmem:s16+$0x2B0];
	v48 =	vmul.f32 v41, v7;
	v52 =	vmul.f32 v31, v9;
	v25 =	vadd.f32 v49, v25  }
0x1b3: {  	v58 =	vld [tilespmem:s16+$0x140];
	v26 =	vadd.f32 v50, v26;
	v5 =	vadd.f32 v5, v22;
	v22 =	vmul.f32 v55, v7  }
0x1b4: {  	v53 =	vld [tilespmem:s16+$0x250];
	v24 =	vadd.f32 v51, v24;
	v23 =	vadd.f32 v57, v23;
	v7 =	vmul.f32 v42, v7  }
0x1b5: {  	v54 =	vld [tilespmem:s16+$0x2D0];
	v25 =	vadd.f32 v60, v25;
	v22 =	vadd.f32 v22, v26;
	v26 =	vmul.f32 v33, v9  }
0x1b6: {  	v49 =	vld [tilespmem:s16+$0x340];
	v56 =	vmul.f32 v59, v32;
	v5 =	vadd.f32 v7, v5;
	v7 =	vmul.f32 v30, v9  }
0x1b7: {  	v50 =	vld [tilespmem:s16+$0x150];
	v24 =	vadd.f32 v62, v24;
	v25 =	vadd.f32 v26, v25;
	v26 =	vmul.f32 v34, v9  }
0x1b8: {  	v51 =	vld [tilespmem:s16+$0x1D0];
	v7 =	vadd.f32 v7, v22;
	v9 =	vmul.f32 v28, v9;
	v22 =	vmul.f32 v35, v21  }
0x1b9: {  	v55 =	vld [tilespmem:s16+$0x350];
	v23 =	vadd.f32 v48, v23;
	v24 =	vadd.f32 v26, v24;
	v26 =	vmul.f32 v37, v21  }
0x1ba: {  	v57 =	vld [tilespmem:s16+$0x260];
	v5 =	vadd.f32 v9, v5;
	v9 =	vadd.f32 v22, v25;
	v22 =	vmul.f32 v40, v21  }
0x1bb: {  	v60 =	vld [tilespmem:s16+$0x170];
	v7 =	vadd.f32 v26, v7;
	v26 =	vmul.f32 v27, v21;
	v21 =	vmul.f32 v43, v21  }
0x1bc: {  	v23 =	vadd.f32 v52, v23;
	v25 =	vld [tilespmem:s16+$0x160];
	v22 =	vadd.f32 v22, v24;
	v24 =	vmul.f32 v58, v32  }
0x1bd: {  	v59 =	vmul.f32 v50, v4;
	v27 =	vld [tilespmem:s16+$0x1E0];
	v5 =	vadd.f32 v21, v5;
	v21 =	vmul.f32 v61, v32  }
0x1be: {  	v58 =	vld [tilespmem:s16+$0x360];
	v23 =	vadd.f32 v26, v23;
	v9 =	vadd.f32 v24, v9;
	v24 =	vmul.f32 v63, v32  }
0x1bf: {  	v26 =	vld [tilespmem:s16+$0x2E0];
	v7 =	vadd.f32 v56, v7;
	v21 =	vadd.f32 v21, v22;
	v22 =	vmul.f32 v49, v32  }
0x1c0: {  	v61 =	vmul.f32 v53, v4;
	v63 =	vld [tilespmem:s16+$0x270];
	v23 =	vadd.f32 v24, v23;
	v24 =	vmul.f32 v51, v4  }
0x1c1: {  	v62 =	vld [tilespmem:s16+$0x1F0];
	v9 =	vadd.f32 v59, v9;
	v5 =	vadd.f32 v22, v5;
	v22 =	vmul.f32 v54, v4  }
0x1c2: {  	v7 =	vadd.f32 v24, v7;
	v21 =	vadd.f32 v61, v21;
	v4 =	vmul.f32 v55, v4;
	v24 =	vld [tilespmem:s16+$0x2F0]  }
0x1c3: {  	v22 =	vadd.f32 v22, v23;
	v23 =	vmul.f32 v25, v36;
	v25 =	vmul.f32 v27, v36;
	v27 =	vld [tilespmem:s16+$0x370]  }
0x1c4: {  	s15 =	sadd.s32 $0x1, s15;
	v26 =	vmul.f32 v26, v36;
	v4 =	vadd.f32 v4, v5;
	v5 =	vmul.f32 v57, v36  }
0x1c5: {  	p0 =	sne.s32 s15, $0x8;
	v28 =	vmul.f32 v63, v8;
	v9 =	vadd.f32 v23, v9;
	v23 =	vmul.f32 v58, v36  }
.Ltmp3:
0x1c6: {  	v5 =	vadd.f32 v5, v21;
	v21 =	vadd.f32 v26, v22;
	v22 =	vmul.f32 v60, v8;
	(pc) =	sbr.rel @p0 .LBB2_6-.Ltmp3, $4  }
0x1c7: {  	v7 =	vadd.f32 v25, v7;
	v4 =	vadd.f32 v23, v4;
	v23 =	vmul.f32 v62, v8  }
0x1c8: {  	v25 =	vadd.f32 v22, v9;
	v9 =	vmul.f32 v24, v8;
	v8 =	vmul.f32 v27, v8  }
0x1c9: {  	v24 =	vadd.f32 v28, v5;
	v26 =	vadd.f32 v23, v7  }
0x1ca: {  	v23 =	vadd.f32 v9, v21;
	v22 =	vadd.f32 v8, v4  }
0x1cb: {  	(xrf2) =	vadd.scan.msk.f32 $0xffff, v25;
	_ =	sdelay $0x1  }
0x1cc: {  	(xrf2) =	vadd.scan.msk.f32 $0xffff, v26  }
0x1cd: {  	(xrf2) =	vadd.scan.msk.f32 $0xffff, v24;
	_ =	sdelay $0x3  }
0x1ce: {  	(xrf2) =	vadd.scan.msk.f32 $0xffff, v23;
	_ =	sdelay $0x1  }
0x1cf: {  	(xrf2) =	vadd.scan.msk.f32 $0xffff, v22  }
0x1d0: {  	v4, _, _ =	vpop (xrf2)  }
0x1d1: {  	v4 =	vbroadcast v4, $0xF  }
0x1d2: {  	vm0 =	vmmov $0x1;
	v5, _, _ =	vpop (xrf2)  }
0x1d3: {  	v5 =	vbroadcast v5, $0xF;
	v7, _, _ =	vpop (xrf2);
	v4 =	vnsel vm0, $0x0, v4  }
0x1d4: {  	vm12 =	vcmask $0x704;
	v7 =	vbroadcast v7, $0xF;
	v4 =	vadd.f32 $0.0e+00, v4  }
0x1d5: {  	vm13 =	vcmask $0xB08;
	v5 =	vnsel vm12, $0x0, v5  }
0x1d6: {  	v4 =	vadd.f32 v5, v4;
	v5 =	vnsel vm13, $0x0, v7  }
0x1d7: {  	v8, _, _ =	vpop (xrf2)  }
0x1d8: {  	v7 =	vbroadcast v8, $0xF  }
0x1d9: {  	vm14 =	vcmask $0xF0C;
	v4 =	vadd.f32 v5, v4;
	v5, _, _ =	vpop (xrf2)  }
0x1da: {  	v7 =	vnsel vm14, $0x0, v7;
	v5 =	vbroadcast v5, $0xF  }
0x1db: {  	vm15 =	vcmask $0x1310;
	v4 =	vadd.f32 v7, v4  }
0x1dc: {  	v5 =	vnsel vm15, $0x0, v5  }
0x1dd: {  	s14 =	sadd.s32 $0x1, s14;
	v4 =	vadd.f32 v5, v4  }
0x1de: {  	p0 =	sne.s32 s14, s11  }
.Ltmp4:
0x1df: {  	[tilespmem:$0xA100] =	vst v4;
	(pc) =	sbr.rel @p0 .LBB2_1-.Ltmp4, $4  }
0x1e0: {  	[hbm4b:s10+s4] =	stream.linear.scatter [tilespmem:s12], [sflag:$0x4], $0x80, $0x38;
	[tilespmem:$0xA180] =	vst v63  }
0x1e1: {  	_ =	swait.ge [sflag:s13], $0x80  }
0x1e2: {  	[sflag:s13] =	ssyncset.done $0x0  }
0x1e3: {  	[sflag:s13] =	ssyncadd.s32 $0xFFFFFF80  }
0x1e4: {  	_ =	sfence.sel $0x180000  }
0x1e5: {  	[bflag:$0x0] =	sbarrier.arrive $0xFFFF  }
0x1e6: {  	_ =	strace $0x90000047  }
0x1e7: {  	s0 =	stileid.u32;
	[bflag:$0x2] =	sbarrier.arrive $0xFFFF  }
0x1e8: {  	p0 =	sne.s32 s0, $0x0;
	s0 =	rddreg [dreg:$0x3]  }
0x1e9: {  	s0 =	sadd.s32 @!p0 $0x100000, s0  }
0x1ea: {  	[sflag:s0] =	ssyncadd.tile.s32 @!p0 $0x1;
	_ =	shalt  }
.Lfunc_end2:
_tile_overlayer_lowered:
.L_overlay_start_2:
0x1eb: {  	(tag) =	ssettag $0x2  }
0x1ec: {  	s0 =	rddreg [dreg:$0x0];
	s2 =	stileid.u32  }
0x1ed: {  	s1 =	rddreg [dreg:$0x1];
	p0 =	sne.s32 s2, $0x0  }
0x1ee: {  	s3 =	rddreg [dreg:$0x2];
	[bflag:$0x3] =	sbarrier.arrive $0xFFFF;
	s2 =	simm.s32 @!p0 $0x1C04  }
0x1ef: {  	[timem:s3], [sflag:s2] =	dma.local @!p0 [hbm:s0], s1  }
0x1f0: {  	s0 =	simm.s32 @!p0 $0x4  }
0x1f1: {  	_ =	swait.ge @!p0 [sflag:s0], s1  }
0x1f2: {  	s1 =	ssub.s32 @!p0 $0x0, s1;
	[sflag:s0] =	ssyncset.done @!p0 $0x0  }
0x1f3: {  	[sflag:s0] =	ssyncadd.s32 @!p0 s1  }
0x1f4: {  	[bflag:$0x3] =	sbarrier.arrive $0xFFFF  }
0x1f5: {  	_ =	shalt  }

</sc_bundles>
